<compile_context>
chip_gen: v7x
topology: tpu7x:2x2x1
jax: 0.10.2.dev20260603
libtpu: 0.0.44.dev20260713+nightly
codegen_flags: <defaults>
</compile_context>

<pallas_src>
import functools

import jax
import jax.numpy as jnp
import numpy as np
from jax import lax
from jax.experimental import pallas as pl
from jax.experimental.pallas import tpu as pltpu
from jax.experimental.pallas import tpu_sc as plsc

NA = 3
NUM_CLASSES = 80
NO = 86
TOPK = 100
H = W_GRID = 64
P = H * W_GRID
K_DIM = 192


NCH = 264


def _decode_kernel(xt_ref, w_ref, b_ref, anc_ref, score_ref, cls_ref,
                   cx_ref, cy_ref, bw_ref, bh_ref):
    xt = xt_ref[0]
    w = w_ref[...]
    raw = jnp.dot(w, xt, preferred_element_type=jnp.float32) + b_ref[...]
    lane = jax.lax.broadcasted_iota(jnp.int32, (1, P), 1)
    gx = (lane % W_GRID).astype(jnp.float32)
    gy = (lane // W_GRID).astype(jnp.float32)
    box = raw[240:264, :]
    sg = jax.nn.sigmoid(box)
    sp = jax.nn.softplus(box)
    for a in range(NA):
        cls_logits = raw[80 * a:80 * a + 80, :]
        sb = sg[16 + a:17 + a, :] * sg[20 + a:21 + a, :]
        prod = sb * jax.nn.sigmoid(cls_logits)
        mx = jnp.max(prod, axis=0, keepdims=True)
        sidx = jax.lax.broadcasted_iota(jnp.int32, (80, P), 0)
        cand = jnp.where(prod == mx, sidx, 127)
        bcls = jnp.min(cand, axis=0, keepdims=True).astype(jnp.float32)
        cx = (sg[a:a + 1, :] + gx) * (1.0 / W_GRID)
        cy = (sg[4 + a:5 + a, :] + gy) * (1.0 / H)
        bw = anc_ref[a, 0] * sp[8 + a:9 + a, :]
        bh = anc_ref[a, 1] * sp[12 + a:13 + a, :]
        rows = pl.ds(32 * a, 32)
        score_ref[0, rows, :] = mx.reshape(32, 128)
        cls_ref[0, rows, :] = bcls.reshape(32, 128)
        cx_ref[0, rows, :] = cx.reshape(32, 128)
        cy_ref[0, rows, :] = cy.reshape(32, 128)
        bw_ref[0, rows, :] = bw.reshape(32, 128)
        bh_ref[0, rows, :] = bh.reshape(32, 128)


def _decode(xt, w2, b2, anchors):
    b = xt.shape[0]
    flat = jax.ShapeDtypeStruct((b, NA * P // 128, 128), jnp.float32)
    out_shapes = tuple(flat for _ in range(6))
    out_spec = pl.BlockSpec((1, NA * P // 128, 128), lambda i: (i, 0, 0))
    return pl.pallas_call(
        _decode_kernel,
        grid=(b,),
        in_specs=[
            pl.BlockSpec((1, K_DIM, P), lambda i: (i, 0, 0)),
            pl.BlockSpec((NCH, K_DIM), lambda i: (0, 0)),
            pl.BlockSpec((NCH, 1), lambda i: (0, 0)),
            pl.BlockSpec((NA, 2), lambda i: (0, 0)),
        ],
        out_specs=tuple(out_spec for _ in range(6)),
        out_shape=out_shapes,
    )(xt, w2, b2, anchors)


def _permute_head(W, b_conv):
    wr = W.reshape(NA * NO, K_DIM)
    cls_rows = np.array(
        [a * NO + 6 + j for a in range(NA) for j in range(NUM_CLASSES)],
        dtype=np.int32)
    w_cls = wr[cls_rows]
    b_cls = b_conv[cls_rows]
    box_rows = np.zeros((24,), dtype=np.int32)
    box_valid = np.zeros((24,), dtype=np.float32)
    for f in range(6):
        for a in range(NA):
            box_rows[f * 4 + a] = a * NO + f
            box_valid[f * 4 + a] = 1.0
    w_box = wr[box_rows] * box_valid[:, None]
    b_box = b_conv[box_rows] * box_valid
    w2 = jnp.concatenate([w_cls, w_box], axis=0)
    b2 = jnp.concatenate([b_cls, b_box], axis=0).reshape(NCH, 1)
    return w2, b2


N = NA * P
NV = N // 16
NSEL = 112
NB = 16


def _select_kernel(score_hbm, cls_hbm, cx_hbm, cy_hbm, bw_hbm, bh_hbm,
                   out_hbm, s_v, a0, a1, a2, a3, a4, hist,
                   selk, seli, sortk, sorti, out_v):
    wid = lax.axis_index("s") * 2 + lax.axis_index("c")

    @pl.when(wid < NB)
    def _():
        b = wid
        pltpu.sync_copy(score_hbm.at[b], s_v)
        pltpu.sync_copy(cls_hbm.at[b], a0)
        pltpu.sync_copy(cx_hbm.at[b], a1)
        pltpu.sync_copy(cy_hbm.at[b], a2)
        pltpu.sync_copy(bw_hbm.at[b], a3)
        pltpu.sync_copy(bh_hbm.at[b], a4)

        def vload(ref, i):
            return ref[i >> 3, pl.ds((i & 7) * 16, 16)]

        lanes = lax.iota(jnp.int32, 16)
        ones = jnp.ones((16,), jnp.int32)
        zeros = jnp.zeros((16,), jnp.int32)

        def radix_level(shift, bmask, pshift, prefix, nb, need):
            for j in range(nb // 16):
                hist[pl.ds(16 * j, 16)] = zeros

            def hbody(i, carry):
                kv = plsc.bitcast(vload(s_v, i), jnp.int32)
                bucket = (kv >> shift) & bmask
                if pshift is None:
                    plsc.addupdate_scatter(hist, [bucket], ones)
                else:
                    match = (kv >> pshift) == prefix
                    plsc.addupdate_scatter(hist, [bucket], ones, mask=match)
                return carry

            lax.fori_loop(0, NV, hbody, jnp.int32(0))

            def sbody(jc, carry):
                acc, bsel, above_sel = carry
                base = nb - 16 * (jc + 1)
                v = hist[pl.ds(base, 16)]
                rv = jnp.flip(v, 0)
                above = acc + plsc.cumsum(rv) - rv
                m = (above < need) & ((above + rv) >= need)
                bucketnum = base + (15 - lanes)
                bsel = jnp.maximum(bsel, jnp.max(jnp.where(m, bucketnum, -1)))
                above_sel = jnp.maximum(
                    above_sel, jnp.max(jnp.where(m, above, -1)))
                return acc + jnp.sum(v), bsel, above_sel

            _, bsel, above = lax.fori_loop(
                0, nb // 16, sbody,
                (jnp.int32(0), jnp.int32(-1), jnp.int32(-1)))
            return bsel, above

        need0 = jnp.int32(TOPK)
        b0, ab0 = radix_level(23, 0x1FF, None, None, 512, need0)
        need1 = need0 - ab0
        b1, ab1 = radix_level(14, 0x1FF, 23, b0, 512, need1)
        pre2 = (b0 << 9) | b1
        need2 = need1 - ab1
        b2, ab2 = radix_level(5, 0x1FF, 14, pre2, 512, need2)
        pre3 = (pre2 << 9) | b2
        need3 = need2 - ab2
        b3, ab3 = radix_level(0, 0x1F, 5, pre3, 32, need3)
        tkey = (pre3 << 5) | b3
        need_eq = need3 - ab3

        big = jnp.full((16,), 2**30, jnp.int32)
        for v in range(NSEL // 16):
            selk[pl.ds(16 * v, 16)] = jnp.full((16,), -1, jnp.int32)
            seli[pl.ds(16 * v, 16)] = big

        def cbody(i, carry):
            c, c1 = carry
            kv = plsc.bitcast(vload(s_v, i), jnp.int32)
            ivec = lanes + i * 16
            m2 = kv > tkey
            m1 = kv == tkey
            incl1 = plsc.cumsum(m1.astype(jnp.int32))
            keepeq = m1 & ((c1 + incl1 - 1) < need_eq)
            keep = m2 | keepeq
            inclk = plsc.cumsum(keep.astype(jnp.int32))
            pos = c + inclk - 1
            plsc.store_scatter(selk, [pos], kv, mask=keep)
            plsc.store_scatter(seli, [pos], ivec, mask=keep)
            return (c + jnp.sum(keep.astype(jnp.int32)),
                    c1 + jnp.sum(m1.astype(jnp.int32)))

        lax.fori_loop(0, NV, cbody, (jnp.int32(0), jnp.int32(0)))

        def rbody(r, carry):
            bestk = jnp.full((16,), -1, jnp.int32)
            besti = big
            for v in range(NSEL // 16):
                kvv = selk[pl.ds(16 * v, 16)]
                ivv = seli[pl.ds(16 * v, 16)]
                better = (kvv > bestk) | ((kvv == bestk) & (ivv < besti))
                bestk = jnp.where(better, kvv, bestk)
                besti = jnp.where(better, ivv, besti)
            bk = jnp.max(bestk)
            bi = jnp.min(jnp.where(bestk == bk, besti, big))
            rvec = jnp.full((16,), r, jnp.int32)
            lane0 = lanes == 0
            plsc.store_scatter(sortk, [rvec], jnp.full((16,), bk, jnp.int32),
                               mask=lane0)
            plsc.store_scatter(sorti, [rvec], jnp.full((16,), bi, jnp.int32),
                               mask=lane0)
            for v in range(NSEL // 16):
                kvv = selk[pl.ds(16 * v, 16)]
                ivv = seli[pl.ds(16 * v, 16)]
                m = (kvv == bk) & (ivv == bi)
                selk[pl.ds(16 * v, 16)] = jnp.where(m, -1, kvv)
            return carry

        lax.fori_loop(0, TOPK, rbody, jnp.int32(0))

        for v in range(NSEL // 16):
            kvv = sortk[pl.ds(16 * v, 16)]
            ivv = sorti[pl.ds(16 * v, 16)]
            valid = (lanes + 16 * v) < TOPK
            idx = jnp.where(valid, ivv, 0)
            ir = idx >> 7
            ic = idx & 127
            out_v[0, pl.ds(16 * v, 16)] = plsc.bitcast(kvv, jnp.float32)
            out_v[1, pl.ds(16 * v, 16)] = plsc.load_gather(a0, [ir, ic])
            out_v[2, pl.ds(16 * v, 16)] = plsc.load_gather(a1, [ir, ic])
            out_v[3, pl.ds(16 * v, 16)] = plsc.load_gather(a2, [ir, ic])
            out_v[4, pl.ds(16 * v, 16)] = plsc.load_gather(a3, [ir, ic])
            out_v[5, pl.ds(16 * v, 16)] = plsc.load_gather(a4, [ir, ic])
        pltpu.sync_copy(out_v, out_hbm.at[b])


def _sc_select(score, cls_, cx, cy, bw, bh):
    mesh = plsc.VectorSubcoreMesh(
        core_axis_name="c", subcore_axis_name="s",
        num_cores=2, num_subcores=16)
    f = pl.kernel(
        _select_kernel,
        out_type=jax.ShapeDtypeStruct((NB, 6, NSEL), jnp.float32),
        mesh=mesh,
        compiler_params=pltpu.CompilerParams(needs_layout_passes=False),
        scratch_types=[
            pltpu.VMEM((N // 128, 128), jnp.float32),
            pltpu.VMEM((N // 128, 128), jnp.float32),
            pltpu.VMEM((N // 128, 128), jnp.float32),
            pltpu.VMEM((N // 128, 128), jnp.float32),
            pltpu.VMEM((N // 128, 128), jnp.float32),
            pltpu.VMEM((N // 128, 128), jnp.float32),
            pltpu.VMEM((512,), jnp.int32),
            pltpu.VMEM((NSEL,), jnp.int32),
            pltpu.VMEM((NSEL,), jnp.int32),
            pltpu.VMEM((NSEL,), jnp.int32),
            pltpu.VMEM((NSEL,), jnp.int32),
            pltpu.VMEM((6, NSEL), jnp.float32),
        ],
    )
    return f(score, cls_, cx, cy, bw, bh)


def kernel(x, W, b_conv, anchors):
    b = x.shape[0]
    xt = x.reshape(b, 3, H, 8, W_GRID, 8).transpose(0, 1, 3, 5, 2, 4)
    xt = xt.reshape(b, K_DIM, P)
    w2, b2 = _permute_head(W, b_conv)
    score, cls, cx, cy, bw, bh = _decode(xt, w2, b2, anchors)
    det6 = _sc_select(score, cls, cx, cy, bw, bh)
    return det6[:, :, :TOPK].transpose(0, 2, 1)

# --- scband reference (transcript-rebuilt; emitter-appended) ---
"""Pipeline reference for scband-ultra-tiny-odwith-post-27058293965494 (READ-ONLY COPY).

The authoritative reference and input builder live on the scoring server;
editing this copy changes nothing except your own understanding.
"""

import jax, jax.numpy as jnp
import numpy as np

NA = 3
NUM_CLASSES = 80
NO = 5 + 1 + NUM_CLASSES  # tx,ty,tw,th,obj + quality + classes = 86
TOPK = 100
CONF_THRESH = 0.0
QUALITY_POWER = 1.0


def setup_inputs(seed: int = 0) -> dict:
    key = jax.random.key(seed)
    k1, k2, k3 = jax.random.split(key, 3)
    x = jax.random.normal(k1, (16, 3, 512, 512), dtype=jnp.float32)
    # stub UltraTinyOD backbone+head: single stride-8 conv producing raw head map [B, na*no, 64, 64]
    W = jax.random.normal(k2, (NA * NO, 3, 8, 8), dtype=jnp.float32) * 0.05
    b_conv = jnp.zeros((NA * NO,), dtype=jnp.float32)
    anchors = jnp.array([[0.10, 0.13], [0.30, 0.35], [0.62, 0.70]], dtype=jnp.float32)
    return {"x": x, "W": W, "b_conv": b_conv, "anchors": anchors}


def reference(x, W, b_conv, anchors):
    # model forward (decode=False): raw head output
    raw = jax.lax.conv_general_dilated(
        x, W, window_strides=(8, 8), padding='VALID',
        dimension_numbers=('NCHW', 'OIHW', 'NCHW')) + b_conv[None, :, None, None]
    b, _, h, w = raw.shape
    pred = raw.reshape(b, NA, NO, h, w).transpose(0, 1, 3, 4, 2)  # [b, na, h, w, no]
    tx = pred[..., 0]
    ty = pred[..., 1]
    tw = pred[..., 2]
    th = pred[..., 3]
    obj = jax.nn.sigmoid(pred[..., 4])
    quality = jax.nn.sigmoid(pred[..., 5])  # has_quality=True
    cls_scores = jax.nn.sigmoid(pred[..., 6:])
    quality_use = quality  # quality_power == 1.0
    # score_mode 'obj_quality_cls'
    score_base = obj * quality_use
    gy, gx = jnp.meshgrid(jnp.arange(h), jnp.arange(w), indexing='ij')
    gx = gx.reshape(1, 1, h, w).astype(jnp.float32)
    gy = gy.reshape(1, 1, h, w).astype(jnp.float32)
    pw = anchors[:, 0].reshape(1, NA, 1, 1)
    ph = anchors[:, 1].reshape(1, NA, 1, 1)
    cx = (jax.nn.sigmoid(tx) + gx) / float(w)
    cy = (jax.nn.sigmoid(ty) + gy) / float(h)
    bw = pw * jax.nn.softplus(tw)
    bh = ph * jax.nn.softplus(th)
    scores = score_base[..., None] * cls_scores  # [b, na, h, w, nc]
    # conf_thresh == 0.0 -> no masking branch
    best_scores = jnp.max(scores, axis=-1)
    best_cls = jnp.argmax(scores, axis=-1)
    best_scores_flat = best_scores.reshape(b, -1)
    best_cls_flat = best_cls.reshape(b, -1)
    cx_flat = cx_broadcast(cx, b, NA, h, w)
    cy_flat = cx_broadcast(cy, b, NA, h, w)
    bw_flat = cx_broadcast(bw, b, NA, h, w)
    bh_flat = cx_broadcast(bh, b, NA, h, w)
    k = min(TOPK, best_scores_flat.shape[1])
    top_scores, top_idx = jax.lax.top_k(best_scores_flat, k)
    top_cls = jnp.take_along_axis(best_cls_flat, top_idx, axis=1)
    top_cx = jnp.take_along_axis(cx_flat, top_idx, axis=1)
    top_cy = jnp.take_along_axis(cy_flat, top_idx, axis=1)
    top_bw = jnp.take_along_axis(bw_flat, top_idx, axis=1)
    top_bh = jnp.take_along_axis(bh_flat, top_idx, axis=1)
    detections = jnp.stack(
        [top_scores, top_cls.astype(jnp.float32), top_cx, top_cy, top_bw, top_bh], axis=-1)
    return detections


def cx_broadcast(t, b, na, h, w):
    return jnp.broadcast_to(t, (b, na, h, w)).reshape(b, -1)

if __name__ == "__main__":
    import jax
    _d = setup_inputs()
    print(jax.jit(kernel)(*tuple(_d.values())))

</pallas_src>

<mosaic_0001>
#map = affine_map<(d0, d1) -> (0, 0, 0)>
module attributes {stable_mosaic.version = 14 : i64} {
  func.func @_select_kernel(%arg0: i32, %arg1: i32, %arg2: memref<16x96x128xf32, #tpu.memory_space<hbm>>, %arg3: memref<16x96x128xf32, #tpu.memory_space<hbm>>, %arg4: memref<16x96x128xf32, #tpu.memory_space<hbm>>, %arg5: memref<16x96x128xf32, #tpu.memory_space<hbm>>, %arg6: memref<16x96x128xf32, #tpu.memory_space<hbm>>, %arg7: memref<16x96x128xf32, #tpu.memory_space<hbm>>, %arg8: memref<16x6x112xf32, #tpu.memory_space<hbm>>, %arg9: memref<96x128xf32, #tpu.memory_space<vmem>>, %arg10: memref<96x128xf32, #tpu.memory_space<vmem>>, %arg11: memref<96x128xf32, #tpu.memory_space<vmem>>, %arg12: memref<96x128xf32, #tpu.memory_space<vmem>>, %arg13: memref<96x128xf32, #tpu.memory_space<vmem>>, %arg14: memref<96x128xf32, #tpu.memory_space<vmem>>, %arg15: memref<512xi32, #tpu.memory_space<vmem>>, %arg16: memref<112xi32, #tpu.memory_space<vmem>>, %arg17: memref<112xi32, #tpu.memory_space<vmem>>, %arg18: memref<112xi32, #tpu.memory_space<vmem>>, %arg19: memref<112xi32, #tpu.memory_space<vmem>>, %arg20: memref<6x112xf32, #tpu.memory_space<vmem>>) attributes {dimension_semantics = [#tpu.dimension_semantics<core_parallel>, #tpu.dimension_semantics<subcore_parallel>], iteration_bounds = array<i64: 2, 16>, scalar_prefetch = 0 : i64, scratch_operands = 12 : i64, tpu.core_type = #tpu.core_type<sc_vector_subcore>, window_params = [{transform_indices = #map}, {transform_indices = #map}, {transform_indices = #map}, {transform_indices = #map}, {transform_indices = #map}, {transform_indices = #map}, {transform_indices = #map}]} {
    %mul3A = arith.constant 2 : i32
    %mul3A_0 = arith.muli %arg1, %mul3A : i32
    %add3A = arith.addi %mul3A_0, %arg0 : i32
    %lt3A = arith.constant 16 : i32
    %lt3A_1 = arith.cmpi slt, %add3A, %lt3A : i32
    %convert_element_type3A = arith.extui %lt3A_1 : i1 to i32
    %cond3A = arith.constant 0 : i32
    %cond3A_2 = arith.cmpi ne, %convert_element_type3A, %cond3A : i32
    scf.if %cond3A_2 {
      "tpu.region"() ({
        %run_scoped3A = tpu.sem_alloc : memref<!tpu.dma_semaphore, #tpu.memory_space<semaphore_mem>>
        %dma_start3A = arith.constant 0 : i32
        %dma_start3A_666 = arith.constant 0 : i32
        %dma_start3A_667 = tpu.memref_slice %arg2[%add3A, %dma_start3A, %dma_start3A_666] : memref<16x96x128xf32, #tpu.memory_space<hbm>> -> memref<1x96x128xf32, #tpu.memory_space<hbm>>
        %dma_start3A_668 = tpu.memref_squeeze %dma_start3A_667 : memref<1x96x128xf32, #tpu.memory_space<hbm>> -> memref<96x128xf32, #tpu.memory_space<hbm>>
        %dma_start3A_669 = arith.constant 0 : i32
        %dma_start3A_670 = arith.constant 0 : i32
        %dma_start3A_671 = tpu.memref_slice %arg2[%add3A, %dma_start3A_669, %dma_start3A_670] : memref<16x96x128xf32, #tpu.memory_space<hbm>> -> memref<1x96x128xf32, #tpu.memory_space<hbm>>
        %dma_start3A_672 = tpu.memref_squeeze %dma_start3A_671 : memref<1x96x128xf32, #tpu.memory_space<hbm>> -> memref<96x128xf32, #tpu.memory_space<hbm>>
        tpu.enqueue_dma source(%dma_start3A_672 : memref<96x128xf32, #tpu.memory_space<hbm>>) target(%arg9 : memref<96x128xf32, #tpu.memory_space<vmem>>) target_semaphore(%run_scoped3A : memref<!tpu.dma_semaphore, #tpu.memory_space<semaphore_mem>>)
        %dma_wait3A = arith.constant 0 : i32
        %dma_wait3A_673 = arith.constant 0 : i32
        %dma_wait3A_674 = tpu.memref_slice %arg2[%add3A, %dma_wait3A, %dma_wait3A_673] : memref<16x96x128xf32, #tpu.memory_space<hbm>> -> memref<1x96x128xf32, #tpu.memory_space<hbm>>
        %dma_wait3A_675 = tpu.memref_squeeze %dma_wait3A_674 : memref<1x96x128xf32, #tpu.memory_space<hbm>> -> memref<96x128xf32, #tpu.memory_space<hbm>>
        %dma_wait3A_676 = arith.constant 0 : i32
        %dma_wait3A_677 = arith.constant 0 : i32
        %dma_wait3A_678 = tpu.memref_slice %arg2[%add3A, %dma_wait3A_676, %dma_wait3A_677] : memref<16x96x128xf32, #tpu.memory_space<hbm>> -> memref<1x96x128xf32, #tpu.memory_space<hbm>>
        %dma_wait3A_679 = tpu.memref_squeeze %dma_wait3A_678 : memref<1x96x128xf32, #tpu.memory_space<hbm>> -> memref<96x128xf32, #tpu.memory_space<hbm>>
        tpu.wait_dma2 semaphore(%run_scoped3A : memref<!tpu.dma_semaphore, #tpu.memory_space<semaphore_mem>>) src(%dma_wait3A_679 : memref<96x128xf32, #tpu.memory_space<hbm>>) dst(%arg9 : memref<96x128xf32, #tpu.memory_space<vmem>>)
        tpu.yield
      }) : () -> ()
      "tpu.region"() ({
        %run_scoped3A = tpu.sem_alloc : memref<!tpu.dma_semaphore, #tpu.memory_space<semaphore_mem>>
        %dma_start3A = arith.constant 0 : i32
        %dma_start3A_666 = arith.constant 0 : i32
        %dma_start3A_667 = tpu.memref_slice %arg3[%add3A, %dma_start3A, %dma_start3A_666] : memref<16x96x128xf32, #tpu.memory_space<hbm>> -> memref<1x96x128xf32, #tpu.memory_space<hbm>>
        %dma_start3A_668 = tpu.memref_squeeze %dma_start3A_667 : memref<1x96x128xf32, #tpu.memory_space<hbm>> -> memref<96x128xf32, #tpu.memory_space<hbm>>
        %dma_start3A_669 = arith.constant 0 : i32
        %dma_start3A_670 = arith.constant 0 : i32
        %dma_start3A_671 = tpu.memref_slice %arg3[%add3A, %dma_start3A_669, %dma_start3A_670] : memref<16x96x128xf32, #tpu.memory_space<hbm>> -> memref<1x96x128xf32, #tpu.memory_space<hbm>>
        %dma_start3A_672 = tpu.memref_squeeze %dma_start3A_671 : memref<1x96x128xf32, #tpu.memory_space<hbm>> -> memref<96x128xf32, #tpu.memory_space<hbm>>
        tpu.enqueue_dma source(%dma_start3A_672 : memref<96x128xf32, #tpu.memory_space<hbm>>) target(%arg10 : memref<96x128xf32, #tpu.memory_space<vmem>>) target_semaphore(%run_scoped3A : memref<!tpu.dma_semaphore, #tpu.memory_space<semaphore_mem>>)
        %dma_wait3A = arith.constant 0 : i32
        %dma_wait3A_673 = arith.constant 0 : i32
        %dma_wait3A_674 = tpu.memref_slice %arg3[%add3A, %dma_wait3A, %dma_wait3A_673] : memref<16x96x128xf32, #tpu.memory_space<hbm>> -> memref<1x96x128xf32, #tpu.memory_space<hbm>>
        %dma_wait3A_675 = tpu.memref_squeeze %dma_wait3A_674 : memref<1x96x128xf32, #tpu.memory_space<hbm>> -> memref<96x128xf32, #tpu.memory_space<hbm>>
        %dma_wait3A_676 = arith.constant 0 : i32
        %dma_wait3A_677 = arith.constant 0 : i32
        %dma_wait3A_678 = tpu.memref_slice %arg3[%add3A, %dma_wait3A_676, %dma_wait3A_677] : memref<16x96x128xf32, #tpu.memory_space<hbm>> -> memref<1x96x128xf32, #tpu.memory_space<hbm>>
        %dma_wait3A_679 = tpu.memref_squeeze %dma_wait3A_678 : memref<1x96x128xf32, #tpu.memory_space<hbm>> -> memref<96x128xf32, #tpu.memory_space<hbm>>
        tpu.wait_dma2 semaphore(%run_scoped3A : memref<!tpu.dma_semaphore, #tpu.memory_space<semaphore_mem>>) src(%dma_wait3A_679 : memref<96x128xf32, #tpu.memory_space<hbm>>) dst(%arg10 : memref<96x128xf32, #tpu.memory_space<vmem>>)
        tpu.yield
      }) : () -> ()
      "tpu.region"() ({
        %run_scoped3A = tpu.sem_alloc : memref<!tpu.dma_semaphore, #tpu.memory_space<semaphore_mem>>
        %dma_start3A = arith.constant 0 : i32
        %dma_start3A_666 = arith.constant 0 : i32
        %dma_start3A_667 = tpu.memref_slice %arg4[%add3A, %dma_start3A, %dma_start3A_666] : memref<16x96x128xf32, #tpu.memory_space<hbm>> -> memref<1x96x128xf32, #tpu.memory_space<hbm>>
        %dma_start3A_668 = tpu.memref_squeeze %dma_start3A_667 : memref<1x96x128xf32, #tpu.memory_space<hbm>> -> memref<96x128xf32, #tpu.memory_space<hbm>>
        %dma_start3A_669 = arith.constant 0 : i32
        %dma_start3A_670 = arith.constant 0 : i32
        %dma_start3A_671 = tpu.memref_slice %arg4[%add3A, %dma_start3A_669, %dma_start3A_670] : memref<16x96x128xf32, #tpu.memory_space<hbm>> -> memref<1x96x128xf32, #tpu.memory_space<hbm>>
        %dma_start3A_672 = tpu.memref_squeeze %dma_start3A_671 : memref<1x96x128xf32, #tpu.memory_space<hbm>> -> memref<96x128xf32, #tpu.memory_space<hbm>>
        tpu.enqueue_dma source(%dma_start3A_672 : memref<96x128xf32, #tpu.memory_space<hbm>>) target(%arg11 : memref<96x128xf32, #tpu.memory_space<vmem>>) target_semaphore(%run_scoped3A : memref<!tpu.dma_semaphore, #tpu.memory_space<semaphore_mem>>)
        %dma_wait3A = arith.constant 0 : i32
        %dma_wait3A_673 = arith.constant 0 : i32
        %dma_wait3A_674 = tpu.memref_slice %arg4[%add3A, %dma_wait3A, %dma_wait3A_673] : memref<16x96x128xf32, #tpu.memory_space<hbm>> -> memref<1x96x128xf32, #tpu.memory_space<hbm>>
        %dma_wait3A_675 = tpu.memref_squeeze %dma_wait3A_674 : memref<1x96x128xf32, #tpu.memory_space<hbm>> -> memref<96x128xf32, #tpu.memory_space<hbm>>
        %dma_wait3A_676 = arith.constant 0 : i32
        %dma_wait3A_677 = arith.constant 0 : i32
        %dma_wait3A_678 = tpu.memref_slice %arg4[%add3A, %dma_wait3A_676, %dma_wait3A_677] : memref<16x96x128xf32, #tpu.memory_space<hbm>> -> memref<1x96x128xf32, #tpu.memory_space<hbm>>
        %dma_wait3A_679 = tpu.memref_squeeze %dma_wait3A_678 : memref<1x96x128xf32, #tpu.memory_space<hbm>> -> memref<96x128xf32, #tpu.memory_space<hbm>>
        tpu.wait_dma2 semaphore(%run_scoped3A : memref<!tpu.dma_semaphore, #tpu.memory_space<semaphore_mem>>) src(%dma_wait3A_679 : memref<96x128xf32, #tpu.memory_space<hbm>>) dst(%arg11 : memref<96x128xf32, #tpu.memory_space<vmem>>)
        tpu.yield
      }) : () -> ()
      "tpu.region"() ({
        %run_scoped3A = tpu.sem_alloc : memref<!tpu.dma_semaphore, #tpu.memory_space<semaphore_mem>>
        %dma_start3A = arith.constant 0 : i32
        %dma_start3A_666 = arith.constant 0 : i32
        %dma_start3A_667 = tpu.memref_slice %arg5[%add3A, %dma_start3A, %dma_start3A_666] : memref<16x96x128xf32, #tpu.memory_space<hbm>> -> memref<1x96x128xf32, #tpu.memory_space<hbm>>
        %dma_start3A_668 = tpu.memref_squeeze %dma_start3A_667 : memref<1x96x128xf32, #tpu.memory_space<hbm>> -> memref<96x128xf32, #tpu.memory_space<hbm>>
        %dma_start3A_669 = arith.constant 0 : i32
        %dma_start3A_670 = arith.constant 0 : i32
        %dma_start3A_671 = tpu.memref_slice %arg5[%add3A, %dma_start3A_669, %dma_start3A_670] : memref<16x96x128xf32, #tpu.memory_space<hbm>> -> memref<1x96x128xf32, #tpu.memory_space<hbm>>
        %dma_start3A_672 = tpu.memref_squeeze %dma_start3A_671 : memref<1x96x128xf32, #tpu.memory_space<hbm>> -> memref<96x128xf32, #tpu.memory_space<hbm>>
        tpu.enqueue_dma source(%dma_start3A_672 : memref<96x128xf32, #tpu.memory_space<hbm>>) target(%arg12 : memref<96x128xf32, #tpu.memory_space<vmem>>) target_semaphore(%run_scoped3A : memref<!tpu.dma_semaphore, #tpu.memory_space<semaphore_mem>>)
        %dma_wait3A = arith.constant 0 : i32
        %dma_wait3A_673 = arith.constant 0 : i32
        %dma_wait3A_674 = tpu.memref_slice %arg5[%add3A, %dma_wait3A, %dma_wait3A_673] : memref<16x96x128xf32, #tpu.memory_space<hbm>> -> memref<1x96x128xf32, #tpu.memory_space<hbm>>
        %dma_wait3A_675 = tpu.memref_squeeze %dma_wait3A_674 : memref<1x96x128xf32, #tpu.memory_space<hbm>> -> memref<96x128xf32, #tpu.memory_space<hbm>>
        %dma_wait3A_676 = arith.constant 0 : i32
        %dma_wait3A_677 = arith.constant 0 : i32
        %dma_wait3A_678 = tpu.memref_slice %arg5[%add3A, %dma_wait3A_676, %dma_wait3A_677] : memref<16x96x128xf32, #tpu.memory_space<hbm>> -> memref<1x96x128xf32, #tpu.memory_space<hbm>>
        %dma_wait3A_679 = tpu.memref_squeeze %dma_wait3A_678 : memref<1x96x128xf32, #tpu.memory_space<hbm>> -> memref<96x128xf32, #tpu.memory_space<hbm>>
        tpu.wait_dma2 semaphore(%run_scoped3A : memref<!tpu.dma_semaphore, #tpu.memory_space<semaphore_mem>>) src(%dma_wait3A_679 : memref<96x128xf32, #tpu.memory_space<hbm>>) dst(%arg12 : memref<96x128xf32, #tpu.memory_space<vmem>>)
        tpu.yield
      }) : () -> ()
      "tpu.region"() ({
        %run_scoped3A = tpu.sem_alloc : memref<!tpu.dma_semaphore, #tpu.memory_space<semaphore_mem>>
        %dma_start3A = arith.constant 0 : i32
        %dma_start3A_666 = arith.constant 0 : i32
        %dma_start3A_667 = tpu.memref_slice %arg6[%add3A, %dma_start3A, %dma_start3A_666] : memref<16x96x128xf32, #tpu.memory_space<hbm>> -> memref<1x96x128xf32, #tpu.memory_space<hbm>>
        %dma_start3A_668 = tpu.memref_squeeze %dma_start3A_667 : memref<1x96x128xf32, #tpu.memory_space<hbm>> -> memref<96x128xf32, #tpu.memory_space<hbm>>
        %dma_start3A_669 = arith.constant 0 : i32
        %dma_start3A_670 = arith.constant 0 : i32
        %dma_start3A_671 = tpu.memref_slice %arg6[%add3A, %dma_start3A_669, %dma_start3A_670] : memref<16x96x128xf32, #tpu.memory_space<hbm>> -> memref<1x96x128xf32, #tpu.memory_space<hbm>>
        %dma_start3A_672 = tpu.memref_squeeze %dma_start3A_671 : memref<1x96x128xf32, #tpu.memory_space<hbm>> -> memref<96x128xf32, #tpu.memory_space<hbm>>
        tpu.enqueue_dma source(%dma_start3A_672 : memref<96x128xf32, #tpu.memory_space<hbm>>) target(%arg13 : memref<96x128xf32, #tpu.memory_space<vmem>>) target_semaphore(%run_scoped3A : memref<!tpu.dma_semaphore, #tpu.memory_space<semaphore_mem>>)
        %dma_wait3A = arith.constant 0 : i32
        %dma_wait3A_673 = arith.constant 0 : i32
        %dma_wait3A_674 = tpu.memref_slice %arg6[%add3A, %dma_wait3A, %dma_wait3A_673] : memref<16x96x128xf32, #tpu.memory_space<hbm>> -> memref<1x96x128xf32, #tpu.memory_space<hbm>>
        %dma_wait3A_675 = tpu.memref_squeeze %dma_wait3A_674 : memref<1x96x128xf32, #tpu.memory_space<hbm>> -> memref<96x128xf32, #tpu.memory_space<hbm>>
        %dma_wait3A_676 = arith.constant 0 : i32
        %dma_wait3A_677 = arith.constant 0 : i32
        %dma_wait3A_678 = tpu.memref_slice %arg6[%add3A, %dma_wait3A_676, %dma_wait3A_677] : memref<16x96x128xf32, #tpu.memory_space<hbm>> -> memref<1x96x128xf32, #tpu.memory_space<hbm>>
        %dma_wait3A_679 = tpu.memref_squeeze %dma_wait3A_678 : memref<1x96x128xf32, #tpu.memory_space<hbm>> -> memref<96x128xf32, #tpu.memory_space<hbm>>
        tpu.wait_dma2 semaphore(%run_scoped3A : memref<!tpu.dma_semaphore, #tpu.memory_space<semaphore_mem>>) src(%dma_wait3A_679 : memref<96x128xf32, #tpu.memory_space<hbm>>) dst(%arg13 : memref<96x128xf32, #tpu.memory_space<vmem>>)
        tpu.yield
      }) : () -> ()
      "tpu.region"() ({
        %run_scoped3A = tpu.sem_alloc : memref<!tpu.dma_semaphore, #tpu.memory_space<semaphore_mem>>
        %dma_start3A = arith.constant 0 : i32
        %dma_start3A_666 = arith.constant 0 : i32
        %dma_start3A_667 = tpu.memref_slice %arg7[%add3A, %dma_start3A, %dma_start3A_666] : memref<16x96x128xf32, #tpu.memory_space<hbm>> -> memref<1x96x128xf32, #tpu.memory_space<hbm>>
        %dma_start3A_668 = tpu.memref_squeeze %dma_start3A_667 : memref<1x96x128xf32, #tpu.memory_space<hbm>> -> memref<96x128xf32, #tpu.memory_space<hbm>>
        %dma_start3A_669 = arith.constant 0 : i32
        %dma_start3A_670 = arith.constant 0 : i32
        %dma_start3A_671 = tpu.memref_slice %arg7[%add3A, %dma_start3A_669, %dma_start3A_670] : memref<16x96x128xf32, #tpu.memory_space<hbm>> -> memref<1x96x128xf32, #tpu.memory_space<hbm>>
        %dma_start3A_672 = tpu.memref_squeeze %dma_start3A_671 : memref<1x96x128xf32, #tpu.memory_space<hbm>> -> memref<96x128xf32, #tpu.memory_space<hbm>>
        tpu.enqueue_dma source(%dma_start3A_672 : memref<96x128xf32, #tpu.memory_space<hbm>>) target(%arg14 : memref<96x128xf32, #tpu.memory_space<vmem>>) target_semaphore(%run_scoped3A : memref<!tpu.dma_semaphore, #tpu.memory_space<semaphore_mem>>)
        %dma_wait3A = arith.constant 0 : i32
        %dma_wait3A_673 = arith.constant 0 : i32
        %dma_wait3A_674 = tpu.memref_slice %arg7[%add3A, %dma_wait3A, %dma_wait3A_673] : memref<16x96x128xf32, #tpu.memory_space<hbm>> -> memref<1x96x128xf32, #tpu.memory_space<hbm>>
        %dma_wait3A_675 = tpu.memref_squeeze %dma_wait3A_674 : memref<1x96x128xf32, #tpu.memory_space<hbm>> -> memref<96x128xf32, #tpu.memory_space<hbm>>
        %dma_wait3A_676 = arith.constant 0 : i32
        %dma_wait3A_677 = arith.constant 0 : i32
        %dma_wait3A_678 = tpu.memref_slice %arg7[%add3A, %dma_wait3A_676, %dma_wait3A_677] : memref<16x96x128xf32, #tpu.memory_space<hbm>> -> memref<1x96x128xf32, #tpu.memory_space<hbm>>
        %dma_wait3A_679 = tpu.memref_squeeze %dma_wait3A_678 : memref<1x96x128xf32, #tpu.memory_space<hbm>> -> memref<96x128xf32, #tpu.memory_space<hbm>>
        tpu.wait_dma2 semaphore(%run_scoped3A : memref<!tpu.dma_semaphore, #tpu.memory_space<semaphore_mem>>) src(%dma_wait3A_679 : memref<96x128xf32, #tpu.memory_space<hbm>>) dst(%arg14 : memref<96x128xf32, #tpu.memory_space<vmem>>)
        tpu.yield
      }) : () -> ()
      %iota3A = tpu.iota {dimensions = array<i32: 0>} : vector<16xi32>
      %broadcast_in_dim3A = arith.constant 1 : i32
      %broadcast_in_dim3A_3 = vector.broadcast %broadcast_in_dim3A : i32 to vector<16xi32>
      %broadcast_in_dim3A_4 = arith.constant 0 : i32
      %broadcast_in_dim3A_5 = vector.broadcast %broadcast_in_dim3A_4 : i32 to vector<16xi32>
      %swap3A = arith.constant 0 : index
      %swap3A_6 = tpu.vector_load %arg15[%swap3A] {strides = array<i32>} : memref<512xi32, #tpu.memory_space<vmem>>, vector<16xi32>,
      tpu.vector_store %arg15[%swap3A], %broadcast_in_dim3A_5 {strides = array<i32>} : memref<512xi32, #tpu.memory_space<vmem>>, vector<16xi32>,
      %swap3A_7 = arith.constant 16 : index
      %swap3A_8 = tpu.vector_load %arg15[%swap3A_7] {strides = array<i32>} : memref<512xi32, #tpu.memory_space<vmem>>, vector<16xi32>,
      tpu.vector_store %arg15[%swap3A_7], %broadcast_in_dim3A_5 {strides = array<i32>} : memref<512xi32, #tpu.memory_space<vmem>>, vector<16xi32>,
      %swap3A_9 = arith.constant 32 : index
      %swap3A_10 = tpu.vector_load %arg15[%swap3A_9] {strides = array<i32>} : memref<512xi32, #tpu.memory_space<vmem>>, vector<16xi32>,
      tpu.vector_store %arg15[%swap3A_9], %broadcast_in_dim3A_5 {strides = array<i32>} : memref<512xi32, #tpu.memory_space<vmem>>, vector<16xi32>,
      %swap3A_11 = arith.constant 48 : index
      %swap3A_12 = tpu.vector_load %arg15[%swap3A_11] {strides = array<i32>} : memref<512xi32, #tpu.memory_space<vmem>>, vector<16xi32>,
      tpu.vector_store %arg15[%swap3A_11], %broadcast_in_dim3A_5 {strides = array<i32>} : memref<512xi32, #tpu.memory_space<vmem>>, vector<16xi32>,
      %swap3A_13 = arith.constant 64 : index
      %swap3A_14 = tpu.vector_load %arg15[%swap3A_13] {strides = array<i32>} : memref<512xi32, #tpu.memory_space<vmem>>, vector<16xi32>,
      tpu.vector_store %arg15[%swap3A_13], %broadcast_in_dim3A_5 {strides = array<i32>} : memref<512xi32, #tpu.memory_space<vmem>>, vector<16xi32>,
      %swap3A_15 = arith.constant 80 : index
      %swap3A_16 = tpu.vector_load %arg15[%swap3A_15] {strides = array<i32>} : memref<512xi32, #tpu.memory_space<vmem>>, vector<16xi32>,
      tpu.vector_store %arg15[%swap3A_15], %broadcast_in_dim3A_5 {strides = array<i32>} : memref<512xi32, #tpu.memory_space<vmem>>, vector<16xi32>,
      %swap3A_17 = arith.constant 96 : index
      %swap3A_18 = tpu.vector_load %arg15[%swap3A_17] {strides = array<i32>} : memref<512xi32, #tpu.memory_space<vmem>>, vector<16xi32>,
      tpu.vector_store %arg15[%swap3A_17], %broadcast_in_dim3A_5 {strides = array<i32>} : memref<512xi32, #tpu.memory_space<vmem>>, vector<16xi32>,
      %swap3A_19 = arith.constant 112 : index
      %swap3A_20 = tpu.vector_load %arg15[%swap3A_19] {strides = array<i32>} : memref<512xi32, #tpu.memory_space<vmem>>, vector<16xi32>,
      tpu.vector_store %arg15[%swap3A_19], %broadcast_in_dim3A_5 {strides = array<i32>} : memref<512xi32, #tpu.memory_space<vmem>>, vector<16xi32>,
      %swap3A_21 = arith.constant 128 : index
      %swap3A_22 = tpu.vector_load %arg15[%swap3A_21] {strides = array<i32>} : memref<512xi32, #tpu.memory_space<vmem>>, vector<16xi32>,
      tpu.vector_store %arg15[%swap3A_21], %broadcast_in_dim3A_5 {strides = array<i32>} : memref<512xi32, #tpu.memory_space<vmem>>, vector<16xi32>,
      %swap3A_23 = arith.constant 144 : index
      %swap3A_24 = tpu.vector_load %arg15[%swap3A_23] {strides = array<i32>} : memref<512xi32, #tpu.memory_space<vmem>>, vector<16xi32>,
      tpu.vector_store %arg15[%swap3A_23], %broadcast_in_dim3A_5 {strides = array<i32>} : memref<512xi32, #tpu.memory_space<vmem>>, vector<16xi32>,
      %swap3A_25 = arith.constant 160 : index
      %swap3A_26 = tpu.vector_load %arg15[%swap3A_25] {strides = array<i32>} : memref<512xi32, #tpu.memory_space<vmem>>, vector<16xi32>,
      tpu.vector_store %arg15[%swap3A_25], %broadcast_in_dim3A_5 {strides = array<i32>} : memref<512xi32, #tpu.memory_space<vmem>>, vector<16xi32>,
      %swap3A_27 = arith.constant 176 : index
      %swap3A_28 = tpu.vector_load %arg15[%swap3A_27] {strides = array<i32>} : memref<512xi32, #tpu.memory_space<vmem>>, vector<16xi32>,
      tpu.vector_store %arg15[%swap3A_27], %broadcast_in_dim3A_5 {strides = array<i32>} : memref<512xi32, #tpu.memory_space<vmem>>, vector<16xi32>,
      %swap3A_29 = arith.constant 192 : index
      %swap3A_30 = tpu.vector_load %arg15[%swap3A_29] {strides = array<i32>} : memref<512xi32, #tpu.memory_space<vmem>>, vector<16xi32>,
      tpu.vector_store %arg15[%swap3A_29], %broadcast_in_dim3A_5 {strides = array<i32>} : memref<512xi32, #tpu.memory_space<vmem>>, vector<16xi32>,
      %swap3A_31 = arith.constant 208 : index
      %swap3A_32 = tpu.vector_load %arg15[%swap3A_31] {strides = array<i32>} : memref<512xi32, #tpu.memory_space<vmem>>, vector<16xi32>,
      tpu.vector_store %arg15[%swap3A_31], %broadcast_in_dim3A_5 {strides = array<i32>} : memref<512xi32, #tpu.memory_space<vmem>>, vector<16xi32>,
      %swap3A_33 = arith.constant 224 : index
      %swap3A_34 = tpu.vector_load %arg15[%swap3A_33] {strides = array<i32>} : memref<512xi32, #tpu.memory_space<vmem>>, vector<16xi32>,
      tpu.vector_store %arg15[%swap3A_33], %broadcast_in_dim3A_5 {strides = array<i32>} : memref<512xi32, #tpu.memory_space<vmem>>, vector<16xi32>,
      %swap3A_35 = arith.constant 240 : index
      %swap3A_36 = tpu.vector_load %arg15[%swap3A_35] {strides = array<i32>} : memref<512xi32, #tpu.memory_space<vmem>>, vector<16xi32>,
      tpu.vector_store %arg15[%swap3A_35], %broadcast_in_dim3A_5 {strides = array<i32>} : memref<512xi32, #tpu.memory_space<vmem>>, vector<16xi32>,
      %swap3A_37 = arith.constant 256 : index
      %swap3A_38 = tpu.vector_load %arg15[%swap3A_37] {strides = array<i32>} : memref<512xi32, #tpu.memory_space<vmem>>, vector<16xi32>,
      tpu.vector_store %arg15[%swap3A_37], %broadcast_in_dim3A_5 {strides = array<i32>} : memref<512xi32, #tpu.memory_space<vmem>>, vector<16xi32>,
      %swap3A_39 = arith.constant 272 : index
      %swap3A_40 = tpu.vector_load %arg15[%swap3A_39] {strides = array<i32>} : memref<512xi32, #tpu.memory_space<vmem>>, vector<16xi32>,
      tpu.vector_store %arg15[%swap3A_39], %broadcast_in_dim3A_5 {strides = array<i32>} : memref<512xi32, #tpu.memory_space<vmem>>, vector<16xi32>,
      %swap3A_41 = arith.constant 288 : index
      %swap3A_42 = tpu.vector_load %arg15[%swap3A_41] {strides = array<i32>} : memref<512xi32, #tpu.memory_space<vmem>>, vector<16xi32>,
      tpu.vector_store %arg15[%swap3A_41], %broadcast_in_dim3A_5 {strides = array<i32>} : memref<512xi32, #tpu.memory_space<vmem>>, vector<16xi32>,
      %swap3A_43 = arith.constant 304 : index
      %swap3A_44 = tpu.vector_load %arg15[%swap3A_43] {strides = array<i32>} : memref<512xi32, #tpu.memory_space<vmem>>, vector<16xi32>,
      tpu.vector_store %arg15[%swap3A_43], %broadcast_in_dim3A_5 {strides = array<i32>} : memref<512xi32, #tpu.memory_space<vmem>>, vector<16xi32>,
      %swap3A_45 = arith.constant 320 : index
      %swap3A_46 = tpu.vector_load %arg15[%swap3A_45] {strides = array<i32>} : memref<512xi32, #tpu.memory_space<vmem>>, vector<16xi32>,
      tpu.vector_store %arg15[%swap3A_45], %broadcast_in_dim3A_5 {strides = array<i32>} : memref<512xi32, #tpu.memory_space<vmem>>, vector<16xi32>,
      %swap3A_47 = arith.constant 336 : index
      %swap3A_48 = tpu.vector_load %arg15[%swap3A_47] {strides = array<i32>} : memref<512xi32, #tpu.memory_space<vmem>>, vector<16xi32>,
      tpu.vector_store %arg15[%swap3A_47], %broadcast_in_dim3A_5 {strides = array<i32>} : memref<512xi32, #tpu.memory_space<vmem>>, vector<16xi32>,
      %swap3A_49 = arith.constant 352 : index
      %swap3A_50 = tpu.vector_load %arg15[%swap3A_49] {strides = array<i32>} : memref<512xi32, #tpu.memory_space<vmem>>, vector<16xi32>,
      tpu.vector_store %arg15[%swap3A_49], %broadcast_in_dim3A_5 {strides = array<i32>} : memref<512xi32, #tpu.memory_space<vmem>>, vector<16xi32>,
      %swap3A_51 = arith.constant 368 : index
      %swap3A_52 = tpu.vector_load %arg15[%swap3A_51] {strides = array<i32>} : memref<512xi32, #tpu.memory_space<vmem>>, vector<16xi32>,
      tpu.vector_store %arg15[%swap3A_51], %broadcast_in_dim3A_5 {strides = array<i32>} : memref<512xi32, #tpu.memory_space<vmem>>, vector<16xi32>,
      %swap3A_53 = arith.constant 384 : index
      %swap3A_54 = tpu.vector_load %arg15[%swap3A_53] {strides = array<i32>} : memref<512xi32, #tpu.memory_space<vmem>>, vector<16xi32>,
      tpu.vector_store %arg15[%swap3A_53], %broadcast_in_dim3A_5 {strides = array<i32>} : memref<512xi32, #tpu.memory_space<vmem>>, vector<16xi32>,
      %swap3A_55 = arith.constant 400 : index
      %swap3A_56 = tpu.vector_load %arg15[%swap3A_55] {strides = array<i32>} : memref<512xi32, #tpu.memory_space<vmem>>, vector<16xi32>,
      tpu.vector_store %arg15[%swap3A_55], %broadcast_in_dim3A_5 {strides = array<i32>} : memref<512xi32, #tpu.memory_space<vmem>>, vector<16xi32>,
      %swap3A_57 = arith.constant 416 : index
      %swap3A_58 = tpu.vector_load %arg15[%swap3A_57] {strides = array<i32>} : memref<512xi32, #tpu.memory_space<vmem>>, vector<16xi32>,
      tpu.vector_store %arg15[%swap3A_57], %broadcast_in_dim3A_5 {strides = array<i32>} : memref<512xi32, #tpu.memory_space<vmem>>, vector<16xi32>,
      %swap3A_59 = arith.constant 432 : index
      %swap3A_60 = tpu.vector_load %arg15[%swap3A_59] {strides = array<i32>} : memref<512xi32, #tpu.memory_space<vmem>>, vector<16xi32>,
      tpu.vector_store %arg15[%swap3A_59], %broadcast_in_dim3A_5 {strides = array<i32>} : memref<512xi32, #tpu.memory_space<vmem>>, vector<16xi32>,
      %swap3A_61 = arith.constant 448 : index
      %swap3A_62 = tpu.vector_load %arg15[%swap3A_61] {strides = array<i32>} : memref<512xi32, #tpu.memory_space<vmem>>, vector<16xi32>,
      tpu.vector_store %arg15[%swap3A_61], %broadcast_in_dim3A_5 {strides = array<i32>} : memref<512xi32, #tpu.memory_space<vmem>>, vector<16xi32>,
      %swap3A_63 = arith.constant 464 : index
      %swap3A_64 = tpu.vector_load %arg15[%swap3A_63] {strides = array<i32>} : memref<512xi32, #tpu.memory_space<vmem>>, vector<16xi32>,
      tpu.vector_store %arg15[%swap3A_63], %broadcast_in_dim3A_5 {strides = array<i32>} : memref<512xi32, #tpu.memory_space<vmem>>, vector<16xi32>,
      %swap3A_65 = arith.constant 480 : index
      %swap3A_66 = tpu.vector_load %arg15[%swap3A_65] {strides = array<i32>} : memref<512xi32, #tpu.memory_space<vmem>>, vector<16xi32>,
      tpu.vector_store %arg15[%swap3A_65], %broadcast_in_dim3A_5 {strides = array<i32>} : memref<512xi32, #tpu.memory_space<vmem>>, vector<16xi32>,
      %swap3A_67 = arith.constant 496 : index
      %swap3A_68 = tpu.vector_load %arg15[%swap3A_67] {strides = array<i32>} : memref<512xi32, #tpu.memory_space<vmem>>, vector<16xi32>,
      tpu.vector_store %arg15[%swap3A_67], %broadcast_in_dim3A_5 {strides = array<i32>} : memref<512xi32, #tpu.memory_space<vmem>>, vector<16xi32>,
      %scan3A = arith.constant 0 : i32
      %scan3A_69 = arith.constant 0 : i32
      %scan3A_70 = arith.constant 768 : i32
      %scan3A_71 = arith.addi %scan3A_69, %scan3A_70 : i32
      %scan3A_72 = arith.constant 1 : i32
      scf.for %scan3A_666 = %scan3A_69 to %scan3A_71 step %scan3A_72  : i32 {
        %shift_right_arithmetic3A_667 = arith.constant 3 : i32
        %shift_right_arithmetic3A_668 = arith.shrsi %scan3A_666, %shift_right_arithmetic3A_667 : i32
        %and3A_669 = arith.constant 7 : i32
        %and3A_670 = arith.andi %scan3A_666, %and3A_669 : i32
        %mul3A_671 = arith.constant 16 : i32
        %mul3A_672 = arith.muli %and3A_670, %mul3A_671 : i32
        %get3A_673 = arith.index_cast %shift_right_arithmetic3A_668 : i32 to index
        %get3A_674 = arith.index_cast %mul3A_672 : i32 to index
        %get3A_675 = tpu.vector_load %arg9[%get3A_673, %get3A_674] {strides = array<i32>} : memref<96x128xf32, #tpu.memory_space<vmem>>, vector<16xf32>,
        %bitcast3A_676 = vector.bitcast %get3A_675 : vector<16xf32> to vector<16xi32>
        %shift_right_arithmetic3A_677 = arith.constant 23 : i32
        %shift_right_arithmetic3A_678 = vector.broadcast %shift_right_arithmetic3A_677 : i32 to vector<16xi32>
        %shift_right_arithmetic3A_679 = arith.shrsi %bitcast3A_676, %shift_right_arithmetic3A_678 : vector<16xi32>
        %and3A_680 = arith.constant 511 : i32
        %and3A_681 = vector.broadcast %and3A_680 : i32 to vector<16xi32>
        %and3A_682 = arith.andi %shift_right_arithmetic3A_679, %and3A_681 : vector<16xi32>
        tpu.vector_store_idx %arg15[%and3A_682], %broadcast_in_dim3A_3 {add = true} : memref<512xi32, #tpu.memory_space<vmem>>[vector<16xi32>], vector<16xi32>,
      }
      %scan3A_73 = arith.constant 768 : i32
      %scan3A_74 = arith.constant 100 : i32
      %scan3A_75 = arith.constant 0 : i32
      %scan3A_76 = arith.constant -1 : i32
      %scan3A_77 = arith.constant -1 : i32
      %scan3A_78 = arith.constant 0 : i32
      %scan3A_79 = arith.constant 32 : i32
      %scan3A_80 = arith.addi %scan3A_78, %scan3A_79 : i32
      %scan3A_81 = arith.constant 1 : i32
      %scan3A_82:3 = scf.for %scan3A_666 = %scan3A_78 to %scan3A_80 step %scan3A_81 iter_args(%scan3A_667 = %scan3A_75, %scan3A_668 = %scan3A_76, %scan3A_669 = %scan3A_77) -> (i32, i32, i32)  : i32 {
        %add3A_670 = arith.constant 1 : i32
        %add3A_671 = arith.addi %scan3A_666, %add3A_670 : i32
        %mul3A_672 = arith.constant 16 : i32
        %mul3A_673 = arith.muli %mul3A_672, %add3A_671 : i32
        %sub3A_674 = arith.constant 512 : i32
        %sub3A_675 = arith.subi %sub3A_674, %mul3A_673 : i32
        %get3A_676 = arith.index_cast %sub3A_675 : i32 to index
        %get3A_677 = tpu.vector_load %arg15[%get3A_676] {strides = array<i32>} : memref<512xi32, #tpu.memory_space<vmem>>, vector<16xi32>,
        %rev3A = arith.constant 15 : i32
        %rev3A_678 = vector.broadcast %rev3A : i32 to vector<16xi32>
        %rev3A_679 = tpu.iota {dimensions = array<i32: 0>} : vector<16xi32>
        %rev3A_680 = arith.subi %rev3A_678, %rev3A_679 : vector<16xi32>
        %rev3A_681 = tpu.dynamic_gather %get3A_677[%rev3A_680] in [0] : vector<16xi32>, vector<16xi32> -> vector<16xi32>
        %broadcast_in_dim3A_682 = arith.constant true
        %broadcast_in_dim3A_683 = vector.broadcast %broadcast_in_dim3A_682 : i1 to vector<16xi1>
        %masked_cumsum3A = tpu.scan <sum>, %rev3A_681 masked %broadcast_in_dim3A_683 : vector<16xi32>, vector<16xi1> -> vector<16xi32>
        %add3A_684 = vector.broadcast %scan3A_667 : i32 to vector<16xi32>
        %add3A_685 = arith.addi %add3A_684, %masked_cumsum3A : vector<16xi32>
        %sub3A_686 = arith.subi %add3A_685, %rev3A_681 : vector<16xi32>
        %lt3A_687 = vector.broadcast %scan3A_74 : i32 to vector<16xi32>
        %lt3A_688 = arith.cmpi slt, %sub3A_686, %lt3A_687 : vector<16xi32>
        %add3A_689 = arith.addi %sub3A_686, %rev3A_681 : vector<16xi32>
        %ge3A = vector.broadcast %scan3A_74 : i32 to vector<16xi32>
        %ge3A_690 = arith.cmpi sge, %add3A_689, %ge3A : vector<16xi32>
        %and3A_691 = arith.andi %lt3A_688, %ge3A_690 : vector<16xi1>
        %sub3A_692 = arith.constant 15 : i32
        %sub3A_693 = vector.broadcast %sub3A_692 : i32 to vector<16xi32>
        %sub3A_694 = arith.subi %sub3A_693, %iota3A : vector<16xi32>
        %add3A_695 = vector.broadcast %sub3A_675 : i32 to vector<16xi32>
        %add3A_696 = arith.addi %add3A_695, %sub3A_694 : vector<16xi32>
        %jit3A_697 = arith.constant -1 : i32
        %broadcast_in_dim3A_698 = vector.broadcast %jit3A_697 : i32 to vector<16xi32>
        %select_n3A_699 = arith.select %and3A_691, %add3A_696, %broadcast_in_dim3A_698 : vector<16xi1>, vector<16xi32>
        %reduce_max3A = arith.constant true
        %reduce_max3A_700 = vector.broadcast %reduce_max3A : i1 to vector<16xi1>
        %reduce_max3A_701 = arith.constant -2147483648 : i32
        %reduce_max3A_702 = vector.broadcast %reduce_max3A_701 : i32 to vector<16xi32>
        %reduce_max3A_703 = arith.xori %select_n3A_699, %reduce_max3A_702 : vector<16xi32>
        %reduce_max3A_704 = tpu.scan <max>, %reduce_max3A_703 masked %reduce_max3A_700 : vector<16xi32>, vector<16xi1> -> vector<16xi32>
        %reduce_max3A_705 = arith.xori %reduce_max3A_704, %reduce_max3A_702 : vector<16xi32>
        %reduce_max3A_706 = vector.extract %reduce_max3A_705[15] : i32 from vector<16xi32>
        %max3A = arith.maxsi %scan3A_668, %reduce_max3A_706 : i32
        %jit3A_707 = arith.constant -1 : i32
        %broadcast_in_dim3A_708 = vector.broadcast %jit3A_707 : i32 to vector<16xi32>
        %select_n3A_709 = arith.select %and3A_691, %sub3A_686, %broadcast_in_dim3A_708 : vector<16xi1>, vector<16xi32>
        %reduce_max3A_710 = arith.constant true
        %reduce_max3A_711 = vector.broadcast %reduce_max3A_710 : i1 to vector<16xi1>
        %reduce_max3A_712 = arith.constant -2147483648 : i32
        %reduce_max3A_713 = vector.broadcast %reduce_max3A_712 : i32 to vector<16xi32>
        %reduce_max3A_714 = arith.xori %select_n3A_709, %reduce_max3A_713 : vector<16xi32>
        %reduce_max3A_715 = tpu.scan <max>, %reduce_max3A_714 masked %reduce_max3A_711 : vector<16xi32>, vector<16xi1> -> vector<16xi32>
        %reduce_max3A_716 = arith.xori %reduce_max3A_715, %reduce_max3A_713 : vector<16xi32>
        %reduce_max3A_717 = vector.extract %reduce_max3A_716[15] : i32 from vector<16xi32>
        %max3A_718 = arith.maxsi %scan3A_669, %reduce_max3A_717 : i32
        %reduce_sum3A = arith.constant true
        %reduce_sum3A_719 = vector.broadcast %reduce_sum3A : i1 to vector<16xi1>
        %reduce_sum3A_720 = tpu.scan <sum>, %get3A_677 masked %reduce_sum3A_719 : vector<16xi32>, vector<16xi1> -> vector<16xi32>
        %reduce_sum3A_721 = vector.extract %reduce_sum3A_720[15] : i32 from vector<16xi32>
        %add3A_722 = arith.addi %scan3A_667, %reduce_sum3A_721 : i32
        scf.yield %add3A_722, %max3A, %max3A_718 : i32, i32, i32
      }
      %scan3A_83 = arith.constant 32 : i32
      %sub3A = arith.constant 100 : i32
      %sub3A_84 = arith.subi %sub3A, %scan3A_82#2 : i32
      %swap3A_85 = arith.constant 0 : index
      %swap3A_86 = tpu.vector_load %arg15[%swap3A_85] {strides = array<i32>} : memref<512xi32, #tpu.memory_space<vmem>>, vector<16xi32>,
      tpu.vector_store %arg15[%swap3A_85], %broadcast_in_dim3A_5 {strides = array<i32>} : memref<512xi32, #tpu.memory_space<vmem>>, vector<16xi32>,
      %swap3A_87 = arith.constant 16 : index
      %swap3A_88 = tpu.vector_load %arg15[%swap3A_87] {strides = array<i32>} : memref<512xi32, #tpu.memory_space<vmem>>, vector<16xi32>,
      tpu.vector_store %arg15[%swap3A_87], %broadcast_in_dim3A_5 {strides = array<i32>} : memref<512xi32, #tpu.memory_space<vmem>>, vector<16xi32>,
      %swap3A_89 = arith.constant 32 : index
      %swap3A_90 = tpu.vector_load %arg15[%swap3A_89] {strides = array<i32>} : memref<512xi32, #tpu.memory_space<vmem>>, vector<16xi32>,
      tpu.vector_store %arg15[%swap3A_89], %broadcast_in_dim3A_5 {strides = array<i32>} : memref<512xi32, #tpu.memory_space<vmem>>, vector<16xi32>,
      %swap3A_91 = arith.constant 48 : index
      %swap3A_92 = tpu.vector_load %arg15[%swap3A_91] {strides = array<i32>} : memref<512xi32, #tpu.memory_space<vmem>>, vector<16xi32>,
      tpu.vector_store %arg15[%swap3A_91], %broadcast_in_dim3A_5 {strides = array<i32>} : memref<512xi32, #tpu.memory_space<vmem>>, vector<16xi32>,
      %swap3A_93 = arith.constant 64 : index
      %swap3A_94 = tpu.vector_load %arg15[%swap3A_93] {strides = array<i32>} : memref<512xi32, #tpu.memory_space<vmem>>, vector<16xi32>,
      tpu.vector_store %arg15[%swap3A_93], %broadcast_in_dim3A_5 {strides = array<i32>} : memref<512xi32, #tpu.memory_space<vmem>>, vector<16xi32>,
      %swap3A_95 = arith.constant 80 : index
      %swap3A_96 = tpu.vector_load %arg15[%swap3A_95] {strides = array<i32>} : memref<512xi32, #tpu.memory_space<vmem>>, vector<16xi32>,
      tpu.vector_store %arg15[%swap3A_95], %broadcast_in_dim3A_5 {strides = array<i32>} : memref<512xi32, #tpu.memory_space<vmem>>, vector<16xi32>,
      %swap3A_97 = arith.constant 96 : index
      %swap3A_98 = tpu.vector_load %arg15[%swap3A_97] {strides = array<i32>} : memref<512xi32, #tpu.memory_space<vmem>>, vector<16xi32>,
      tpu.vector_store %arg15[%swap3A_97], %broadcast_in_dim3A_5 {strides = array<i32>} : memref<512xi32, #tpu.memory_space<vmem>>, vector<16xi32>,
      %swap3A_99 = arith.constant 112 : index
      %swap3A_100 = tpu.vector_load %arg15[%swap3A_99] {strides = array<i32>} : memref<512xi32, #tpu.memory_space<vmem>>, vector<16xi32>,
      tpu.vector_store %arg15[%swap3A_99], %broadcast_in_dim3A_5 {strides = array<i32>} : memref<512xi32, #tpu.memory_space<vmem>>, vector<16xi32>,
      %swap3A_101 = arith.constant 128 : index
      %swap3A_102 = tpu.vector_load %arg15[%swap3A_101] {strides = array<i32>} : memref<512xi32, #tpu.memory_space<vmem>>, vector<16xi32>,
      tpu.vector_store %arg15[%swap3A_101], %broadcast_in_dim3A_5 {strides = array<i32>} : memref<512xi32, #tpu.memory_space<vmem>>, vector<16xi32>,
      %swap3A_103 = arith.constant 144 : index
      %swap3A_104 = tpu.vector_load %arg15[%swap3A_103] {strides = array<i32>} : memref<512xi32, #tpu.memory_space<vmem>>, vector<16xi32>,
      tpu.vector_store %arg15[%swap3A_103], %broadcast_in_dim3A_5 {strides = array<i32>} : memref<512xi32, #tpu.memory_space<vmem>>, vector<16xi32>,
      %swap3A_105 = arith.constant 160 : index
      %swap3A_106 = tpu.vector_load %arg15[%swap3A_105] {strides = array<i32>} : memref<512xi32, #tpu.memory_space<vmem>>, vector<16xi32>,
      tpu.vector_store %arg15[%swap3A_105], %broadcast_in_dim3A_5 {strides = array<i32>} : memref<512xi32, #tpu.memory_space<vmem>>, vector<16xi32>,
      %swap3A_107 = arith.constant 176 : index
      %swap3A_108 = tpu.vector_load %arg15[%swap3A_107] {strides = array<i32>} : memref<512xi32, #tpu.memory_space<vmem>>, vector<16xi32>,
      tpu.vector_store %arg15[%swap3A_107], %broadcast_in_dim3A_5 {strides = array<i32>} : memref<512xi32, #tpu.memory_space<vmem>>, vector<16xi32>,
      %swap3A_109 = arith.constant 192 : index
      %swap3A_110 = tpu.vector_load %arg15[%swap3A_109] {strides = array<i32>} : memref<512xi32, #tpu.memory_space<vmem>>, vector<16xi32>,
      tpu.vector_store %arg15[%swap3A_109], %broadcast_in_dim3A_5 {strides = array<i32>} : memref<512xi32, #tpu.memory_space<vmem>>, vector<16xi32>,
      %swap3A_111 = arith.constant 208 : index
      %swap3A_112 = tpu.vector_load %arg15[%swap3A_111] {strides = array<i32>} : memref<512xi32, #tpu.memory_space<vmem>>, vector<16xi32>,
      tpu.vector_store %arg15[%swap3A_111], %broadcast_in_dim3A_5 {strides = array<i32>} : memref<512xi32, #tpu.memory_space<vmem>>, vector<16xi32>,
      %swap3A_113 = arith.constant 224 : index
      %swap3A_114 = tpu.vector_load %arg15[%swap3A_113] {strides = array<i32>} : memref<512xi32, #tpu.memory_space<vmem>>, vector<16xi32>,
      tpu.vector_store %arg15[%swap3A_113], %broadcast_in_dim3A_5 {strides = array<i32>} : memref<512xi32, #tpu.memory_space<vmem>>, vector<16xi32>,
      %swap3A_115 = arith.constant 240 : index
      %swap3A_116 = tpu.vector_load %arg15[%swap3A_115] {strides = array<i32>} : memref<512xi32, #tpu.memory_space<vmem>>, vector<16xi32>,
      tpu.vector_store %arg15[%swap3A_115], %broadcast_in_dim3A_5 {strides = array<i32>} : memref<512xi32, #tpu.memory_space<vmem>>, vector<16xi32>,
      %swap3A_117 = arith.constant 256 : index
      %swap3A_118 = tpu.vector_load %arg15[%swap3A_117] {strides = array<i32>} : memref<512xi32, #tpu.memory_space<vmem>>, vector<16xi32>,
      tpu.vector_store %arg15[%swap3A_117], %broadcast_in_dim3A_5 {strides = array<i32>} : memref<512xi32, #tpu.memory_space<vmem>>, vector<16xi32>,
      %swap3A_119 = arith.constant 272 : index
      %swap3A_120 = tpu.vector_load %arg15[%swap3A_119] {strides = array<i32>} : memref<512xi32, #tpu.memory_space<vmem>>, vector<16xi32>,
      tpu.vector_store %arg15[%swap3A_119], %broadcast_in_dim3A_5 {strides = array<i32>} : memref<512xi32, #tpu.memory_space<vmem>>, vector<16xi32>,
      %swap3A_121 = arith.constant 288 : index
      %swap3A_122 = tpu.vector_load %arg15[%swap3A_121] {strides = array<i32>} : memref<512xi32, #tpu.memory_space<vmem>>, vector<16xi32>,
      tpu.vector_store %arg15[%swap3A_121], %broadcast_in_dim3A_5 {strides = array<i32>} : memref<512xi32, #tpu.memory_space<vmem>>, vector<16xi32>,
      %swap3A_123 = arith.constant 304 : index
      %swap3A_124 = tpu.vector_load %arg15[%swap3A_123] {strides = array<i32>} : memref<512xi32, #tpu.memory_space<vmem>>, vector<16xi32>,
      tpu.vector_store %arg15[%swap3A_123], %broadcast_in_dim3A_5 {strides = array<i32>} : memref<512xi32, #tpu.memory_space<vmem>>, vector<16xi32>,
      %swap3A_125 = arith.constant 320 : index
      %swap3A_126 = tpu.vector_load %arg15[%swap3A_125] {strides = array<i32>} : memref<512xi32, #tpu.memory_space<vmem>>, vector<16xi32>,
      tpu.vector_store %arg15[%swap3A_125], %broadcast_in_dim3A_5 {strides = array<i32>} : memref<512xi32, #tpu.memory_space<vmem>>, vector<16xi32>,
      %swap3A_127 = arith.constant 336 : index
      %swap3A_128 = tpu.vector_load %arg15[%swap3A_127] {strides = array<i32>} : memref<512xi32, #tpu.memory_space<vmem>>, vector<16xi32>,
      tpu.vector_store %arg15[%swap3A_127], %broadcast_in_dim3A_5 {strides = array<i32>} : memref<512xi32, #tpu.memory_space<vmem>>, vector<16xi32>,
      %swap3A_129 = arith.constant 352 : index
      %swap3A_130 = tpu.vector_load %arg15[%swap3A_129] {strides = array<i32>} : memref<512xi32, #tpu.memory_space<vmem>>, vector<16xi32>,
      tpu.vector_store %arg15[%swap3A_129], %broadcast_in_dim3A_5 {strides = array<i32>} : memref<512xi32, #tpu.memory_space<vmem>>, vector<16xi32>,
      %swap3A_131 = arith.constant 368 : index
      %swap3A_132 = tpu.vector_load %arg15[%swap3A_131] {strides = array<i32>} : memref<512xi32, #tpu.memory_space<vmem>>, vector<16xi32>,
      tpu.vector_store %arg15[%swap3A_131], %broadcast_in_dim3A_5 {strides = array<i32>} : memref<512xi32, #tpu.memory_space<vmem>>, vector<16xi32>,
      %swap3A_133 = arith.constant 384 : index
      %swap3A_134 = tpu.vector_load %arg15[%swap3A_133] {strides = array<i32>} : memref<512xi32, #tpu.memory_space<vmem>>, vector<16xi32>,
      tpu.vector_store %arg15[%swap3A_133], %broadcast_in_dim3A_5 {strides = array<i32>} : memref<512xi32, #tpu.memory_space<vmem>>, vector<16xi32>,
      %swap3A_135 = arith.constant 400 : index
      %swap3A_136 = tpu.vector_load %arg15[%swap3A_135] {strides = array<i32>} : memref<512xi32, #tpu.memory_space<vmem>>, vector<16xi32>,
      tpu.vector_store %arg15[%swap3A_135], %broadcast_in_dim3A_5 {strides = array<i32>} : memref<512xi32, #tpu.memory_space<vmem>>, vector<16xi32>,
      %swap3A_137 = arith.constant 416 : index
      %swap3A_138 = tpu.vector_load %arg15[%swap3A_137] {strides = array<i32>} : memref<512xi32, #tpu.memory_space<vmem>>, vector<16xi32>,
      tpu.vector_store %arg15[%swap3A_137], %broadcast_in_dim3A_5 {strides = array<i32>} : memref<512xi32, #tpu.memory_space<vmem>>, vector<16xi32>,
      %swap3A_139 = arith.constant 432 : index
      %swap3A_140 = tpu.vector_load %arg15[%swap3A_139] {strides = array<i32>} : memref<512xi32, #tpu.memory_space<vmem>>, vector<16xi32>,
      tpu.vector_store %arg15[%swap3A_139], %broadcast_in_dim3A_5 {strides = array<i32>} : memref<512xi32, #tpu.memory_space<vmem>>, vector<16xi32>,
      %swap3A_141 = arith.constant 448 : index
      %swap3A_142 = tpu.vector_load %arg15[%swap3A_141] {strides = array<i32>} : memref<512xi32, #tpu.memory_space<vmem>>, vector<16xi32>,
      tpu.vector_store %arg15[%swap3A_141], %broadcast_in_dim3A_5 {strides = array<i32>} : memref<512xi32, #tpu.memory_space<vmem>>, vector<16xi32>,
      %swap3A_143 = arith.constant 464 : index
      %swap3A_144 = tpu.vector_load %arg15[%swap3A_143] {strides = array<i32>} : memref<512xi32, #tpu.memory_space<vmem>>, vector<16xi32>,
      tpu.vector_store %arg15[%swap3A_143], %broadcast_in_dim3A_5 {strides = array<i32>} : memref<512xi32, #tpu.memory_space<vmem>>, vector<16xi32>,
      %swap3A_145 = arith.constant 480 : index
      %swap3A_146 = tpu.vector_load %arg15[%swap3A_145] {strides = array<i32>} : memref<512xi32, #tpu.memory_space<vmem>>, vector<16xi32>,
      tpu.vector_store %arg15[%swap3A_145], %broadcast_in_dim3A_5 {strides = array<i32>} : memref<512xi32, #tpu.memory_space<vmem>>, vector<16xi32>,
      %swap3A_147 = arith.constant 496 : index
      %swap3A_148 = tpu.vector_load %arg15[%swap3A_147] {strides = array<i32>} : memref<512xi32, #tpu.memory_space<vmem>>, vector<16xi32>,
      tpu.vector_store %arg15[%swap3A_147], %broadcast_in_dim3A_5 {strides = array<i32>} : memref<512xi32, #tpu.memory_space<vmem>>, vector<16xi32>,
      %scan3A_149 = arith.constant 0 : i32
      %scan3A_150 = arith.constant 0 : i32
      %scan3A_151 = arith.constant 768 : i32
      %scan3A_152 = arith.addi %scan3A_150, %scan3A_151 : i32
      %scan3A_153 = arith.constant 1 : i32
      scf.for %scan3A_666 = %scan3A_150 to %scan3A_152 step %scan3A_153  : i32 {
        %shift_right_arithmetic3A_667 = arith.constant 3 : i32
        %shift_right_arithmetic3A_668 = arith.shrsi %scan3A_666, %shift_right_arithmetic3A_667 : i32
        %and3A_669 = arith.constant 7 : i32
        %and3A_670 = arith.andi %scan3A_666, %and3A_669 : i32
        %mul3A_671 = arith.constant 16 : i32
        %mul3A_672 = arith.muli %and3A_670, %mul3A_671 : i32
        %get3A_673 = arith.index_cast %shift_right_arithmetic3A_668 : i32 to index
        %get3A_674 = arith.index_cast %mul3A_672 : i32 to index
        %get3A_675 = tpu.vector_load %arg9[%get3A_673, %get3A_674] {strides = array<i32>} : memref<96x128xf32, #tpu.memory_space<vmem>>, vector<16xf32>,
        %bitcast3A_676 = vector.bitcast %get3A_675 : vector<16xf32> to vector<16xi32>
        %shift_right_arithmetic3A_677 = arith.constant 14 : i32
        %shift_right_arithmetic3A_678 = vector.broadcast %shift_right_arithmetic3A_677 : i32 to vector<16xi32>
        %shift_right_arithmetic3A_679 = arith.shrsi %bitcast3A_676, %shift_right_arithmetic3A_678 : vector<16xi32>
        %and3A_680 = arith.constant 511 : i32
        %and3A_681 = vector.broadcast %and3A_680 : i32 to vector<16xi32>
        %and3A_682 = arith.andi %shift_right_arithmetic3A_679, %and3A_681 : vector<16xi32>
        %shift_right_arithmetic3A_683 = arith.constant 23 : i32
        %shift_right_arithmetic3A_684 = vector.broadcast %shift_right_arithmetic3A_683 : i32 to vector<16xi32>
        %shift_right_arithmetic3A_685 = arith.shrsi %bitcast3A_676, %shift_right_arithmetic3A_684 : vector<16xi32>
        %eq3A = vector.broadcast %scan3A_82#1 : i32 to vector<16xi32>
        %eq3A_686 = arith.cmpi eq, %shift_right_arithmetic3A_685, %eq3A : vector<16xi32>
        tpu.vector_store_idx %arg15[%and3A_682], %broadcast_in_dim3A_3 masked %eq3A_686 {add = true} : memref<512xi32, #tpu.memory_space<vmem>>[vector<16xi32>], vector<16xi32>, vector<16xi1>
      }
      %scan3A_154 = arith.constant 768 : i32
      %scan3A_155 = arith.constant 0 : i32
      %scan3A_156 = arith.constant -1 : i32
      %scan3A_157 = arith.constant -1 : i32
      %scan3A_158 = arith.constant 0 : i32
      %scan3A_159 = arith.constant 32 : i32
      %scan3A_160 = arith.addi %scan3A_158, %scan3A_159 : i32
      %scan3A_161 = arith.constant 1 : i32
      %scan3A_162:3 = scf.for %scan3A_666 = %scan3A_158 to %scan3A_160 step %scan3A_161 iter_args(%scan3A_667 = %scan3A_155, %scan3A_668 = %scan3A_156, %scan3A_669 = %scan3A_157) -> (i32, i32, i32)  : i32 {
        %add3A_670 = arith.constant 1 : i32
        %add3A_671 = arith.addi %scan3A_666, %add3A_670 : i32
        %mul3A_672 = arith.constant 16 : i32
        %mul3A_673 = arith.muli %mul3A_672, %add3A_671 : i32
        %sub3A_674 = arith.constant 512 : i32
        %sub3A_675 = arith.subi %sub3A_674, %mul3A_673 : i32
        %get3A_676 = arith.index_cast %sub3A_675 : i32 to index
        %get3A_677 = tpu.vector_load %arg15[%get3A_676] {strides = array<i32>} : memref<512xi32, #tpu.memory_space<vmem>>, vector<16xi32>,
        %rev3A = arith.constant 15 : i32
        %rev3A_678 = vector.broadcast %rev3A : i32 to vector<16xi32>
        %rev3A_679 = tpu.iota {dimensions = array<i32: 0>} : vector<16xi32>
        %rev3A_680 = arith.subi %rev3A_678, %rev3A_679 : vector<16xi32>
        %rev3A_681 = tpu.dynamic_gather %get3A_677[%rev3A_680] in [0] : vector<16xi32>, vector<16xi32> -> vector<16xi32>
        %broadcast_in_dim3A_682 = arith.constant true
        %broadcast_in_dim3A_683 = vector.broadcast %broadcast_in_dim3A_682 : i1 to vector<16xi1>
        %masked_cumsum3A = tpu.scan <sum>, %rev3A_681 masked %broadcast_in_dim3A_683 : vector<16xi32>, vector<16xi1> -> vector<16xi32>
        %add3A_684 = vector.broadcast %scan3A_667 : i32 to vector<16xi32>
        %add3A_685 = arith.addi %add3A_684, %masked_cumsum3A : vector<16xi32>
        %sub3A_686 = arith.subi %add3A_685, %rev3A_681 : vector<16xi32>
        %lt3A_687 = vector.broadcast %sub3A_84 : i32 to vector<16xi32>
        %lt3A_688 = arith.cmpi slt, %sub3A_686, %lt3A_687 : vector<16xi32>
        %add3A_689 = arith.addi %sub3A_686, %rev3A_681 : vector<16xi32>
        %ge3A = vector.broadcast %sub3A_84 : i32 to vector<16xi32>
        %ge3A_690 = arith.cmpi sge, %add3A_689, %ge3A : vector<16xi32>
        %and3A_691 = arith.andi %lt3A_688, %ge3A_690 : vector<16xi1>
        %sub3A_692 = arith.constant 15 : i32
        %sub3A_693 = vector.broadcast %sub3A_692 : i32 to vector<16xi32>
        %sub3A_694 = arith.subi %sub3A_693, %iota3A : vector<16xi32>
        %add3A_695 = vector.broadcast %sub3A_675 : i32 to vector<16xi32>
        %add3A_696 = arith.addi %add3A_695, %sub3A_694 : vector<16xi32>
        %jit3A_697 = arith.constant -1 : i32
        %broadcast_in_dim3A_698 = vector.broadcast %jit3A_697 : i32 to vector<16xi32>
        %select_n3A_699 = arith.select %and3A_691, %add3A_696, %broadcast_in_dim3A_698 : vector<16xi1>, vector<16xi32>
        %reduce_max3A = arith.constant true
        %reduce_max3A_700 = vector.broadcast %reduce_max3A : i1 to vector<16xi1>
        %reduce_max3A_701 = arith.constant -2147483648 : i32
        %reduce_max3A_702 = vector.broadcast %reduce_max3A_701 : i32 to vector<16xi32>
        %reduce_max3A_703 = arith.xori %select_n3A_699, %reduce_max3A_702 : vector<16xi32>
        %reduce_max3A_704 = tpu.scan <max>, %reduce_max3A_703 masked %reduce_max3A_700 : vector<16xi32>, vector<16xi1> -> vector<16xi32>
        %reduce_max3A_705 = arith.xori %reduce_max3A_704, %reduce_max3A_702 : vector<16xi32>
        %reduce_max3A_706 = vector.extract %reduce_max3A_705[15] : i32 from vector<16xi32>
        %max3A = arith.maxsi %scan3A_668, %reduce_max3A_706 : i32
        %jit3A_707 = arith.constant -1 : i32
        %broadcast_in_dim3A_708 = vector.broadcast %jit3A_707 : i32 to vector<16xi32>
        %select_n3A_709 = arith.select %and3A_691, %sub3A_686, %broadcast_in_dim3A_708 : vector<16xi1>, vector<16xi32>
        %reduce_max3A_710 = arith.constant true
        %reduce_max3A_711 = vector.broadcast %reduce_max3A_710 : i1 to vector<16xi1>
        %reduce_max3A_712 = arith.constant -2147483648 : i32
        %reduce_max3A_713 = vector.broadcast %reduce_max3A_712 : i32 to vector<16xi32>
        %reduce_max3A_714 = arith.xori %select_n3A_709, %reduce_max3A_713 : vector<16xi32>
        %reduce_max3A_715 = tpu.scan <max>, %reduce_max3A_714 masked %reduce_max3A_711 : vector<16xi32>, vector<16xi1> -> vector<16xi32>
        %reduce_max3A_716 = arith.xori %reduce_max3A_715, %reduce_max3A_713 : vector<16xi32>
        %reduce_max3A_717 = vector.extract %reduce_max3A_716[15] : i32 from vector<16xi32>
        %max3A_718 = arith.maxsi %scan3A_669, %reduce_max3A_717 : i32
        %reduce_sum3A = arith.constant true
        %reduce_sum3A_719 = vector.broadcast %reduce_sum3A : i1 to vector<16xi1>
        %reduce_sum3A_720 = tpu.scan <sum>, %get3A_677 masked %reduce_sum3A_719 : vector<16xi32>, vector<16xi1> -> vector<16xi32>
        %reduce_sum3A_721 = vector.extract %reduce_sum3A_720[15] : i32 from vector<16xi32>
        %add3A_722 = arith.addi %scan3A_667, %reduce_sum3A_721 : i32
        scf.yield %add3A_722, %max3A, %max3A_718 : i32, i32, i32
      }
      %scan3A_163 = arith.constant 32 : i32
      %shift_left3A = arith.constant 9 : i32
      %shift_left3A_164 = arith.shli %scan3A_82#1, %shift_left3A : i32
      %or3A = arith.ori %shift_left3A_164, %scan3A_162#1 : i32
      %sub3A_165 = arith.subi %sub3A_84, %scan3A_162#2 : i32
      %swap3A_166 = arith.constant 0 : index
      %swap3A_167 = tpu.vector_load %arg15[%swap3A_166] {strides = array<i32>} : memref<512xi32, #tpu.memory_space<vmem>>, vector<16xi32>,
      tpu.vector_store %arg15[%swap3A_166], %broadcast_in_dim3A_5 {strides = array<i32>} : memref<512xi32, #tpu.memory_space<vmem>>, vector<16xi32>,
      %swap3A_168 = arith.constant 16 : index
      %swap3A_169 = tpu.vector_load %arg15[%swap3A_168] {strides = array<i32>} : memref<512xi32, #tpu.memory_space<vmem>>, vector<16xi32>,
      tpu.vector_store %arg15[%swap3A_168], %broadcast_in_dim3A_5 {strides = array<i32>} : memref<512xi32, #tpu.memory_space<vmem>>, vector<16xi32>,
      %swap3A_170 = arith.constant 32 : index
      %swap3A_171 = tpu.vector_load %arg15[%swap3A_170] {strides = array<i32>} : memref<512xi32, #tpu.memory_space<vmem>>, vector<16xi32>,
      tpu.vector_store %arg15[%swap3A_170], %broadcast_in_dim3A_5 {strides = array<i32>} : memref<512xi32, #tpu.memory_space<vmem>>, vector<16xi32>,
      %swap3A_172 = arith.constant 48 : index
      %swap3A_173 = tpu.vector_load %arg15[%swap3A_172] {strides = array<i32>} : memref<512xi32, #tpu.memory_space<vmem>>, vector<16xi32>,
      tpu.vector_store %arg15[%swap3A_172], %broadcast_in_dim3A_5 {strides = array<i32>} : memref<512xi32, #tpu.memory_space<vmem>>, vector<16xi32>,
      %swap3A_174 = arith.constant 64 : index
      %swap3A_175 = tpu.vector_load %arg15[%swap3A_174] {strides = array<i32>} : memref<512xi32, #tpu.memory_space<vmem>>, vector<16xi32>,
      tpu.vector_store %arg15[%swap3A_174], %broadcast_in_dim3A_5 {strides = array<i32>} : memref<512xi32, #tpu.memory_space<vmem>>, vector<16xi32>,
      %swap3A_176 = arith.constant 80 : index
      %swap3A_177 = tpu.vector_load %arg15[%swap3A_176] {strides = array<i32>} : memref<512xi32, #tpu.memory_space<vmem>>, vector<16xi32>,
      tpu.vector_store %arg15[%swap3A_176], %broadcast_in_dim3A_5 {strides = array<i32>} : memref<512xi32, #tpu.memory_space<vmem>>, vector<16xi32>,
      %swap3A_178 = arith.constant 96 : index
      %swap3A_179 = tpu.vector_load %arg15[%swap3A_178] {strides = array<i32>} : memref<512xi32, #tpu.memory_space<vmem>>, vector<16xi32>,
      tpu.vector_store %arg15[%swap3A_178], %broadcast_in_dim3A_5 {strides = array<i32>} : memref<512xi32, #tpu.memory_space<vmem>>, vector<16xi32>,
      %swap3A_180 = arith.constant 112 : index
      %swap3A_181 = tpu.vector_load %arg15[%swap3A_180] {strides = array<i32>} : memref<512xi32, #tpu.memory_space<vmem>>, vector<16xi32>,
      tpu.vector_store %arg15[%swap3A_180], %broadcast_in_dim3A_5 {strides = array<i32>} : memref<512xi32, #tpu.memory_space<vmem>>, vector<16xi32>,
      %swap3A_182 = arith.constant 128 : index
      %swap3A_183 = tpu.vector_load %arg15[%swap3A_182] {strides = array<i32>} : memref<512xi32, #tpu.memory_space<vmem>>, vector<16xi32>,
      tpu.vector_store %arg15[%swap3A_182], %broadcast_in_dim3A_5 {strides = array<i32>} : memref<512xi32, #tpu.memory_space<vmem>>, vector<16xi32>,
      %swap3A_184 = arith.constant 144 : index
      %swap3A_185 = tpu.vector_load %arg15[%swap3A_184] {strides = array<i32>} : memref<512xi32, #tpu.memory_space<vmem>>, vector<16xi32>,
      tpu.vector_store %arg15[%swap3A_184], %broadcast_in_dim3A_5 {strides = array<i32>} : memref<512xi32, #tpu.memory_space<vmem>>, vector<16xi32>,
      %swap3A_186 = arith.constant 160 : index
      %swap3A_187 = tpu.vector_load %arg15[%swap3A_186] {strides = array<i32>} : memref<512xi32, #tpu.memory_space<vmem>>, vector<16xi32>,
      tpu.vector_store %arg15[%swap3A_186], %broadcast_in_dim3A_5 {strides = array<i32>} : memref<512xi32, #tpu.memory_space<vmem>>, vector<16xi32>,
      %swap3A_188 = arith.constant 176 : index
      %swap3A_189 = tpu.vector_load %arg15[%swap3A_188] {strides = array<i32>} : memref<512xi32, #tpu.memory_space<vmem>>, vector<16xi32>,
      tpu.vector_store %arg15[%swap3A_188], %broadcast_in_dim3A_5 {strides = array<i32>} : memref<512xi32, #tpu.memory_space<vmem>>, vector<16xi32>,
      %swap3A_190 = arith.constant 192 : index
      %swap3A_191 = tpu.vector_load %arg15[%swap3A_190] {strides = array<i32>} : memref<512xi32, #tpu.memory_space<vmem>>, vector<16xi32>,
      tpu.vector_store %arg15[%swap3A_190], %broadcast_in_dim3A_5 {strides = array<i32>} : memref<512xi32, #tpu.memory_space<vmem>>, vector<16xi32>,
      %swap3A_192 = arith.constant 208 : index
      %swap3A_193 = tpu.vector_load %arg15[%swap3A_192] {strides = array<i32>} : memref<512xi32, #tpu.memory_space<vmem>>, vector<16xi32>,
      tpu.vector_store %arg15[%swap3A_192], %broadcast_in_dim3A_5 {strides = array<i32>} : memref<512xi32, #tpu.memory_space<vmem>>, vector<16xi32>,
      %swap3A_194 = arith.constant 224 : index
      %swap3A_195 = tpu.vector_load %arg15[%swap3A_194] {strides = array<i32>} : memref<512xi32, #tpu.memory_space<vmem>>, vector<16xi32>,
      tpu.vector_store %arg15[%swap3A_194], %broadcast_in_dim3A_5 {strides = array<i32>} : memref<512xi32, #tpu.memory_space<vmem>>, vector<16xi32>,
      %swap3A_196 = arith.constant 240 : index
      %swap3A_197 = tpu.vector_load %arg15[%swap3A_196] {strides = array<i32>} : memref<512xi32, #tpu.memory_space<vmem>>, vector<16xi32>,
      tpu.vector_store %arg15[%swap3A_196], %broadcast_in_dim3A_5 {strides = array<i32>} : memref<512xi32, #tpu.memory_space<vmem>>, vector<16xi32>,
      %swap3A_198 = arith.constant 256 : index
      %swap3A_199 = tpu.vector_load %arg15[%swap3A_198] {strides = array<i32>} : memref<512xi32, #tpu.memory_space<vmem>>, vector<16xi32>,
      tpu.vector_store %arg15[%swap3A_198], %broadcast_in_dim3A_5 {strides = array<i32>} : memref<512xi32, #tpu.memory_space<vmem>>, vector<16xi32>,
      %swap3A_200 = arith.constant 272 : index
      %swap3A_201 = tpu.vector_load %arg15[%swap3A_200] {strides = array<i32>} : memref<512xi32, #tpu.memory_space<vmem>>, vector<16xi32>,
      tpu.vector_store %arg15[%swap3A_200], %broadcast_in_dim3A_5 {strides = array<i32>} : memref<512xi32, #tpu.memory_space<vmem>>, vector<16xi32>,
      %swap3A_202 = arith.constant 288 : index
      %swap3A_203 = tpu.vector_load %arg15[%swap3A_202] {strides = array<i32>} : memref<512xi32, #tpu.memory_space<vmem>>, vector<16xi32>,
      tpu.vector_store %arg15[%swap3A_202], %broadcast_in_dim3A_5 {strides = array<i32>} : memref<512xi32, #tpu.memory_space<vmem>>, vector<16xi32>,
      %swap3A_204 = arith.constant 304 : index
      %swap3A_205 = tpu.vector_load %arg15[%swap3A_204] {strides = array<i32>} : memref<512xi32, #tpu.memory_space<vmem>>, vector<16xi32>,
      tpu.vector_store %arg15[%swap3A_204], %broadcast_in_dim3A_5 {strides = array<i32>} : memref<512xi32, #tpu.memory_space<vmem>>, vector<16xi32>,
      %swap3A_206 = arith.constant 320 : index
      %swap3A_207 = tpu.vector_load %arg15[%swap3A_206] {strides = array<i32>} : memref<512xi32, #tpu.memory_space<vmem>>, vector<16xi32>,
      tpu.vector_store %arg15[%swap3A_206], %broadcast_in_dim3A_5 {strides = array<i32>} : memref<512xi32, #tpu.memory_space<vmem>>, vector<16xi32>,
      %swap3A_208 = arith.constant 336 : index
      %swap3A_209 = tpu.vector_load %arg15[%swap3A_208] {strides = array<i32>} : memref<512xi32, #tpu.memory_space<vmem>>, vector<16xi32>,
      tpu.vector_store %arg15[%swap3A_208], %broadcast_in_dim3A_5 {strides = array<i32>} : memref<512xi32, #tpu.memory_space<vmem>>, vector<16xi32>,
      %swap3A_210 = arith.constant 352 : index
      %swap3A_211 = tpu.vector_load %arg15[%swap3A_210] {strides = array<i32>} : memref<512xi32, #tpu.memory_space<vmem>>, vector<16xi32>,
      tpu.vector_store %arg15[%swap3A_210], %broadcast_in_dim3A_5 {strides = array<i32>} : memref<512xi32, #tpu.memory_space<vmem>>, vector<16xi32>,
      %swap3A_212 = arith.constant 368 : index
      %swap3A_213 = tpu.vector_load %arg15[%swap3A_212] {strides = array<i32>} : memref<512xi32, #tpu.memory_space<vmem>>, vector<16xi32>,
      tpu.vector_store %arg15[%swap3A_212], %broadcast_in_dim3A_5 {strides = array<i32>} : memref<512xi32, #tpu.memory_space<vmem>>, vector<16xi32>,
      %swap3A_214 = arith.constant 384 : index
      %swap3A_215 = tpu.vector_load %arg15[%swap3A_214] {strides = array<i32>} : memref<512xi32, #tpu.memory_space<vmem>>, vector<16xi32>,
      tpu.vector_store %arg15[%swap3A_214], %broadcast_in_dim3A_5 {strides = array<i32>} : memref<512xi32, #tpu.memory_space<vmem>>, vector<16xi32>,
      %swap3A_216 = arith.constant 400 : index
      %swap3A_217 = tpu.vector_load %arg15[%swap3A_216] {strides = array<i32>} : memref<512xi32, #tpu.memory_space<vmem>>, vector<16xi32>,
      tpu.vector_store %arg15[%swap3A_216], %broadcast_in_dim3A_5 {strides = array<i32>} : memref<512xi32, #tpu.memory_space<vmem>>, vector<16xi32>,
      %swap3A_218 = arith.constant 416 : index
      %swap3A_219 = tpu.vector_load %arg15[%swap3A_218] {strides = array<i32>} : memref<512xi32, #tpu.memory_space<vmem>>, vector<16xi32>,
      tpu.vector_store %arg15[%swap3A_218], %broadcast_in_dim3A_5 {strides = array<i32>} : memref<512xi32, #tpu.memory_space<vmem>>, vector<16xi32>,
      %swap3A_220 = arith.constant 432 : index
      %swap3A_221 = tpu.vector_load %arg15[%swap3A_220] {strides = array<i32>} : memref<512xi32, #tpu.memory_space<vmem>>, vector<16xi32>,
      tpu.vector_store %arg15[%swap3A_220], %broadcast_in_dim3A_5 {strides = array<i32>} : memref<512xi32, #tpu.memory_space<vmem>>, vector<16xi32>,
      %swap3A_222 = arith.constant 448 : index
      %swap3A_223 = tpu.vector_load %arg15[%swap3A_222] {strides = array<i32>} : memref<512xi32, #tpu.memory_space<vmem>>, vector<16xi32>,
      tpu.vector_store %arg15[%swap3A_222], %broadcast_in_dim3A_5 {strides = array<i32>} : memref<512xi32, #tpu.memory_space<vmem>>, vector<16xi32>,
      %swap3A_224 = arith.constant 464 : index
      %swap3A_225 = tpu.vector_load %arg15[%swap3A_224] {strides = array<i32>} : memref<512xi32, #tpu.memory_space<vmem>>, vector<16xi32>,
      tpu.vector_store %arg15[%swap3A_224], %broadcast_in_dim3A_5 {strides = array<i32>} : memref<512xi32, #tpu.memory_space<vmem>>, vector<16xi32>,
      %swap3A_226 = arith.constant 480 : index
      %swap3A_227 = tpu.vector_load %arg15[%swap3A_226] {strides = array<i32>} : memref<512xi32, #tpu.memory_space<vmem>>, vector<16xi32>,
      tpu.vector_store %arg15[%swap3A_226], %broadcast_in_dim3A_5 {strides = array<i32>} : memref<512xi32, #tpu.memory_space<vmem>>, vector<16xi32>,
      %swap3A_228 = arith.constant 496 : index
      %swap3A_229 = tpu.vector_load %arg15[%swap3A_228] {strides = array<i32>} : memref<512xi32, #tpu.memory_space<vmem>>, vector<16xi32>,
      tpu.vector_store %arg15[%swap3A_228], %broadcast_in_dim3A_5 {strides = array<i32>} : memref<512xi32, #tpu.memory_space<vmem>>, vector<16xi32>,
      %scan3A_230 = arith.constant 0 : i32
      %scan3A_231 = arith.constant 0 : i32
      %scan3A_232 = arith.constant 768 : i32
      %scan3A_233 = arith.addi %scan3A_231, %scan3A_232 : i32
      %scan3A_234 = arith.constant 1 : i32
      scf.for %scan3A_666 = %scan3A_231 to %scan3A_233 step %scan3A_234  : i32 {
        %shift_right_arithmetic3A_667 = arith.constant 3 : i32
        %shift_right_arithmetic3A_668 = arith.shrsi %scan3A_666, %shift_right_arithmetic3A_667 : i32
        %and3A_669 = arith.constant 7 : i32
        %and3A_670 = arith.andi %scan3A_666, %and3A_669 : i32
        %mul3A_671 = arith.constant 16 : i32
        %mul3A_672 = arith.muli %and3A_670, %mul3A_671 : i32
        %get3A_673 = arith.index_cast %shift_right_arithmetic3A_668 : i32 to index
        %get3A_674 = arith.index_cast %mul3A_672 : i32 to index
        %get3A_675 = tpu.vector_load %arg9[%get3A_673, %get3A_674] {strides = array<i32>} : memref<96x128xf32, #tpu.memory_space<vmem>>, vector<16xf32>,
        %bitcast3A_676 = vector.bitcast %get3A_675 : vector<16xf32> to vector<16xi32>
        %shift_right_arithmetic3A_677 = arith.constant 5 : i32
        %shift_right_arithmetic3A_678 = vector.broadcast %shift_right_arithmetic3A_677 : i32 to vector<16xi32>
        %shift_right_arithmetic3A_679 = arith.shrsi %bitcast3A_676, %shift_right_arithmetic3A_678 : vector<16xi32>
        %and3A_680 = arith.constant 511 : i32
        %and3A_681 = vector.broadcast %and3A_680 : i32 to vector<16xi32>
        %and3A_682 = arith.andi %shift_right_arithmetic3A_679, %and3A_681 : vector<16xi32>
        %shift_right_arithmetic3A_683 = arith.constant 14 : i32
        %shift_right_arithmetic3A_684 = vector.broadcast %shift_right_arithmetic3A_683 : i32 to vector<16xi32>
        %shift_right_arithmetic3A_685 = arith.shrsi %bitcast3A_676, %shift_right_arithmetic3A_684 : vector<16xi32>
        %eq3A = vector.broadcast %or3A : i32 to vector<16xi32>
        %eq3A_686 = arith.cmpi eq, %shift_right_arithmetic3A_685, %eq3A : vector<16xi32>
        tpu.vector_store_idx %arg15[%and3A_682], %broadcast_in_dim3A_3 masked %eq3A_686 {add = true} : memref<512xi32, #tpu.memory_space<vmem>>[vector<16xi32>], vector<16xi32>, vector<16xi1>
      }
      %scan3A_235 = arith.constant 768 : i32
      %scan3A_236 = arith.constant 0 : i32
      %scan3A_237 = arith.constant -1 : i32
      %scan3A_238 = arith.constant -1 : i32
      %scan3A_239 = arith.constant 0 : i32
      %scan3A_240 = arith.constant 32 : i32
      %scan3A_241 = arith.addi %scan3A_239, %scan3A_240 : i32
      %scan3A_242 = arith.constant 1 : i32
      %scan3A_243:3 = scf.for %scan3A_666 = %scan3A_239 to %scan3A_241 step %scan3A_242 iter_args(%scan3A_667 = %scan3A_236, %scan3A_668 = %scan3A_237, %scan3A_669 = %scan3A_238) -> (i32, i32, i32)  : i32 {
        %add3A_670 = arith.constant 1 : i32
        %add3A_671 = arith.addi %scan3A_666, %add3A_670 : i32
        %mul3A_672 = arith.constant 16 : i32
        %mul3A_673 = arith.muli %mul3A_672, %add3A_671 : i32
        %sub3A_674 = arith.constant 512 : i32
        %sub3A_675 = arith.subi %sub3A_674, %mul3A_673 : i32
        %get3A_676 = arith.index_cast %sub3A_675 : i32 to index
        %get3A_677 = tpu.vector_load %arg15[%get3A_676] {strides = array<i32>} : memref<512xi32, #tpu.memory_space<vmem>>, vector<16xi32>,
        %rev3A = arith.constant 15 : i32
        %rev3A_678 = vector.broadcast %rev3A : i32 to vector<16xi32>
        %rev3A_679 = tpu.iota {dimensions = array<i32: 0>} : vector<16xi32>
        %rev3A_680 = arith.subi %rev3A_678, %rev3A_679 : vector<16xi32>
        %rev3A_681 = tpu.dynamic_gather %get3A_677[%rev3A_680] in [0] : vector<16xi32>, vector<16xi32> -> vector<16xi32>
        %broadcast_in_dim3A_682 = arith.constant true
        %broadcast_in_dim3A_683 = vector.broadcast %broadcast_in_dim3A_682 : i1 to vector<16xi1>
        %masked_cumsum3A = tpu.scan <sum>, %rev3A_681 masked %broadcast_in_dim3A_683 : vector<16xi32>, vector<16xi1> -> vector<16xi32>
        %add3A_684 = vector.broadcast %scan3A_667 : i32 to vector<16xi32>
        %add3A_685 = arith.addi %add3A_684, %masked_cumsum3A : vector<16xi32>
        %sub3A_686 = arith.subi %add3A_685, %rev3A_681 : vector<16xi32>
        %lt3A_687 = vector.broadcast %sub3A_165 : i32 to vector<16xi32>
        %lt3A_688 = arith.cmpi slt, %sub3A_686, %lt3A_687 : vector<16xi32>
        %add3A_689 = arith.addi %sub3A_686, %rev3A_681 : vector<16xi32>
        %ge3A = vector.broadcast %sub3A_165 : i32 to vector<16xi32>
        %ge3A_690 = arith.cmpi sge, %add3A_689, %ge3A : vector<16xi32>
        %and3A_691 = arith.andi %lt3A_688, %ge3A_690 : vector<16xi1>
        %sub3A_692 = arith.constant 15 : i32
        %sub3A_693 = vector.broadcast %sub3A_692 : i32 to vector<16xi32>
        %sub3A_694 = arith.subi %sub3A_693, %iota3A : vector<16xi32>
        %add3A_695 = vector.broadcast %sub3A_675 : i32 to vector<16xi32>
        %add3A_696 = arith.addi %add3A_695, %sub3A_694 : vector<16xi32>
        %jit3A_697 = arith.constant -1 : i32
        %broadcast_in_dim3A_698 = vector.broadcast %jit3A_697 : i32 to vector<16xi32>
        %select_n3A_699 = arith.select %and3A_691, %add3A_696, %broadcast_in_dim3A_698 : vector<16xi1>, vector<16xi32>
        %reduce_max3A = arith.constant true
        %reduce_max3A_700 = vector.broadcast %reduce_max3A : i1 to vector<16xi1>
        %reduce_max3A_701 = arith.constant -2147483648 : i32
        %reduce_max3A_702 = vector.broadcast %reduce_max3A_701 : i32 to vector<16xi32>
        %reduce_max3A_703 = arith.xori %select_n3A_699, %reduce_max3A_702 : vector<16xi32>
        %reduce_max3A_704 = tpu.scan <max>, %reduce_max3A_703 masked %reduce_max3A_700 : vector<16xi32>, vector<16xi1> -> vector<16xi32>
        %reduce_max3A_705 = arith.xori %reduce_max3A_704, %reduce_max3A_702 : vector<16xi32>
        %reduce_max3A_706 = vector.extract %reduce_max3A_705[15] : i32 from vector<16xi32>
        %max3A = arith.maxsi %scan3A_668, %reduce_max3A_706 : i32
        %jit3A_707 = arith.constant -1 : i32
        %broadcast_in_dim3A_708 = vector.broadcast %jit3A_707 : i32 to vector<16xi32>
        %select_n3A_709 = arith.select %and3A_691, %sub3A_686, %broadcast_in_dim3A_708 : vector<16xi1>, vector<16xi32>
        %reduce_max3A_710 = arith.constant true
        %reduce_max3A_711 = vector.broadcast %reduce_max3A_710 : i1 to vector<16xi1>
        %reduce_max3A_712 = arith.constant -2147483648 : i32
        %reduce_max3A_713 = vector.broadcast %reduce_max3A_712 : i32 to vector<16xi32>
        %reduce_max3A_714 = arith.xori %select_n3A_709, %reduce_max3A_713 : vector<16xi32>
        %reduce_max3A_715 = tpu.scan <max>, %reduce_max3A_714 masked %reduce_max3A_711 : vector<16xi32>, vector<16xi1> -> vector<16xi32>
        %reduce_max3A_716 = arith.xori %reduce_max3A_715, %reduce_max3A_713 : vector<16xi32>
        %reduce_max3A_717 = vector.extract %reduce_max3A_716[15] : i32 from vector<16xi32>
        %max3A_718 = arith.maxsi %scan3A_669, %reduce_max3A_717 : i32
        %reduce_sum3A = arith.constant true
        %reduce_sum3A_719 = vector.broadcast %reduce_sum3A : i1 to vector<16xi1>
        %reduce_sum3A_720 = tpu.scan <sum>, %get3A_677 masked %reduce_sum3A_719 : vector<16xi32>, vector<16xi1> -> vector<16xi32>
        %reduce_sum3A_721 = vector.extract %reduce_sum3A_720[15] : i32 from vector<16xi32>
        %add3A_722 = arith.addi %scan3A_667, %reduce_sum3A_721 : i32
        scf.yield %add3A_722, %max3A, %max3A_718 : i32, i32, i32
      }
      %scan3A_244 = arith.constant 32 : i32
      %shift_left3A_245 = arith.constant 9 : i32
      %shift_left3A_246 = arith.shli %or3A, %shift_left3A_245 : i32
      %or3A_247 = arith.ori %shift_left3A_246, %scan3A_243#1 : i32
      %sub3A_248 = arith.subi %sub3A_165, %scan3A_243#2 : i32
      %swap3A_249 = arith.constant 0 : index
      %swap3A_250 = tpu.vector_load %arg15[%swap3A_249] {strides = array<i32>} : memref<512xi32, #tpu.memory_space<vmem>>, vector<16xi32>,
      tpu.vector_store %arg15[%swap3A_249], %broadcast_in_dim3A_5 {strides = array<i32>} : memref<512xi32, #tpu.memory_space<vmem>>, vector<16xi32>,
      %swap3A_251 = arith.constant 16 : index
      %swap3A_252 = tpu.vector_load %arg15[%swap3A_251] {strides = array<i32>} : memref<512xi32, #tpu.memory_space<vmem>>, vector<16xi32>,
      tpu.vector_store %arg15[%swap3A_251], %broadcast_in_dim3A_5 {strides = array<i32>} : memref<512xi32, #tpu.memory_space<vmem>>, vector<16xi32>,
      %scan3A_253 = arith.constant 0 : i32
      %scan3A_254 = arith.constant 0 : i32
      %scan3A_255 = arith.constant 768 : i32
      %scan3A_256 = arith.addi %scan3A_254, %scan3A_255 : i32
      %scan3A_257 = arith.constant 1 : i32
      scf.for %scan3A_666 = %scan3A_254 to %scan3A_256 step %scan3A_257  : i32 {
        %shift_right_arithmetic3A_667 = arith.constant 3 : i32
        %shift_right_arithmetic3A_668 = arith.shrsi %scan3A_666, %shift_right_arithmetic3A_667 : i32
        %and3A_669 = arith.constant 7 : i32
        %and3A_670 = arith.andi %scan3A_666, %and3A_669 : i32
        %mul3A_671 = arith.constant 16 : i32
        %mul3A_672 = arith.muli %and3A_670, %mul3A_671 : i32
        %get3A_673 = arith.index_cast %shift_right_arithmetic3A_668 : i32 to index
        %get3A_674 = arith.index_cast %mul3A_672 : i32 to index
        %get3A_675 = tpu.vector_load %arg9[%get3A_673, %get3A_674] {strides = array<i32>} : memref<96x128xf32, #tpu.memory_space<vmem>>, vector<16xf32>,
        %bitcast3A_676 = vector.bitcast %get3A_675 : vector<16xf32> to vector<16xi32>
        %shift_right_arithmetic3A_677 = arith.constant 0 : i32
        %shift_right_arithmetic3A_678 = vector.broadcast %shift_right_arithmetic3A_677 : i32 to vector<16xi32>
        %shift_right_arithmetic3A_679 = arith.shrsi %bitcast3A_676, %shift_right_arithmetic3A_678 : vector<16xi32>
        %and3A_680 = arith.constant 31 : i32
        %and3A_681 = vector.broadcast %and3A_680 : i32 to vector<16xi32>
        %and3A_682 = arith.andi %shift_right_arithmetic3A_679, %and3A_681 : vector<16xi32>
        %shift_right_arithmetic3A_683 = arith.constant 5 : i32
        %shift_right_arithmetic3A_684 = vector.broadcast %shift_right_arithmetic3A_683 : i32 to vector<16xi32>
        %shift_right_arithmetic3A_685 = arith.shrsi %bitcast3A_676, %shift_right_arithmetic3A_684 : vector<16xi32>
        %eq3A = vector.broadcast %or3A_247 : i32 to vector<16xi32>
        %eq3A_686 = arith.cmpi eq, %shift_right_arithmetic3A_685, %eq3A : vector<16xi32>
        tpu.vector_store_idx %arg15[%and3A_682], %broadcast_in_dim3A_3 masked %eq3A_686 {add = true} : memref<512xi32, #tpu.memory_space<vmem>>[vector<16xi32>], vector<16xi32>, vector<16xi1>
      }
      %scan3A_258 = arith.constant 768 : i32
      %scan3A_259 = arith.constant 0 : i32
      %scan3A_260 = arith.constant -1 : i32
      %scan3A_261 = arith.constant -1 : i32
      %scan3A_262 = arith.constant 0 : i32
      %scan3A_263 = arith.constant 2 : i32
      %scan3A_264 = arith.addi %scan3A_262, %scan3A_263 : i32
      %scan3A_265 = arith.constant 1 : i32
      %scan3A_266:3 = scf.for %scan3A_666 = %scan3A_262 to %scan3A_264 step %scan3A_265 iter_args(%scan3A_667 = %scan3A_259, %scan3A_668 = %scan3A_260, %scan3A_669 = %scan3A_261) -> (i32, i32, i32)  : i32 {
        %add3A_670 = arith.constant 1 : i32
        %add3A_671 = arith.addi %scan3A_666, %add3A_670 : i32
        %mul3A_672 = arith.constant 16 : i32
        %mul3A_673 = arith.muli %mul3A_672, %add3A_671 : i32
        %sub3A_674 = arith.constant 32 : i32
        %sub3A_675 = arith.subi %sub3A_674, %mul3A_673 : i32
        %get3A_676 = arith.index_cast %sub3A_675 : i32 to index
        %get3A_677 = tpu.vector_load %arg15[%get3A_676] {strides = array<i32>} : memref<512xi32, #tpu.memory_space<vmem>>, vector<16xi32>,
        %rev3A = arith.constant 15 : i32
        %rev3A_678 = vector.broadcast %rev3A : i32 to vector<16xi32>
        %rev3A_679 = tpu.iota {dimensions = array<i32: 0>} : vector<16xi32>
        %rev3A_680 = arith.subi %rev3A_678, %rev3A_679 : vector<16xi32>
        %rev3A_681 = tpu.dynamic_gather %get3A_677[%rev3A_680] in [0] : vector<16xi32>, vector<16xi32> -> vector<16xi32>
        %broadcast_in_dim3A_682 = arith.constant true
        %broadcast_in_dim3A_683 = vector.broadcast %broadcast_in_dim3A_682 : i1 to vector<16xi1>
        %masked_cumsum3A = tpu.scan <sum>, %rev3A_681 masked %broadcast_in_dim3A_683 : vector<16xi32>, vector<16xi1> -> vector<16xi32>
        %add3A_684 = vector.broadcast %scan3A_667 : i32 to vector<16xi32>
        %add3A_685 = arith.addi %add3A_684, %masked_cumsum3A : vector<16xi32>
        %sub3A_686 = arith.subi %add3A_685, %rev3A_681 : vector<16xi32>
        %lt3A_687 = vector.broadcast %sub3A_248 : i32 to vector<16xi32>
        %lt3A_688 = arith.cmpi slt, %sub3A_686, %lt3A_687 : vector<16xi32>
        %add3A_689 = arith.addi %sub3A_686, %rev3A_681 : vector<16xi32>
        %ge3A = vector.broadcast %sub3A_248 : i32 to vector<16xi32>
        %ge3A_690 = arith.cmpi sge, %add3A_689, %ge3A : vector<16xi32>
        %and3A_691 = arith.andi %lt3A_688, %ge3A_690 : vector<16xi1>
        %sub3A_692 = arith.constant 15 : i32
        %sub3A_693 = vector.broadcast %sub3A_692 : i32 to vector<16xi32>
        %sub3A_694 = arith.subi %sub3A_693, %iota3A : vector<16xi32>
        %add3A_695 = vector.broadcast %sub3A_675 : i32 to vector<16xi32>
        %add3A_696 = arith.addi %add3A_695, %sub3A_694 : vector<16xi32>
        %jit3A_697 = arith.constant -1 : i32
        %broadcast_in_dim3A_698 = vector.broadcast %jit3A_697 : i32 to vector<16xi32>
        %select_n3A_699 = arith.select %and3A_691, %add3A_696, %broadcast_in_dim3A_698 : vector<16xi1>, vector<16xi32>
        %reduce_max3A = arith.constant true
        %reduce_max3A_700 = vector.broadcast %reduce_max3A : i1 to vector<16xi1>
        %reduce_max3A_701 = arith.constant -2147483648 : i32
        %reduce_max3A_702 = vector.broadcast %reduce_max3A_701 : i32 to vector<16xi32>
        %reduce_max3A_703 = arith.xori %select_n3A_699, %reduce_max3A_702 : vector<16xi32>
        %reduce_max3A_704 = tpu.scan <max>, %reduce_max3A_703 masked %reduce_max3A_700 : vector<16xi32>, vector<16xi1> -> vector<16xi32>
        %reduce_max3A_705 = arith.xori %reduce_max3A_704, %reduce_max3A_702 : vector<16xi32>
        %reduce_max3A_706 = vector.extract %reduce_max3A_705[15] : i32 from vector<16xi32>
        %max3A = arith.maxsi %scan3A_668, %reduce_max3A_706 : i32
        %jit3A_707 = arith.constant -1 : i32
        %broadcast_in_dim3A_708 = vector.broadcast %jit3A_707 : i32 to vector<16xi32>
        %select_n3A_709 = arith.select %and3A_691, %sub3A_686, %broadcast_in_dim3A_708 : vector<16xi1>, vector<16xi32>
        %reduce_max3A_710 = arith.constant true
        %reduce_max3A_711 = vector.broadcast %reduce_max3A_710 : i1 to vector<16xi1>
        %reduce_max3A_712 = arith.constant -2147483648 : i32
        %reduce_max3A_713 = vector.broadcast %reduce_max3A_712 : i32 to vector<16xi32>
        %reduce_max3A_714 = arith.xori %select_n3A_709, %reduce_max3A_713 : vector<16xi32>
        %reduce_max3A_715 = tpu.scan <max>, %reduce_max3A_714 masked %reduce_max3A_711 : vector<16xi32>, vector<16xi1> -> vector<16xi32>
        %reduce_max3A_716 = arith.xori %reduce_max3A_715, %reduce_max3A_713 : vector<16xi32>
        %reduce_max3A_717 = vector.extract %reduce_max3A_716[15] : i32 from vector<16xi32>
        %max3A_718 = arith.maxsi %scan3A_669, %reduce_max3A_717 : i32
        %reduce_sum3A = arith.constant true
        %reduce_sum3A_719 = vector.broadcast %reduce_sum3A : i1 to vector<16xi1>
        %reduce_sum3A_720 = tpu.scan <sum>, %get3A_677 masked %reduce_sum3A_719 : vector<16xi32>, vector<16xi1> -> vector<16xi32>
        %reduce_sum3A_721 = vector.extract %reduce_sum3A_720[15] : i32 from vector<16xi32>
        %add3A_722 = arith.addi %scan3A_667, %reduce_sum3A_721 : i32
        scf.yield %add3A_722, %max3A, %max3A_718 : i32, i32, i32
      }
      %scan3A_267 = arith.constant 2 : i32
      %shift_left3A_268 = arith.constant 5 : i32
      %shift_left3A_269 = arith.shli %or3A_247, %shift_left3A_268 : i32
      %or3A_270 = arith.ori %shift_left3A_269, %scan3A_266#1 : i32
      %sub3A_271 = arith.subi %sub3A_248, %scan3A_266#2 : i32
      %broadcast_in_dim3A_272 = arith.constant 1073741824 : i32
      %broadcast_in_dim3A_273 = vector.broadcast %broadcast_in_dim3A_272 : i32 to vector<16xi32>
      %broadcast_in_dim3A_274 = arith.constant -1 : i32
      %broadcast_in_dim3A_275 = vector.broadcast %broadcast_in_dim3A_274 : i32 to vector<16xi32>
      %swap3A_276 = arith.constant 0 : index
      %swap3A_277 = tpu.vector_load %arg16[%swap3A_276] {strides = array<i32>} : memref<112xi32, #tpu.memory_space<vmem>>, vector<16xi32>,
      tpu.vector_store %arg16[%swap3A_276], %broadcast_in_dim3A_275 {strides = array<i32>} : memref<112xi32, #tpu.memory_space<vmem>>, vector<16xi32>,
      %swap3A_278 = arith.constant 0 : index
      %swap3A_279 = tpu.vector_load %arg17[%swap3A_278] {strides = array<i32>} : memref<112xi32, #tpu.memory_space<vmem>>, vector<16xi32>,
      tpu.vector_store %arg17[%swap3A_278], %broadcast_in_dim3A_273 {strides = array<i32>} : memref<112xi32, #tpu.memory_space<vmem>>, vector<16xi32>,
      %broadcast_in_dim3A_280 = arith.constant -1 : i32
      %broadcast_in_dim3A_281 = vector.broadcast %broadcast_in_dim3A_280 : i32 to vector<16xi32>
      %swap3A_282 = arith.constant 16 : index
      %swap3A_283 = tpu.vector_load %arg16[%swap3A_282] {strides = array<i32>} : memref<112xi32, #tpu.memory_space<vmem>>, vector<16xi32>,
      tpu.vector_store %arg16[%swap3A_282], %broadcast_in_dim3A_281 {strides = array<i32>} : memref<112xi32, #tpu.memory_space<vmem>>, vector<16xi32>,
      %swap3A_284 = arith.constant 16 : index
      %swap3A_285 = tpu.vector_load %arg17[%swap3A_284] {strides = array<i32>} : memref<112xi32, #tpu.memory_space<vmem>>, vector<16xi32>,
      tpu.vector_store %arg17[%swap3A_284], %broadcast_in_dim3A_273 {strides = array<i32>} : memref<112xi32, #tpu.memory_space<vmem>>, vector<16xi32>,
      %broadcast_in_dim3A_286 = arith.constant -1 : i32
      %broadcast_in_dim3A_287 = vector.broadcast %broadcast_in_dim3A_286 : i32 to vector<16xi32>
      %swap3A_288 = arith.constant 32 : index
      %swap3A_289 = tpu.vector_load %arg16[%swap3A_288] {strides = array<i32>} : memref<112xi32, #tpu.memory_space<vmem>>, vector<16xi32>,
      tpu.vector_store %arg16[%swap3A_288], %broadcast_in_dim3A_287 {strides = array<i32>} : memref<112xi32, #tpu.memory_space<vmem>>, vector<16xi32>,
      %swap3A_290 = arith.constant 32 : index
      %swap3A_291 = tpu.vector_load %arg17[%swap3A_290] {strides = array<i32>} : memref<112xi32, #tpu.memory_space<vmem>>, vector<16xi32>,
      tpu.vector_store %arg17[%swap3A_290], %broadcast_in_dim3A_273 {strides = array<i32>} : memref<112xi32, #tpu.memory_space<vmem>>, vector<16xi32>,
      %broadcast_in_dim3A_292 = arith.constant -1 : i32
      %broadcast_in_dim3A_293 = vector.broadcast %broadcast_in_dim3A_292 : i32 to vector<16xi32>
      %swap3A_294 = arith.constant 48 : index
      %swap3A_295 = tpu.vector_load %arg16[%swap3A_294] {strides = array<i32>} : memref<112xi32, #tpu.memory_space<vmem>>, vector<16xi32>,
      tpu.vector_store %arg16[%swap3A_294], %broadcast_in_dim3A_293 {strides = array<i32>} : memref<112xi32, #tpu.memory_space<vmem>>, vector<16xi32>,
      %swap3A_296 = arith.constant 48 : index
      %swap3A_297 = tpu.vector_load %arg17[%swap3A_296] {strides = array<i32>} : memref<112xi32, #tpu.memory_space<vmem>>, vector<16xi32>,
      tpu.vector_store %arg17[%swap3A_296], %broadcast_in_dim3A_273 {strides = array<i32>} : memref<112xi32, #tpu.memory_space<vmem>>, vector<16xi32>,
      %broadcast_in_dim3A_298 = arith.constant -1 : i32
      %broadcast_in_dim3A_299 = vector.broadcast %broadcast_in_dim3A_298 : i32 to vector<16xi32>
      %swap3A_300 = arith.constant 64 : index
      %swap3A_301 = tpu.vector_load %arg16[%swap3A_300] {strides = array<i32>} : memref<112xi32, #tpu.memory_space<vmem>>, vector<16xi32>,
      tpu.vector_store %arg16[%swap3A_300], %broadcast_in_dim3A_299 {strides = array<i32>} : memref<112xi32, #tpu.memory_space<vmem>>, vector<16xi32>,
      %swap3A_302 = arith.constant 64 : index
      %swap3A_303 = tpu.vector_load %arg17[%swap3A_302] {strides = array<i32>} : memref<112xi32, #tpu.memory_space<vmem>>, vector<16xi32>,
      tpu.vector_store %arg17[%swap3A_302], %broadcast_in_dim3A_273 {strides = array<i32>} : memref<112xi32, #tpu.memory_space<vmem>>, vector<16xi32>,
      %broadcast_in_dim3A_304 = arith.constant -1 : i32
      %broadcast_in_dim3A_305 = vector.broadcast %broadcast_in_dim3A_304 : i32 to vector<16xi32>
      %swap3A_306 = arith.constant 80 : index
      %swap3A_307 = tpu.vector_load %arg16[%swap3A_306] {strides = array<i32>} : memref<112xi32, #tpu.memory_space<vmem>>, vector<16xi32>,
      tpu.vector_store %arg16[%swap3A_306], %broadcast_in_dim3A_305 {strides = array<i32>} : memref<112xi32, #tpu.memory_space<vmem>>, vector<16xi32>,
      %swap3A_308 = arith.constant 80 : index
      %swap3A_309 = tpu.vector_load %arg17[%swap3A_308] {strides = array<i32>} : memref<112xi32, #tpu.memory_space<vmem>>, vector<16xi32>,
      tpu.vector_store %arg17[%swap3A_308], %broadcast_in_dim3A_273 {strides = array<i32>} : memref<112xi32, #tpu.memory_space<vmem>>, vector<16xi32>,
      %broadcast_in_dim3A_310 = arith.constant -1 : i32
      %broadcast_in_dim3A_311 = vector.broadcast %broadcast_in_dim3A_310 : i32 to vector<16xi32>
      %swap3A_312 = arith.constant 96 : index
      %swap3A_313 = tpu.vector_load %arg16[%swap3A_312] {strides = array<i32>} : memref<112xi32, #tpu.memory_space<vmem>>, vector<16xi32>,
      tpu.vector_store %arg16[%swap3A_312], %broadcast_in_dim3A_311 {strides = array<i32>} : memref<112xi32, #tpu.memory_space<vmem>>, vector<16xi32>,
      %swap3A_314 = arith.constant 96 : index
      %swap3A_315 = tpu.vector_load %arg17[%swap3A_314] {strides = array<i32>} : memref<112xi32, #tpu.memory_space<vmem>>, vector<16xi32>,
      tpu.vector_store %arg17[%swap3A_314], %broadcast_in_dim3A_273 {strides = array<i32>} : memref<112xi32, #tpu.memory_space<vmem>>, vector<16xi32>,
      %scan3A_316 = arith.constant 0 : i32
      %scan3A_317 = arith.constant 0 : i32
      %scan3A_318 = arith.constant 0 : i32
      %scan3A_319 = arith.constant 768 : i32
      %scan3A_320 = arith.addi %scan3A_318, %scan3A_319 : i32
      %scan3A_321 = arith.constant 1 : i32
      %scan3A_322:2 = scf.for %scan3A_666 = %scan3A_318 to %scan3A_320 step %scan3A_321 iter_args(%scan3A_667 = %scan3A_316, %scan3A_668 = %scan3A_317) -> (i32, i32)  : i32 {
        %shift_right_arithmetic3A_669 = arith.constant 3 : i32
        %shift_right_arithmetic3A_670 = arith.shrsi %scan3A_666, %shift_right_arithmetic3A_669 : i32
        %and3A_671 = arith.constant 7 : i32
        %and3A_672 = arith.andi %scan3A_666, %and3A_671 : i32
        %mul3A_673 = arith.constant 16 : i32
        %mul3A_674 = arith.muli %and3A_672, %mul3A_673 : i32
        %get3A_675 = arith.index_cast %shift_right_arithmetic3A_670 : i32 to index
        %get3A_676 = arith.index_cast %mul3A_674 : i32 to index
        %get3A_677 = tpu.vector_load %arg9[%get3A_675, %get3A_676] {strides = array<i32>} : memref<96x128xf32, #tpu.memory_space<vmem>>, vector<16xf32>,
        %bitcast3A_678 = vector.bitcast %get3A_677 : vector<16xf32> to vector<16xi32>
        %mul3A_679 = arith.constant 16 : i32
        %mul3A_680 = arith.muli %scan3A_666, %mul3A_679 : i32
        %add3A_681 = vector.broadcast %mul3A_680 : i32 to vector<16xi32>
        %add3A_682 = arith.addi %iota3A, %add3A_681 : vector<16xi32>
        %gt3A = vector.broadcast %or3A_270 : i32 to vector<16xi32>
        %gt3A_683 = arith.cmpi sgt, %bitcast3A_678, %gt3A : vector<16xi32>
        %eq3A = vector.broadcast %or3A_270 : i32 to vector<16xi32>
        %eq3A_684 = arith.cmpi eq, %bitcast3A_678, %eq3A : vector<16xi32>
        %convert_element_type3A_685 = arith.extui %eq3A_684 : vector<16xi1> to vector<16xi32>
        %broadcast_in_dim3A_686 = arith.constant true
        %broadcast_in_dim3A_687 = vector.broadcast %broadcast_in_dim3A_686 : i1 to vector<16xi1>
        %masked_cumsum3A = tpu.scan <sum>, %convert_element_type3A_685 masked %broadcast_in_dim3A_687 : vector<16xi32>, vector<16xi1> -> vector<16xi32>
        %add3A_688 = vector.broadcast %scan3A_668 : i32 to vector<16xi32>
        %add3A_689 = arith.addi %add3A_688, %masked_cumsum3A : vector<16xi32>
        %sub3A_690 = arith.constant 1 : i32
        %sub3A_691 = vector.broadcast %sub3A_690 : i32 to vector<16xi32>
        %sub3A_692 = arith.subi %add3A_689, %sub3A_691 : vector<16xi32>
        %lt3A_693 = vector.broadcast %sub3A_271 : i32 to vector<16xi32>
        %lt3A_694 = arith.cmpi slt, %sub3A_692, %lt3A_693 : vector<16xi32>
        %and3A_695 = arith.andi %eq3A_684, %lt3A_694 : vector<16xi1>
        %or3A_696 = arith.ori %gt3A_683, %and3A_695 : vector<16xi1>
        %convert_element_type3A_697 = arith.extui %or3A_696 : vector<16xi1> to vector<16xi32>
        %broadcast_in_dim3A_698 = arith.constant true
        %broadcast_in_dim3A_699 = vector.broadcast %broadcast_in_dim3A_698 : i1 to vector<16xi1>
        %masked_cumsum3A_700 = tpu.scan <sum>, %convert_element_type3A_697 masked %broadcast_in_dim3A_699 : vector<16xi32>, vector<16xi1> -> vector<16xi32>
        %add3A_701 = vector.broadcast %scan3A_667 : i32 to vector<16xi32>
        %add3A_702 = arith.addi %add3A_701, %masked_cumsum3A_700 : vector<16xi32>
        %sub3A_703 = arith.constant 1 : i32
        %sub3A_704 = vector.broadcast %sub3A_703 : i32 to vector<16xi32>
        %sub3A_705 = arith.subi %add3A_702, %sub3A_704 : vector<16xi32>
        tpu.vector_store_idx %arg16[%sub3A_705], %bitcast3A_678 masked %or3A_696 : memref<112xi32, #tpu.memory_space<vmem>>[vector<16xi32>], vector<16xi32>, vector<16xi1>
        tpu.vector_store_idx %arg17[%sub3A_705], %add3A_682 masked %or3A_696 : memref<112xi32, #tpu.memory_space<vmem>>[vector<16xi32>], vector<16xi32>, vector<16xi1>
        %convert_element_type3A_706 = arith.extui %or3A_696 : vector<16xi1> to vector<16xi32>
        %reduce_sum3A = arith.constant true
        %reduce_sum3A_707 = vector.broadcast %reduce_sum3A : i1 to vector<16xi1>
        %reduce_sum3A_708 = tpu.scan <sum>, %convert_element_type3A_706 masked %reduce_sum3A_707 : vector<16xi32>, vector<16xi1> -> vector<16xi32>
        %reduce_sum3A_709 = vector.extract %reduce_sum3A_708[15] : i32 from vector<16xi32>
        %add3A_710 = arith.addi %scan3A_667, %reduce_sum3A_709 : i32
        %convert_element_type3A_711 = arith.extui %eq3A_684 : vector<16xi1> to vector<16xi32>
        %reduce_sum3A_712 = arith.constant true
        %reduce_sum3A_713 = vector.broadcast %reduce_sum3A_712 : i1 to vector<16xi1>
        %reduce_sum3A_714 = tpu.scan <sum>, %convert_element_type3A_711 masked %reduce_sum3A_713 : vector<16xi32>, vector<16xi1> -> vector<16xi32>
        %reduce_sum3A_715 = vector.extract %reduce_sum3A_714[15] : i32 from vector<16xi32>
        %add3A_716 = arith.addi %scan3A_668, %reduce_sum3A_715 : i32
        scf.yield %add3A_710, %add3A_716 : i32, i32
      }
      %scan3A_323 = arith.constant 768 : i32
      %scan3A_324 = arith.constant 0 : i32
      %scan3A_325 = arith.constant 0 : i32
      %scan3A_326 = arith.constant 100 : i32
      %scan3A_327 = arith.addi %scan3A_325, %scan3A_326 : i32
      %scan3A_328 = arith.constant 1 : i32
      scf.for %scan3A_666 = %scan3A_325 to %scan3A_327 step %scan3A_328  : i32 {
        %broadcast_in_dim3A_667 = arith.constant -1 : i32
        %broadcast_in_dim3A_668 = vector.broadcast %broadcast_in_dim3A_667 : i32 to vector<16xi32>
        %get3A_669 = arith.constant 0 : index
        %get3A_670 = tpu.vector_load %arg16[%get3A_669] {strides = array<i32>} : memref<112xi32, #tpu.memory_space<vmem>>, vector<16xi32>,
        %get3A_671 = arith.constant 0 : index
        %get3A_672 = tpu.vector_load %arg17[%get3A_671] {strides = array<i32>} : memref<112xi32, #tpu.memory_space<vmem>>, vector<16xi32>,
        %gt3A = arith.cmpi sgt, %get3A_670, %broadcast_in_dim3A_668 : vector<16xi32>
        %eq3A = arith.cmpi eq, %get3A_670, %broadcast_in_dim3A_668 : vector<16xi32>
        %lt3A_673 = arith.cmpi slt, %get3A_672, %broadcast_in_dim3A_273 : vector<16xi32>
        %and3A_674 = arith.andi %eq3A, %lt3A_673 : vector<16xi1>
        %or3A_675 = arith.ori %gt3A, %and3A_674 : vector<16xi1>
        %select_n3A_676 = arith.select %or3A_675, %get3A_670, %broadcast_in_dim3A_668 : vector<16xi1>, vector<16xi32>
        %select_n3A_677 = arith.select %or3A_675, %get3A_672, %broadcast_in_dim3A_273 : vector<16xi1>, vector<16xi32>
        %get3A_678 = arith.constant 16 : index
        %get3A_679 = tpu.vector_load %arg16[%get3A_678] {strides = array<i32>} : memref<112xi32, #tpu.memory_space<vmem>>, vector<16xi32>,
        %get3A_680 = arith.constant 16 : index
        %get3A_681 = tpu.vector_load %arg17[%get3A_680] {strides = array<i32>} : memref<112xi32, #tpu.memory_space<vmem>>, vector<16xi32>,
        %gt3A_682 = arith.cmpi sgt, %get3A_679, %select_n3A_676 : vector<16xi32>
        %eq3A_683 = arith.cmpi eq, %get3A_679, %select_n3A_676 : vector<16xi32>
        %lt3A_684 = arith.cmpi slt, %get3A_681, %select_n3A_677 : vector<16xi32>
        %and3A_685 = arith.andi %eq3A_683, %lt3A_684 : vector<16xi1>
        %or3A_686 = arith.ori %gt3A_682, %and3A_685 : vector<16xi1>
        %select_n3A_687 = arith.select %or3A_686, %get3A_679, %select_n3A_676 : vector<16xi1>, vector<16xi32>
        %select_n3A_688 = arith.select %or3A_686, %get3A_681, %select_n3A_677 : vector<16xi1>, vector<16xi32>
        %get3A_689 = arith.constant 32 : index
        %get3A_690 = tpu.vector_load %arg16[%get3A_689] {strides = array<i32>} : memref<112xi32, #tpu.memory_space<vmem>>, vector<16xi32>,
        %get3A_691 = arith.constant 32 : index
        %get3A_692 = tpu.vector_load %arg17[%get3A_691] {strides = array<i32>} : memref<112xi32, #tpu.memory_space<vmem>>, vector<16xi32>,
        %gt3A_693 = arith.cmpi sgt, %get3A_690, %select_n3A_687 : vector<16xi32>
        %eq3A_694 = arith.cmpi eq, %get3A_690, %select_n3A_687 : vector<16xi32>
        %lt3A_695 = arith.cmpi slt, %get3A_692, %select_n3A_688 : vector<16xi32>
        %and3A_696 = arith.andi %eq3A_694, %lt3A_695 : vector<16xi1>
        %or3A_697 = arith.ori %gt3A_693, %and3A_696 : vector<16xi1>
        %select_n3A_698 = arith.select %or3A_697, %get3A_690, %select_n3A_687 : vector<16xi1>, vector<16xi32>
        %select_n3A_699 = arith.select %or3A_697, %get3A_692, %select_n3A_688 : vector<16xi1>, vector<16xi32>
        %get3A_700 = arith.constant 48 : index
        %get3A_701 = tpu.vector_load %arg16[%get3A_700] {strides = array<i32>} : memref<112xi32, #tpu.memory_space<vmem>>, vector<16xi32>,
        %get3A_702 = arith.constant 48 : index
        %get3A_703 = tpu.vector_load %arg17[%get3A_702] {strides = array<i32>} : memref<112xi32, #tpu.memory_space<vmem>>, vector<16xi32>,
        %gt3A_704 = arith.cmpi sgt, %get3A_701, %select_n3A_698 : vector<16xi32>
        %eq3A_705 = arith.cmpi eq, %get3A_701, %select_n3A_698 : vector<16xi32>
        %lt3A_706 = arith.cmpi slt, %get3A_703, %select_n3A_699 : vector<16xi32>
        %and3A_707 = arith.andi %eq3A_705, %lt3A_706 : vector<16xi1>
        %or3A_708 = arith.ori %gt3A_704, %and3A_707 : vector<16xi1>
        %select_n3A_709 = arith.select %or3A_708, %get3A_701, %select_n3A_698 : vector<16xi1>, vector<16xi32>
        %select_n3A_710 = arith.select %or3A_708, %get3A_703, %select_n3A_699 : vector<16xi1>, vector<16xi32>
        %get3A_711 = arith.constant 64 : index
        %get3A_712 = tpu.vector_load %arg16[%get3A_711] {strides = array<i32>} : memref<112xi32, #tpu.memory_space<vmem>>, vector<16xi32>,
        %get3A_713 = arith.constant 64 : index
        %get3A_714 = tpu.vector_load %arg17[%get3A_713] {strides = array<i32>} : memref<112xi32, #tpu.memory_space<vmem>>, vector<16xi32>,
        %gt3A_715 = arith.cmpi sgt, %get3A_712, %select_n3A_709 : vector<16xi32>
        %eq3A_716 = arith.cmpi eq, %get3A_712, %select_n3A_709 : vector<16xi32>
        %lt3A_717 = arith.cmpi slt, %get3A_714, %select_n3A_710 : vector<16xi32>
        %and3A_718 = arith.andi %eq3A_716, %lt3A_717 : vector<16xi1>
        %or3A_719 = arith.ori %gt3A_715, %and3A_718 : vector<16xi1>
        %select_n3A_720 = arith.select %or3A_719, %get3A_712, %select_n3A_709 : vector<16xi1>, vector<16xi32>
        %select_n3A_721 = arith.select %or3A_719, %get3A_714, %select_n3A_710 : vector<16xi1>, vector<16xi32>
        %get3A_722 = arith.constant 80 : index
        %get3A_723 = tpu.vector_load %arg16[%get3A_722] {strides = array<i32>} : memref<112xi32, #tpu.memory_space<vmem>>, vector<16xi32>,
        %get3A_724 = arith.constant 80 : index
        %get3A_725 = tpu.vector_load %arg17[%get3A_724] {strides = array<i32>} : memref<112xi32, #tpu.memory_space<vmem>>, vector<16xi32>,
        %gt3A_726 = arith.cmpi sgt, %get3A_723, %select_n3A_720 : vector<16xi32>
        %eq3A_727 = arith.cmpi eq, %get3A_723, %select_n3A_720 : vector<16xi32>
        %lt3A_728 = arith.cmpi slt, %get3A_725, %select_n3A_721 : vector<16xi32>
        %and3A_729 = arith.andi %eq3A_727, %lt3A_728 : vector<16xi1>
        %or3A_730 = arith.ori %gt3A_726, %and3A_729 : vector<16xi1>
        %select_n3A_731 = arith.select %or3A_730, %get3A_723, %select_n3A_720 : vector<16xi1>, vector<16xi32>
        %select_n3A_732 = arith.select %or3A_730, %get3A_725, %select_n3A_721 : vector<16xi1>, vector<16xi32>
        %get3A_733 = arith.constant 96 : index
        %get3A_734 = tpu.vector_load %arg16[%get3A_733] {strides = array<i32>} : memref<112xi32, #tpu.memory_space<vmem>>, vector<16xi32>,
        %get3A_735 = arith.constant 96 : index
        %get3A_736 = tpu.vector_load %arg17[%get3A_735] {strides = array<i32>} : memref<112xi32, #tpu.memory_space<vmem>>, vector<16xi32>,
        %gt3A_737 = arith.cmpi sgt, %get3A_734, %select_n3A_731 : vector<16xi32>
        %eq3A_738 = arith.cmpi eq, %get3A_734, %select_n3A_731 : vector<16xi32>
        %lt3A_739 = arith.cmpi slt, %get3A_736, %select_n3A_732 : vector<16xi32>
        %and3A_740 = arith.andi %eq3A_738, %lt3A_739 : vector<16xi1>
        %or3A_741 = arith.ori %gt3A_737, %and3A_740 : vector<16xi1>
        %select_n3A_742 = arith.select %or3A_741, %get3A_734, %select_n3A_731 : vector<16xi1>, vector<16xi32>
        %select_n3A_743 = arith.select %or3A_741, %get3A_736, %select_n3A_732 : vector<16xi1>, vector<16xi32>
        %reduce_max3A = arith.constant true
        %reduce_max3A_744 = vector.broadcast %reduce_max3A : i1 to vector<16xi1>
        %reduce_max3A_745 = arith.constant -2147483648 : i32
        %reduce_max3A_746 = vector.broadcast %reduce_max3A_745 : i32 to vector<16xi32>
        %reduce_max3A_747 = arith.xori %select_n3A_742, %reduce_max3A_746 : vector<16xi32>
        %reduce_max3A_748 = tpu.scan <max>, %reduce_max3A_747 masked %reduce_max3A_744 : vector<16xi32>, vector<16xi1> -> vector<16xi32>
        %reduce_max3A_749 = arith.xori %reduce_max3A_748, %reduce_max3A_746 : vector<16xi32>
        %reduce_max3A_750 = vector.extract %reduce_max3A_749[15] : i32 from vector<16xi32>
        %eq3A_751 = vector.broadcast %reduce_max3A_750 : i32 to vector<16xi32>
        %eq3A_752 = arith.cmpi eq, %select_n3A_742, %eq3A_751 : vector<16xi32>
        %select_n3A_753 = arith.select %eq3A_752, %select_n3A_743, %broadcast_in_dim3A_273 : vector<16xi1>, vector<16xi32>
        %reduce_min3A = arith.constant true
        %reduce_min3A_754 = vector.broadcast %reduce_min3A : i1 to vector<16xi1>
        %reduce_min3A_755 = arith.constant -2147483648 : i32
        %reduce_min3A_756 = vector.broadcast %reduce_min3A_755 : i32 to vector<16xi32>
        %reduce_min3A_757 = arith.xori %select_n3A_753, %reduce_min3A_756 : vector<16xi32>
        %reduce_min3A_758 = tpu.scan <min>, %reduce_min3A_757 masked %reduce_min3A_754 : vector<16xi32>, vector<16xi1> -> vector<16xi32>
        %reduce_min3A_759 = arith.xori %reduce_min3A_758, %reduce_min3A_756 : vector<16xi32>
        %reduce_min3A_760 = vector.extract %reduce_min3A_759[15] : i32 from vector<16xi32>
        %broadcast_in_dim3A_761 = vector.broadcast %scan3A_666 : i32 to vector<16xi32>
        %eq3A_762 = arith.constant 0 : i32
        %eq3A_763 = vector.broadcast %eq3A_762 : i32 to vector<16xi32>
        %eq3A_764 = arith.cmpi eq, %iota3A, %eq3A_763 : vector<16xi32>
        %broadcast_in_dim3A_765 = vector.broadcast %reduce_max3A_750 : i32 to vector<16xi32>
        tpu.vector_store_idx %arg18[%broadcast_in_dim3A_761], %broadcast_in_dim3A_765 masked %eq3A_764 : memref<112xi32, #tpu.memory_space<vmem>>[vector<16xi32>], vector<16xi32>, vector<16xi1>
        %broadcast_in_dim3A_766 = vector.broadcast %reduce_min3A_760 : i32 to vector<16xi32>
        tpu.vector_store_idx %arg19[%broadcast_in_dim3A_761], %broadcast_in_dim3A_766 masked %eq3A_764 : memref<112xi32, #tpu.memory_space<vmem>>[vector<16xi32>], vector<16xi32>, vector<16xi1>
        %get3A_767 = arith.constant 0 : index
        %get3A_768 = tpu.vector_load %arg16[%get3A_767] {strides = array<i32>} : memref<112xi32, #tpu.memory_space<vmem>>, vector<16xi32>,
        %get3A_769 = arith.constant 0 : index
        %get3A_770 = tpu.vector_load %arg17[%get3A_769] {strides = array<i32>} : memref<112xi32, #tpu.memory_space<vmem>>, vector<16xi32>,
        %eq3A_771 = vector.broadcast %reduce_max3A_750 : i32 to vector<16xi32>
        %eq3A_772 = arith.cmpi eq, %get3A_768, %eq3A_771 : vector<16xi32>
        %eq3A_773 = vector.broadcast %reduce_min3A_760 : i32 to vector<16xi32>
        %eq3A_774 = arith.cmpi eq, %get3A_770, %eq3A_773 : vector<16xi32>
        %and3A_775 = arith.andi %eq3A_772, %eq3A_774 : vector<16xi1>
        %jit3A_776 = arith.constant -1 : i32
        %broadcast_in_dim3A_777 = vector.broadcast %jit3A_776 : i32 to vector<16xi32>
        %select_n3A_778 = arith.select %and3A_775, %broadcast_in_dim3A_777, %get3A_768 : vector<16xi1>, vector<16xi32>
        %swap3A_779 = arith.constant 0 : index
        %swap3A_780 = tpu.vector_load %arg16[%swap3A_779] {strides = array<i32>} : memref<112xi32, #tpu.memory_space<vmem>>, vector<16xi32>,
        tpu.vector_store %arg16[%swap3A_779], %select_n3A_778 {strides = array<i32>} : memref<112xi32, #tpu.memory_space<vmem>>, vector<16xi32>,
        %get3A_781 = arith.constant 16 : index
        %get3A_782 = tpu.vector_load %arg16[%get3A_781] {strides = array<i32>} : memref<112xi32, #tpu.memory_space<vmem>>, vector<16xi32>,
        %get3A_783 = arith.constant 16 : index
        %get3A_784 = tpu.vector_load %arg17[%get3A_783] {strides = array<i32>} : memref<112xi32, #tpu.memory_space<vmem>>, vector<16xi32>,
        %eq3A_785 = vector.broadcast %reduce_max3A_750 : i32 to vector<16xi32>
        %eq3A_786 = arith.cmpi eq, %get3A_782, %eq3A_785 : vector<16xi32>
        %eq3A_787 = vector.broadcast %reduce_min3A_760 : i32 to vector<16xi32>
        %eq3A_788 = arith.cmpi eq, %get3A_784, %eq3A_787 : vector<16xi32>
        %and3A_789 = arith.andi %eq3A_786, %eq3A_788 : vector<16xi1>
        %jit3A_790 = arith.constant -1 : i32
        %broadcast_in_dim3A_791 = vector.broadcast %jit3A_790 : i32 to vector<16xi32>
        %select_n3A_792 = arith.select %and3A_789, %broadcast_in_dim3A_791, %get3A_782 : vector<16xi1>, vector<16xi32>
        %swap3A_793 = arith.constant 16 : index
        %swap3A_794 = tpu.vector_load %arg16[%swap3A_793] {strides = array<i32>} : memref<112xi32, #tpu.memory_space<vmem>>, vector<16xi32>,
        tpu.vector_store %arg16[%swap3A_793], %select_n3A_792 {strides = array<i32>} : memref<112xi32, #tpu.memory_space<vmem>>, vector<16xi32>,
        %get3A_795 = arith.constant 32 : index
        %get3A_796 = tpu.vector_load %arg16[%get3A_795] {strides = array<i32>} : memref<112xi32, #tpu.memory_space<vmem>>, vector<16xi32>,
        %get3A_797 = arith.constant 32 : index
        %get3A_798 = tpu.vector_load %arg17[%get3A_797] {strides = array<i32>} : memref<112xi32, #tpu.memory_space<vmem>>, vector<16xi32>,
        %eq3A_799 = vector.broadcast %reduce_max3A_750 : i32 to vector<16xi32>
        %eq3A_800 = arith.cmpi eq, %get3A_796, %eq3A_799 : vector<16xi32>
        %eq3A_801 = vector.broadcast %reduce_min3A_760 : i32 to vector<16xi32>
        %eq3A_802 = arith.cmpi eq, %get3A_798, %eq3A_801 : vector<16xi32>
        %and3A_803 = arith.andi %eq3A_800, %eq3A_802 : vector<16xi1>
        %jit3A_804 = arith.constant -1 : i32
        %broadcast_in_dim3A_805 = vector.broadcast %jit3A_804 : i32 to vector<16xi32>
        %select_n3A_806 = arith.select %and3A_803, %broadcast_in_dim3A_805, %get3A_796 : vector<16xi1>, vector<16xi32>
        %swap3A_807 = arith.constant 32 : index
        %swap3A_808 = tpu.vector_load %arg16[%swap3A_807] {strides = array<i32>} : memref<112xi32, #tpu.memory_space<vmem>>, vector<16xi32>,
        tpu.vector_store %arg16[%swap3A_807], %select_n3A_806 {strides = array<i32>} : memref<112xi32, #tpu.memory_space<vmem>>, vector<16xi32>,
        %get3A_809 = arith.constant 48 : index
        %get3A_810 = tpu.vector_load %arg16[%get3A_809] {strides = array<i32>} : memref<112xi32, #tpu.memory_space<vmem>>, vector<16xi32>,
        %get3A_811 = arith.constant 48 : index
        %get3A_812 = tpu.vector_load %arg17[%get3A_811] {strides = array<i32>} : memref<112xi32, #tpu.memory_space<vmem>>, vector<16xi32>,
        %eq3A_813 = vector.broadcast %reduce_max3A_750 : i32 to vector<16xi32>
        %eq3A_814 = arith.cmpi eq, %get3A_810, %eq3A_813 : vector<16xi32>
        %eq3A_815 = vector.broadcast %reduce_min3A_760 : i32 to vector<16xi32>
        %eq3A_816 = arith.cmpi eq, %get3A_812, %eq3A_815 : vector<16xi32>
        %and3A_817 = arith.andi %eq3A_814, %eq3A_816 : vector<16xi1>
        %jit3A_818 = arith.constant -1 : i32
        %broadcast_in_dim3A_819 = vector.broadcast %jit3A_818 : i32 to vector<16xi32>
        %select_n3A_820 = arith.select %and3A_817, %broadcast_in_dim3A_819, %get3A_810 : vector<16xi1>, vector<16xi32>
        %swap3A_821 = arith.constant 48 : index
        %swap3A_822 = tpu.vector_load %arg16[%swap3A_821] {strides = array<i32>} : memref<112xi32, #tpu.memory_space<vmem>>, vector<16xi32>,
        tpu.vector_store %arg16[%swap3A_821], %select_n3A_820 {strides = array<i32>} : memref<112xi32, #tpu.memory_space<vmem>>, vector<16xi32>,
        %get3A_823 = arith.constant 64 : index
        %get3A_824 = tpu.vector_load %arg16[%get3A_823] {strides = array<i32>} : memref<112xi32, #tpu.memory_space<vmem>>, vector<16xi32>,
        %get3A_825 = arith.constant 64 : index
        %get3A_826 = tpu.vector_load %arg17[%get3A_825] {strides = array<i32>} : memref<112xi32, #tpu.memory_space<vmem>>, vector<16xi32>,
        %eq3A_827 = vector.broadcast %reduce_max3A_750 : i32 to vector<16xi32>
        %eq3A_828 = arith.cmpi eq, %get3A_824, %eq3A_827 : vector<16xi32>
        %eq3A_829 = vector.broadcast %reduce_min3A_760 : i32 to vector<16xi32>
        %eq3A_830 = arith.cmpi eq, %get3A_826, %eq3A_829 : vector<16xi32>
        %and3A_831 = arith.andi %eq3A_828, %eq3A_830 : vector<16xi1>
        %jit3A_832 = arith.constant -1 : i32
        %broadcast_in_dim3A_833 = vector.broadcast %jit3A_832 : i32 to vector<16xi32>
        %select_n3A_834 = arith.select %and3A_831, %broadcast_in_dim3A_833, %get3A_824 : vector<16xi1>, vector<16xi32>
        %swap3A_835 = arith.constant 64 : index
        %swap3A_836 = tpu.vector_load %arg16[%swap3A_835] {strides = array<i32>} : memref<112xi32, #tpu.memory_space<vmem>>, vector<16xi32>,
        tpu.vector_store %arg16[%swap3A_835], %select_n3A_834 {strides = array<i32>} : memref<112xi32, #tpu.memory_space<vmem>>, vector<16xi32>,
        %get3A_837 = arith.constant 80 : index
        %get3A_838 = tpu.vector_load %arg16[%get3A_837] {strides = array<i32>} : memref<112xi32, #tpu.memory_space<vmem>>, vector<16xi32>,
        %get3A_839 = arith.constant 80 : index
        %get3A_840 = tpu.vector_load %arg17[%get3A_839] {strides = array<i32>} : memref<112xi32, #tpu.memory_space<vmem>>, vector<16xi32>,
        %eq3A_841 = vector.broadcast %reduce_max3A_750 : i32 to vector<16xi32>
        %eq3A_842 = arith.cmpi eq, %get3A_838, %eq3A_841 : vector<16xi32>
        %eq3A_843 = vector.broadcast %reduce_min3A_760 : i32 to vector<16xi32>
        %eq3A_844 = arith.cmpi eq, %get3A_840, %eq3A_843 : vector<16xi32>
        %and3A_845 = arith.andi %eq3A_842, %eq3A_844 : vector<16xi1>
        %jit3A_846 = arith.constant -1 : i32
        %broadcast_in_dim3A_847 = vector.broadcast %jit3A_846 : i32 to vector<16xi32>
        %select_n3A_848 = arith.select %and3A_845, %broadcast_in_dim3A_847, %get3A_838 : vector<16xi1>, vector<16xi32>
        %swap3A_849 = arith.constant 80 : index
        %swap3A_850 = tpu.vector_load %arg16[%swap3A_849] {strides = array<i32>} : memref<112xi32, #tpu.memory_space<vmem>>, vector<16xi32>,
        tpu.vector_store %arg16[%swap3A_849], %select_n3A_848 {strides = array<i32>} : memref<112xi32, #tpu.memory_space<vmem>>, vector<16xi32>,
        %get3A_851 = arith.constant 96 : index
        %get3A_852 = tpu.vector_load %arg16[%get3A_851] {strides = array<i32>} : memref<112xi32, #tpu.memory_space<vmem>>, vector<16xi32>,
        %get3A_853 = arith.constant 96 : index
        %get3A_854 = tpu.vector_load %arg17[%get3A_853] {strides = array<i32>} : memref<112xi32, #tpu.memory_space<vmem>>, vector<16xi32>,
        %eq3A_855 = vector.broadcast %reduce_max3A_750 : i32 to vector<16xi32>
        %eq3A_856 = arith.cmpi eq, %get3A_852, %eq3A_855 : vector<16xi32>
        %eq3A_857 = vector.broadcast %reduce_min3A_760 : i32 to vector<16xi32>
        %eq3A_858 = arith.cmpi eq, %get3A_854, %eq3A_857 : vector<16xi32>
        %and3A_859 = arith.andi %eq3A_856, %eq3A_858 : vector<16xi1>
        %jit3A_860 = arith.constant -1 : i32
        %broadcast_in_dim3A_861 = vector.broadcast %jit3A_860 : i32 to vector<16xi32>
        %select_n3A_862 = arith.select %and3A_859, %broadcast_in_dim3A_861, %get3A_852 : vector<16xi1>, vector<16xi32>
        %swap3A_863 = arith.constant 96 : index
        %swap3A_864 = tpu.vector_load %arg16[%swap3A_863] {strides = array<i32>} : memref<112xi32, #tpu.memory_space<vmem>>, vector<16xi32>,
        tpu.vector_store %arg16[%swap3A_863], %select_n3A_862 {strides = array<i32>} : memref<112xi32, #tpu.memory_space<vmem>>, vector<16xi32>,
      }
      %scan3A_329 = arith.constant 100 : i32
      %get3A = arith.constant 0 : index
      %get3A_330 = tpu.vector_load %arg18[%get3A] {strides = array<i32>} : memref<112xi32, #tpu.memory_space<vmem>>, vector<16xi32>,
      %get3A_331 = arith.constant 0 : index
      %get3A_332 = tpu.vector_load %arg19[%get3A_331] {strides = array<i32>} : memref<112xi32, #tpu.memory_space<vmem>>, vector<16xi32>,
      %add3A_333 = arith.constant 0 : i32
      %add3A_334 = vector.broadcast %add3A_333 : i32 to vector<16xi32>
      %add3A_335 = arith.addi %iota3A, %add3A_334 : vector<16xi32>
      %lt3A_336 = arith.constant 100 : i32
      %lt3A_337 = vector.broadcast %lt3A_336 : i32 to vector<16xi32>
      %lt3A_338 = arith.cmpi slt, %add3A_335, %lt3A_337 : vector<16xi32>
      %jit3A = arith.constant 0 : i32
      %broadcast_in_dim3A_339 = vector.broadcast %jit3A : i32 to vector<16xi32>
      %select_n3A = arith.select %lt3A_338, %get3A_332, %broadcast_in_dim3A_339 : vector<16xi1>, vector<16xi32>
      %shift_right_arithmetic3A = arith.constant 7 : i32
      %shift_right_arithmetic3A_340 = vector.broadcast %shift_right_arithmetic3A : i32 to vector<16xi32>
      %shift_right_arithmetic3A_341 = arith.shrsi %select_n3A, %shift_right_arithmetic3A_340 : vector<16xi32>
      %and3A = arith.constant 127 : i32
      %and3A_342 = vector.broadcast %and3A : i32 to vector<16xi32>
      %and3A_343 = arith.andi %select_n3A, %and3A_342 : vector<16xi32>
      %bitcast3A = vector.bitcast %get3A_330 : vector<16xi32> to vector<16xf32>
      %swap3A_344 = arith.constant 0 : i32
      %swap3A_345 = arith.index_cast %swap3A_344 : i32 to index
      %swap3A_346 = arith.constant 0 : index
      %swap3A_347 = tpu.vector_load %arg20[%swap3A_345, %swap3A_346] {strides = array<i32>} : memref<6x112xf32, #tpu.memory_space<vmem>>, vector<16xf32>,
      tpu.vector_store %arg20[%swap3A_345, %swap3A_346], %bitcast3A {strides = array<i32>} : memref<6x112xf32, #tpu.memory_space<vmem>>, vector<16xf32>,
      %gather3A = tpu.vector_load_idx %arg10[%shift_right_arithmetic3A_341, %and3A_343] : memref<96x128xf32, #tpu.memory_space<vmem>>[vector<16xi32>, vector<16xi32>], vector<16xf32>,
      %swap3A_348 = arith.constant 1 : i32
      %swap3A_349 = arith.index_cast %swap3A_348 : i32 to index
      %swap3A_350 = arith.constant 0 : index
      %swap3A_351 = tpu.vector_load %arg20[%swap3A_349, %swap3A_350] {strides = array<i32>} : memref<6x112xf32, #tpu.memory_space<vmem>>, vector<16xf32>,
      tpu.vector_store %arg20[%swap3A_349, %swap3A_350], %gather3A {strides = array<i32>} : memref<6x112xf32, #tpu.memory_space<vmem>>, vector<16xf32>,
      %gather3A_352 = tpu.vector_load_idx %arg11[%shift_right_arithmetic3A_341, %and3A_343] : memref<96x128xf32, #tpu.memory_space<vmem>>[vector<16xi32>, vector<16xi32>], vector<16xf32>,
      %swap3A_353 = arith.constant 2 : i32
      %swap3A_354 = arith.index_cast %swap3A_353 : i32 to index
      %swap3A_355 = arith.constant 0 : index
      %swap3A_356 = tpu.vector_load %arg20[%swap3A_354, %swap3A_355] {strides = array<i32>} : memref<6x112xf32, #tpu.memory_space<vmem>>, vector<16xf32>,
      tpu.vector_store %arg20[%swap3A_354, %swap3A_355], %gather3A_352 {strides = array<i32>} : memref<6x112xf32, #tpu.memory_space<vmem>>, vector<16xf32>,
      %gather3A_357 = tpu.vector_load_idx %arg12[%shift_right_arithmetic3A_341, %and3A_343] : memref<96x128xf32, #tpu.memory_space<vmem>>[vector<16xi32>, vector<16xi32>], vector<16xf32>,
      %swap3A_358 = arith.constant 3 : i32
      %swap3A_359 = arith.index_cast %swap3A_358 : i32 to index
      %swap3A_360 = arith.constant 0 : index
      %swap3A_361 = tpu.vector_load %arg20[%swap3A_359, %swap3A_360] {strides = array<i32>} : memref<6x112xf32, #tpu.memory_space<vmem>>, vector<16xf32>,
      tpu.vector_store %arg20[%swap3A_359, %swap3A_360], %gather3A_357 {strides = array<i32>} : memref<6x112xf32, #tpu.memory_space<vmem>>, vector<16xf32>,
      %gather3A_362 = tpu.vector_load_idx %arg13[%shift_right_arithmetic3A_341, %and3A_343] : memref<96x128xf32, #tpu.memory_space<vmem>>[vector<16xi32>, vector<16xi32>], vector<16xf32>,
      %swap3A_363 = arith.constant 4 : i32
      %swap3A_364 = arith.index_cast %swap3A_363 : i32 to index
      %swap3A_365 = arith.constant 0 : index
      %swap3A_366 = tpu.vector_load %arg20[%swap3A_364, %swap3A_365] {strides = array<i32>} : memref<6x112xf32, #tpu.memory_space<vmem>>, vector<16xf32>,
      tpu.vector_store %arg20[%swap3A_364, %swap3A_365], %gather3A_362 {strides = array<i32>} : memref<6x112xf32, #tpu.memory_space<vmem>>, vector<16xf32>,
      %gather3A_367 = tpu.vector_load_idx %arg14[%shift_right_arithmetic3A_341, %and3A_343] : memref<96x128xf32, #tpu.memory_space<vmem>>[vector<16xi32>, vector<16xi32>], vector<16xf32>,
      %swap3A_368 = arith.constant 5 : i32
      %swap3A_369 = arith.index_cast %swap3A_368 : i32 to index
      %swap3A_370 = arith.constant 0 : index
      %swap3A_371 = tpu.vector_load %arg20[%swap3A_369, %swap3A_370] {strides = array<i32>} : memref<6x112xf32, #tpu.memory_space<vmem>>, vector<16xf32>,
      tpu.vector_store %arg20[%swap3A_369, %swap3A_370], %gather3A_367 {strides = array<i32>} : memref<6x112xf32, #tpu.memory_space<vmem>>, vector<16xf32>,
      %get3A_372 = arith.constant 16 : index
      %get3A_373 = tpu.vector_load %arg18[%get3A_372] {strides = array<i32>} : memref<112xi32, #tpu.memory_space<vmem>>, vector<16xi32>,
      %get3A_374 = arith.constant 16 : index
      %get3A_375 = tpu.vector_load %arg19[%get3A_374] {strides = array<i32>} : memref<112xi32, #tpu.memory_space<vmem>>, vector<16xi32>,
      %add3A_376 = arith.constant 16 : i32
      %add3A_377 = vector.broadcast %add3A_376 : i32 to vector<16xi32>
      %add3A_378 = arith.addi %iota3A, %add3A_377 : vector<16xi32>
      %lt3A_379 = arith.constant 100 : i32
      %lt3A_380 = vector.broadcast %lt3A_379 : i32 to vector<16xi32>
      %lt3A_381 = arith.cmpi slt, %add3A_378, %lt3A_380 : vector<16xi32>
      %jit3A_382 = arith.constant 0 : i32
      %broadcast_in_dim3A_383 = vector.broadcast %jit3A_382 : i32 to vector<16xi32>
      %select_n3A_384 = arith.select %lt3A_381, %get3A_375, %broadcast_in_dim3A_383 : vector<16xi1>, vector<16xi32>
      %shift_right_arithmetic3A_385 = arith.constant 7 : i32
      %shift_right_arithmetic3A_386 = vector.broadcast %shift_right_arithmetic3A_385 : i32 to vector<16xi32>
      %shift_right_arithmetic3A_387 = arith.shrsi %select_n3A_384, %shift_right_arithmetic3A_386 : vector<16xi32>
      %and3A_388 = arith.constant 127 : i32
      %and3A_389 = vector.broadcast %and3A_388 : i32 to vector<16xi32>
      %and3A_390 = arith.andi %select_n3A_384, %and3A_389 : vector<16xi32>
      %bitcast3A_391 = vector.bitcast %get3A_373 : vector<16xi32> to vector<16xf32>
      %swap3A_392 = arith.constant 0 : i32
      %swap3A_393 = arith.index_cast %swap3A_392 : i32 to index
      %swap3A_394 = arith.constant 16 : index
      %swap3A_395 = tpu.vector_load %arg20[%swap3A_393, %swap3A_394] {strides = array<i32>} : memref<6x112xf32, #tpu.memory_space<vmem>>, vector<16xf32>,
      tpu.vector_store %arg20[%swap3A_393, %swap3A_394], %bitcast3A_391 {strides = array<i32>} : memref<6x112xf32, #tpu.memory_space<vmem>>, vector<16xf32>,
      %gather3A_396 = tpu.vector_load_idx %arg10[%shift_right_arithmetic3A_387, %and3A_390] : memref<96x128xf32, #tpu.memory_space<vmem>>[vector<16xi32>, vector<16xi32>], vector<16xf32>,
      %swap3A_397 = arith.constant 1 : i32
      %swap3A_398 = arith.index_cast %swap3A_397 : i32 to index
      %swap3A_399 = arith.constant 16 : index
      %swap3A_400 = tpu.vector_load %arg20[%swap3A_398, %swap3A_399] {strides = array<i32>} : memref<6x112xf32, #tpu.memory_space<vmem>>, vector<16xf32>,
      tpu.vector_store %arg20[%swap3A_398, %swap3A_399], %gather3A_396 {strides = array<i32>} : memref<6x112xf32, #tpu.memory_space<vmem>>, vector<16xf32>,
      %gather3A_401 = tpu.vector_load_idx %arg11[%shift_right_arithmetic3A_387, %and3A_390] : memref<96x128xf32, #tpu.memory_space<vmem>>[vector<16xi32>, vector<16xi32>], vector<16xf32>,
      %swap3A_402 = arith.constant 2 : i32
      %swap3A_403 = arith.index_cast %swap3A_402 : i32 to index
      %swap3A_404 = arith.constant 16 : index
      %swap3A_405 = tpu.vector_load %arg20[%swap3A_403, %swap3A_404] {strides = array<i32>} : memref<6x112xf32, #tpu.memory_space<vmem>>, vector<16xf32>,
      tpu.vector_store %arg20[%swap3A_403, %swap3A_404], %gather3A_401 {strides = array<i32>} : memref<6x112xf32, #tpu.memory_space<vmem>>, vector<16xf32>,
      %gather3A_406 = tpu.vector_load_idx %arg12[%shift_right_arithmetic3A_387, %and3A_390] : memref<96x128xf32, #tpu.memory_space<vmem>>[vector<16xi32>, vector<16xi32>], vector<16xf32>,
      %swap3A_407 = arith.constant 3 : i32
      %swap3A_408 = arith.index_cast %swap3A_407 : i32 to index
      %swap3A_409 = arith.constant 16 : index
      %swap3A_410 = tpu.vector_load %arg20[%swap3A_408, %swap3A_409] {strides = array<i32>} : memref<6x112xf32, #tpu.memory_space<vmem>>, vector<16xf32>,
      tpu.vector_store %arg20[%swap3A_408, %swap3A_409], %gather3A_406 {strides = array<i32>} : memref<6x112xf32, #tpu.memory_space<vmem>>, vector<16xf32>,
      %gather3A_411 = tpu.vector_load_idx %arg13[%shift_right_arithmetic3A_387, %and3A_390] : memref<96x128xf32, #tpu.memory_space<vmem>>[vector<16xi32>, vector<16xi32>], vector<16xf32>,
      %swap3A_412 = arith.constant 4 : i32
      %swap3A_413 = arith.index_cast %swap3A_412 : i32 to index
      %swap3A_414 = arith.constant 16 : index
      %swap3A_415 = tpu.vector_load %arg20[%swap3A_413, %swap3A_414] {strides = array<i32>} : memref<6x112xf32, #tpu.memory_space<vmem>>, vector<16xf32>,
      tpu.vector_store %arg20[%swap3A_413, %swap3A_414], %gather3A_411 {strides = array<i32>} : memref<6x112xf32, #tpu.memory_space<vmem>>, vector<16xf32>,
      %gather3A_416 = tpu.vector_load_idx %arg14[%shift_right_arithmetic3A_387, %and3A_390] : memref<96x128xf32, #tpu.memory_space<vmem>>[vector<16xi32>, vector<16xi32>], vector<16xf32>,
      %swap3A_417 = arith.constant 5 : i32
      %swap3A_418 = arith.index_cast %swap3A_417 : i32 to index
      %swap3A_419 = arith.constant 16 : index
      %swap3A_420 = tpu.vector_load %arg20[%swap3A_418, %swap3A_419] {strides = array<i32>} : memref<6x112xf32, #tpu.memory_space<vmem>>, vector<16xf32>,
      tpu.vector_store %arg20[%swap3A_418, %swap3A_419], %gather3A_416 {strides = array<i32>} : memref<6x112xf32, #tpu.memory_space<vmem>>, vector<16xf32>,
      %get3A_421 = arith.constant 32 : index
      %get3A_422 = tpu.vector_load %arg18[%get3A_421] {strides = array<i32>} : memref<112xi32, #tpu.memory_space<vmem>>, vector<16xi32>,
      %get3A_423 = arith.constant 32 : index
      %get3A_424 = tpu.vector_load %arg19[%get3A_423] {strides = array<i32>} : memref<112xi32, #tpu.memory_space<vmem>>, vector<16xi32>,
      %add3A_425 = arith.constant 32 : i32
      %add3A_426 = vector.broadcast %add3A_425 : i32 to vector<16xi32>
      %add3A_427 = arith.addi %iota3A, %add3A_426 : vector<16xi32>
      %lt3A_428 = arith.constant 100 : i32
      %lt3A_429 = vector.broadcast %lt3A_428 : i32 to vector<16xi32>
      %lt3A_430 = arith.cmpi slt, %add3A_427, %lt3A_429 : vector<16xi32>
      %jit3A_431 = arith.constant 0 : i32
      %broadcast_in_dim3A_432 = vector.broadcast %jit3A_431 : i32 to vector<16xi32>
      %select_n3A_433 = arith.select %lt3A_430, %get3A_424, %broadcast_in_dim3A_432 : vector<16xi1>, vector<16xi32>
      %shift_right_arithmetic3A_434 = arith.constant 7 : i32
      %shift_right_arithmetic3A_435 = vector.broadcast %shift_right_arithmetic3A_434 : i32 to vector<16xi32>
      %shift_right_arithmetic3A_436 = arith.shrsi %select_n3A_433, %shift_right_arithmetic3A_435 : vector<16xi32>
      %and3A_437 = arith.constant 127 : i32
      %and3A_438 = vector.broadcast %and3A_437 : i32 to vector<16xi32>
      %and3A_439 = arith.andi %select_n3A_433, %and3A_438 : vector<16xi32>
      %bitcast3A_440 = vector.bitcast %get3A_422 : vector<16xi32> to vector<16xf32>
      %swap3A_441 = arith.constant 0 : i32
      %swap3A_442 = arith.index_cast %swap3A_441 : i32 to index
      %swap3A_443 = arith.constant 32 : index
      %swap3A_444 = tpu.vector_load %arg20[%swap3A_442, %swap3A_443] {strides = array<i32>} : memref<6x112xf32, #tpu.memory_space<vmem>>, vector<16xf32>,
      tpu.vector_store %arg20[%swap3A_442, %swap3A_443], %bitcast3A_440 {strides = array<i32>} : memref<6x112xf32, #tpu.memory_space<vmem>>, vector<16xf32>,
      %gather3A_445 = tpu.vector_load_idx %arg10[%shift_right_arithmetic3A_436, %and3A_439] : memref<96x128xf32, #tpu.memory_space<vmem>>[vector<16xi32>, vector<16xi32>], vector<16xf32>,
      %swap3A_446 = arith.constant 1 : i32
      %swap3A_447 = arith.index_cast %swap3A_446 : i32 to index
      %swap3A_448 = arith.constant 32 : index
      %swap3A_449 = tpu.vector_load %arg20[%swap3A_447, %swap3A_448] {strides = array<i32>} : memref<6x112xf32, #tpu.memory_space<vmem>>, vector<16xf32>,
      tpu.vector_store %arg20[%swap3A_447, %swap3A_448], %gather3A_445 {strides = array<i32>} : memref<6x112xf32, #tpu.memory_space<vmem>>, vector<16xf32>,
      %gather3A_450 = tpu.vector_load_idx %arg11[%shift_right_arithmetic3A_436, %and3A_439] : memref<96x128xf32, #tpu.memory_space<vmem>>[vector<16xi32>, vector<16xi32>], vector<16xf32>,
      %swap3A_451 = arith.constant 2 : i32
      %swap3A_452 = arith.index_cast %swap3A_451 : i32 to index
      %swap3A_453 = arith.constant 32 : index
      %swap3A_454 = tpu.vector_load %arg20[%swap3A_452, %swap3A_453] {strides = array<i32>} : memref<6x112xf32, #tpu.memory_space<vmem>>, vector<16xf32>,
      tpu.vector_store %arg20[%swap3A_452, %swap3A_453], %gather3A_450 {strides = array<i32>} : memref<6x112xf32, #tpu.memory_space<vmem>>, vector<16xf32>,
      %gather3A_455 = tpu.vector_load_idx %arg12[%shift_right_arithmetic3A_436, %and3A_439] : memref<96x128xf32, #tpu.memory_space<vmem>>[vector<16xi32>, vector<16xi32>], vector<16xf32>,
      %swap3A_456 = arith.constant 3 : i32
      %swap3A_457 = arith.index_cast %swap3A_456 : i32 to index
      %swap3A_458 = arith.constant 32 : index
      %swap3A_459 = tpu.vector_load %arg20[%swap3A_457, %swap3A_458] {strides = array<i32>} : memref<6x112xf32, #tpu.memory_space<vmem>>, vector<16xf32>,
      tpu.vector_store %arg20[%swap3A_457, %swap3A_458], %gather3A_455 {strides = array<i32>} : memref<6x112xf32, #tpu.memory_space<vmem>>, vector<16xf32>,
      %gather3A_460 = tpu.vector_load_idx %arg13[%shift_right_arithmetic3A_436, %and3A_439] : memref<96x128xf32, #tpu.memory_space<vmem>>[vector<16xi32>, vector<16xi32>], vector<16xf32>,
      %swap3A_461 = arith.constant 4 : i32
      %swap3A_462 = arith.index_cast %swap3A_461 : i32 to index
      %swap3A_463 = arith.constant 32 : index
      %swap3A_464 = tpu.vector_load %arg20[%swap3A_462, %swap3A_463] {strides = array<i32>} : memref<6x112xf32, #tpu.memory_space<vmem>>, vector<16xf32>,
      tpu.vector_store %arg20[%swap3A_462, %swap3A_463], %gather3A_460 {strides = array<i32>} : memref<6x112xf32, #tpu.memory_space<vmem>>, vector<16xf32>,
      %gather3A_465 = tpu.vector_load_idx %arg14[%shift_right_arithmetic3A_436, %and3A_439] : memref<96x128xf32, #tpu.memory_space<vmem>>[vector<16xi32>, vector<16xi32>], vector<16xf32>,
      %swap3A_466 = arith.constant 5 : i32
      %swap3A_467 = arith.index_cast %swap3A_466 : i32 to index
      %swap3A_468 = arith.constant 32 : index
      %swap3A_469 = tpu.vector_load %arg20[%swap3A_467, %swap3A_468] {strides = array<i32>} : memref<6x112xf32, #tpu.memory_space<vmem>>, vector<16xf32>,
      tpu.vector_store %arg20[%swap3A_467, %swap3A_468], %gather3A_465 {strides = array<i32>} : memref<6x112xf32, #tpu.memory_space<vmem>>, vector<16xf32>,
      %get3A_470 = arith.constant 48 : index
      %get3A_471 = tpu.vector_load %arg18[%get3A_470] {strides = array<i32>} : memref<112xi32, #tpu.memory_space<vmem>>, vector<16xi32>,
      %get3A_472 = arith.constant 48 : index
      %get3A_473 = tpu.vector_load %arg19[%get3A_472] {strides = array<i32>} : memref<112xi32, #tpu.memory_space<vmem>>, vector<16xi32>,
      %add3A_474 = arith.constant 48 : i32
      %add3A_475 = vector.broadcast %add3A_474 : i32 to vector<16xi32>
      %add3A_476 = arith.addi %iota3A, %add3A_475 : vector<16xi32>
      %lt3A_477 = arith.constant 100 : i32
      %lt3A_478 = vector.broadcast %lt3A_477 : i32 to vector<16xi32>
      %lt3A_479 = arith.cmpi slt, %add3A_476, %lt3A_478 : vector<16xi32>
      %jit3A_480 = arith.constant 0 : i32
      %broadcast_in_dim3A_481 = vector.broadcast %jit3A_480 : i32 to vector<16xi32>
      %select_n3A_482 = arith.select %lt3A_479, %get3A_473, %broadcast_in_dim3A_481 : vector<16xi1>, vector<16xi32>
      %shift_right_arithmetic3A_483 = arith.constant 7 : i32
      %shift_right_arithmetic3A_484 = vector.broadcast %shift_right_arithmetic3A_483 : i32 to vector<16xi32>
      %shift_right_arithmetic3A_485 = arith.shrsi %select_n3A_482, %shift_right_arithmetic3A_484 : vector<16xi32>
      %and3A_486 = arith.constant 127 : i32
      %and3A_487 = vector.broadcast %and3A_486 : i32 to vector<16xi32>
      %and3A_488 = arith.andi %select_n3A_482, %and3A_487 : vector<16xi32>
      %bitcast3A_489 = vector.bitcast %get3A_471 : vector<16xi32> to vector<16xf32>
      %swap3A_490 = arith.constant 0 : i32
      %swap3A_491 = arith.index_cast %swap3A_490 : i32 to index
      %swap3A_492 = arith.constant 48 : index
      %swap3A_493 = tpu.vector_load %arg20[%swap3A_491, %swap3A_492] {strides = array<i32>} : memref<6x112xf32, #tpu.memory_space<vmem>>, vector<16xf32>,
      tpu.vector_store %arg20[%swap3A_491, %swap3A_492], %bitcast3A_489 {strides = array<i32>} : memref<6x112xf32, #tpu.memory_space<vmem>>, vector<16xf32>,
      %gather3A_494 = tpu.vector_load_idx %arg10[%shift_right_arithmetic3A_485, %and3A_488] : memref<96x128xf32, #tpu.memory_space<vmem>>[vector<16xi32>, vector<16xi32>], vector<16xf32>,
      %swap3A_495 = arith.constant 1 : i32
      %swap3A_496 = arith.index_cast %swap3A_495 : i32 to index
      %swap3A_497 = arith.constant 48 : index
      %swap3A_498 = tpu.vector_load %arg20[%swap3A_496, %swap3A_497] {strides = array<i32>} : memref<6x112xf32, #tpu.memory_space<vmem>>, vector<16xf32>,
      tpu.vector_store %arg20[%swap3A_496, %swap3A_497], %gather3A_494 {strides = array<i32>} : memref<6x112xf32, #tpu.memory_space<vmem>>, vector<16xf32>,
      %gather3A_499 = tpu.vector_load_idx %arg11[%shift_right_arithmetic3A_485, %and3A_488] : memref<96x128xf32, #tpu.memory_space<vmem>>[vector<16xi32>, vector<16xi32>], vector<16xf32>,
      %swap3A_500 = arith.constant 2 : i32
      %swap3A_501 = arith.index_cast %swap3A_500 : i32 to index
      %swap3A_502 = arith.constant 48 : index
      %swap3A_503 = tpu.vector_load %arg20[%swap3A_501, %swap3A_502] {strides = array<i32>} : memref<6x112xf32, #tpu.memory_space<vmem>>, vector<16xf32>,
      tpu.vector_store %arg20[%swap3A_501, %swap3A_502], %gather3A_499 {strides = array<i32>} : memref<6x112xf32, #tpu.memory_space<vmem>>, vector<16xf32>,
      %gather3A_504 = tpu.vector_load_idx %arg12[%shift_right_arithmetic3A_485, %and3A_488] : memref<96x128xf32, #tpu.memory_space<vmem>>[vector<16xi32>, vector<16xi32>], vector<16xf32>,
      %swap3A_505 = arith.constant 3 : i32
      %swap3A_506 = arith.index_cast %swap3A_505 : i32 to index
      %swap3A_507 = arith.constant 48 : index
      %swap3A_508 = tpu.vector_load %arg20[%swap3A_506, %swap3A_507] {strides = array<i32>} : memref<6x112xf32, #tpu.memory_space<vmem>>, vector<16xf32>,
      tpu.vector_store %arg20[%swap3A_506, %swap3A_507], %gather3A_504 {strides = array<i32>} : memref<6x112xf32, #tpu.memory_space<vmem>>, vector<16xf32>,
      %gather3A_509 = tpu.vector_load_idx %arg13[%shift_right_arithmetic3A_485, %and3A_488] : memref<96x128xf32, #tpu.memory_space<vmem>>[vector<16xi32>, vector<16xi32>], vector<16xf32>,
      %swap3A_510 = arith.constant 4 : i32
      %swap3A_511 = arith.index_cast %swap3A_510 : i32 to index
      %swap3A_512 = arith.constant 48 : index
      %swap3A_513 = tpu.vector_load %arg20[%swap3A_511, %swap3A_512] {strides = array<i32>} : memref<6x112xf32, #tpu.memory_space<vmem>>, vector<16xf32>,
      tpu.vector_store %arg20[%swap3A_511, %swap3A_512], %gather3A_509 {strides = array<i32>} : memref<6x112xf32, #tpu.memory_space<vmem>>, vector<16xf32>,
      %gather3A_514 = tpu.vector_load_idx %arg14[%shift_right_arithmetic3A_485, %and3A_488] : memref<96x128xf32, #tpu.memory_space<vmem>>[vector<16xi32>, vector<16xi32>], vector<16xf32>,
      %swap3A_515 = arith.constant 5 : i32
      %swap3A_516 = arith.index_cast %swap3A_515 : i32 to index
      %swap3A_517 = arith.constant 48 : index
      %swap3A_518 = tpu.vector_load %arg20[%swap3A_516, %swap3A_517] {strides = array<i32>} : memref<6x112xf32, #tpu.memory_space<vmem>>, vector<16xf32>,
      tpu.vector_store %arg20[%swap3A_516, %swap3A_517], %gather3A_514 {strides = array<i32>} : memref<6x112xf32, #tpu.memory_space<vmem>>, vector<16xf32>,
      %get3A_519 = arith.constant 64 : index
      %get3A_520 = tpu.vector_load %arg18[%get3A_519] {strides = array<i32>} : memref<112xi32, #tpu.memory_space<vmem>>, vector<16xi32>,
      %get3A_521 = arith.constant 64 : index
      %get3A_522 = tpu.vector_load %arg19[%get3A_521] {strides = array<i32>} : memref<112xi32, #tpu.memory_space<vmem>>, vector<16xi32>,
      %add3A_523 = arith.constant 64 : i32
      %add3A_524 = vector.broadcast %add3A_523 : i32 to vector<16xi32>
      %add3A_525 = arith.addi %iota3A, %add3A_524 : vector<16xi32>
      %lt3A_526 = arith.constant 100 : i32
      %lt3A_527 = vector.broadcast %lt3A_526 : i32 to vector<16xi32>
      %lt3A_528 = arith.cmpi slt, %add3A_525, %lt3A_527 : vector<16xi32>
      %jit3A_529 = arith.constant 0 : i32
      %broadcast_in_dim3A_530 = vector.broadcast %jit3A_529 : i32 to vector<16xi32>
      %select_n3A_531 = arith.select %lt3A_528, %get3A_522, %broadcast_in_dim3A_530 : vector<16xi1>, vector<16xi32>
      %shift_right_arithmetic3A_532 = arith.constant 7 : i32
      %shift_right_arithmetic3A_533 = vector.broadcast %shift_right_arithmetic3A_532 : i32 to vector<16xi32>
      %shift_right_arithmetic3A_534 = arith.shrsi %select_n3A_531, %shift_right_arithmetic3A_533 : vector<16xi32>
      %and3A_535 = arith.constant 127 : i32
      %and3A_536 = vector.broadcast %and3A_535 : i32 to vector<16xi32>
      %and3A_537 = arith.andi %select_n3A_531, %and3A_536 : vector<16xi32>
      %bitcast3A_538 = vector.bitcast %get3A_520 : vector<16xi32> to vector<16xf32>
      %swap3A_539 = arith.constant 0 : i32
      %swap3A_540 = arith.index_cast %swap3A_539 : i32 to index
      %swap3A_541 = arith.constant 64 : index
      %swap3A_542 = tpu.vector_load %arg20[%swap3A_540, %swap3A_541] {strides = array<i32>} : memref<6x112xf32, #tpu.memory_space<vmem>>, vector<16xf32>,
      tpu.vector_store %arg20[%swap3A_540, %swap3A_541], %bitcast3A_538 {strides = array<i32>} : memref<6x112xf32, #tpu.memory_space<vmem>>, vector<16xf32>,
      %gather3A_543 = tpu.vector_load_idx %arg10[%shift_right_arithmetic3A_534, %and3A_537] : memref<96x128xf32, #tpu.memory_space<vmem>>[vector<16xi32>, vector<16xi32>], vector<16xf32>,
      %swap3A_544 = arith.constant 1 : i32
      %swap3A_545 = arith.index_cast %swap3A_544 : i32 to index
      %swap3A_546 = arith.constant 64 : index
      %swap3A_547 = tpu.vector_load %arg20[%swap3A_545, %swap3A_546] {strides = array<i32>} : memref<6x112xf32, #tpu.memory_space<vmem>>, vector<16xf32>,
      tpu.vector_store %arg20[%swap3A_545, %swap3A_546], %gather3A_543 {strides = array<i32>} : memref<6x112xf32, #tpu.memory_space<vmem>>, vector<16xf32>,
      %gather3A_548 = tpu.vector_load_idx %arg11[%shift_right_arithmetic3A_534, %and3A_537] : memref<96x128xf32, #tpu.memory_space<vmem>>[vector<16xi32>, vector<16xi32>], vector<16xf32>,
      %swap3A_549 = arith.constant 2 : i32
      %swap3A_550 = arith.index_cast %swap3A_549 : i32 to index
      %swap3A_551 = arith.constant 64 : index
      %swap3A_552 = tpu.vector_load %arg20[%swap3A_550, %swap3A_551] {strides = array<i32>} : memref<6x112xf32, #tpu.memory_space<vmem>>, vector<16xf32>,
      tpu.vector_store %arg20[%swap3A_550, %swap3A_551], %gather3A_548 {strides = array<i32>} : memref<6x112xf32, #tpu.memory_space<vmem>>, vector<16xf32>,
      %gather3A_553 = tpu.vector_load_idx %arg12[%shift_right_arithmetic3A_534, %and3A_537] : memref<96x128xf32, #tpu.memory_space<vmem>>[vector<16xi32>, vector<16xi32>], vector<16xf32>,
      %swap3A_554 = arith.constant 3 : i32
      %swap3A_555 = arith.index_cast %swap3A_554 : i32 to index
      %swap3A_556 = arith.constant 64 : index
      %swap3A_557 = tpu.vector_load %arg20[%swap3A_555, %swap3A_556] {strides = array<i32>} : memref<6x112xf32, #tpu.memory_space<vmem>>, vector<16xf32>,
      tpu.vector_store %arg20[%swap3A_555, %swap3A_556], %gather3A_553 {strides = array<i32>} : memref<6x112xf32, #tpu.memory_space<vmem>>, vector<16xf32>,
      %gather3A_558 = tpu.vector_load_idx %arg13[%shift_right_arithmetic3A_534, %and3A_537] : memref<96x128xf32, #tpu.memory_space<vmem>>[vector<16xi32>, vector<16xi32>], vector<16xf32>,
      %swap3A_559 = arith.constant 4 : i32
      %swap3A_560 = arith.index_cast %swap3A_559 : i32 to index
      %swap3A_561 = arith.constant 64 : index
      %swap3A_562 = tpu.vector_load %arg20[%swap3A_560, %swap3A_561] {strides = array<i32>} : memref<6x112xf32, #tpu.memory_space<vmem>>, vector<16xf32>,
      tpu.vector_store %arg20[%swap3A_560, %swap3A_561], %gather3A_558 {strides = array<i32>} : memref<6x112xf32, #tpu.memory_space<vmem>>, vector<16xf32>,
      %gather3A_563 = tpu.vector_load_idx %arg14[%shift_right_arithmetic3A_534, %and3A_537] : memref<96x128xf32, #tpu.memory_space<vmem>>[vector<16xi32>, vector<16xi32>], vector<16xf32>,
      %swap3A_564 = arith.constant 5 : i32
      %swap3A_565 = arith.index_cast %swap3A_564 : i32 to index
      %swap3A_566 = arith.constant 64 : index
      %swap3A_567 = tpu.vector_load %arg20[%swap3A_565, %swap3A_566] {strides = array<i32>} : memref<6x112xf32, #tpu.memory_space<vmem>>, vector<16xf32>,
      tpu.vector_store %arg20[%swap3A_565, %swap3A_566], %gather3A_563 {strides = array<i32>} : memref<6x112xf32, #tpu.memory_space<vmem>>, vector<16xf32>,
      %get3A_568 = arith.constant 80 : index
      %get3A_569 = tpu.vector_load %arg18[%get3A_568] {strides = array<i32>} : memref<112xi32, #tpu.memory_space<vmem>>, vector<16xi32>,
      %get3A_570 = arith.constant 80 : index
      %get3A_571 = tpu.vector_load %arg19[%get3A_570] {strides = array<i32>} : memref<112xi32, #tpu.memory_space<vmem>>, vector<16xi32>,
      %add3A_572 = arith.constant 80 : i32
      %add3A_573 = vector.broadcast %add3A_572 : i32 to vector<16xi32>
      %add3A_574 = arith.addi %iota3A, %add3A_573 : vector<16xi32>
      %lt3A_575 = arith.constant 100 : i32
      %lt3A_576 = vector.broadcast %lt3A_575 : i32 to vector<16xi32>
      %lt3A_577 = arith.cmpi slt, %add3A_574, %lt3A_576 : vector<16xi32>
      %jit3A_578 = arith.constant 0 : i32
      %broadcast_in_dim3A_579 = vector.broadcast %jit3A_578 : i32 to vector<16xi32>
      %select_n3A_580 = arith.select %lt3A_577, %get3A_571, %broadcast_in_dim3A_579 : vector<16xi1>, vector<16xi32>
      %shift_right_arithmetic3A_581 = arith.constant 7 : i32
      %shift_right_arithmetic3A_582 = vector.broadcast %shift_right_arithmetic3A_581 : i32 to vector<16xi32>
      %shift_right_arithmetic3A_583 = arith.shrsi %select_n3A_580, %shift_right_arithmetic3A_582 : vector<16xi32>
      %and3A_584 = arith.constant 127 : i32
      %and3A_585 = vector.broadcast %and3A_584 : i32 to vector<16xi32>
      %and3A_586 = arith.andi %select_n3A_580, %and3A_585 : vector<16xi32>
      %bitcast3A_587 = vector.bitcast %get3A_569 : vector<16xi32> to vector<16xf32>
      %swap3A_588 = arith.constant 0 : i32
      %swap3A_589 = arith.index_cast %swap3A_588 : i32 to index
      %swap3A_590 = arith.constant 80 : index
      %swap3A_591 = tpu.vector_load %arg20[%swap3A_589, %swap3A_590] {strides = array<i32>} : memref<6x112xf32, #tpu.memory_space<vmem>>, vector<16xf32>,
      tpu.vector_store %arg20[%swap3A_589, %swap3A_590], %bitcast3A_587 {strides = array<i32>} : memref<6x112xf32, #tpu.memory_space<vmem>>, vector<16xf32>,
      %gather3A_592 = tpu.vector_load_idx %arg10[%shift_right_arithmetic3A_583, %and3A_586] : memref<96x128xf32, #tpu.memory_space<vmem>>[vector<16xi32>, vector<16xi32>], vector<16xf32>,
      %swap3A_593 = arith.constant 1 : i32
      %swap3A_594 = arith.index_cast %swap3A_593 : i32 to index
      %swap3A_595 = arith.constant 80 : index
      %swap3A_596 = tpu.vector_load %arg20[%swap3A_594, %swap3A_595] {strides = array<i32>} : memref<6x112xf32, #tpu.memory_space<vmem>>, vector<16xf32>,
      tpu.vector_store %arg20[%swap3A_594, %swap3A_595], %gather3A_592 {strides = array<i32>} : memref<6x112xf32, #tpu.memory_space<vmem>>, vector<16xf32>,
      %gather3A_597 = tpu.vector_load_idx %arg11[%shift_right_arithmetic3A_583, %and3A_586] : memref<96x128xf32, #tpu.memory_space<vmem>>[vector<16xi32>, vector<16xi32>], vector<16xf32>,
      %swap3A_598 = arith.constant 2 : i32
      %swap3A_599 = arith.index_cast %swap3A_598 : i32 to index
      %swap3A_600 = arith.constant 80 : index
      %swap3A_601 = tpu.vector_load %arg20[%swap3A_599, %swap3A_600] {strides = array<i32>} : memref<6x112xf32, #tpu.memory_space<vmem>>, vector<16xf32>,
      tpu.vector_store %arg20[%swap3A_599, %swap3A_600], %gather3A_597 {strides = array<i32>} : memref<6x112xf32, #tpu.memory_space<vmem>>, vector<16xf32>,
      %gather3A_602 = tpu.vector_load_idx %arg12[%shift_right_arithmetic3A_583, %and3A_586] : memref<96x128xf32, #tpu.memory_space<vmem>>[vector<16xi32>, vector<16xi32>], vector<16xf32>,
      %swap3A_603 = arith.constant 3 : i32
      %swap3A_604 = arith.index_cast %swap3A_603 : i32 to index
      %swap3A_605 = arith.constant 80 : index
      %swap3A_606 = tpu.vector_load %arg20[%swap3A_604, %swap3A_605] {strides = array<i32>} : memref<6x112xf32, #tpu.memory_space<vmem>>, vector<16xf32>,
      tpu.vector_store %arg20[%swap3A_604, %swap3A_605], %gather3A_602 {strides = array<i32>} : memref<6x112xf32, #tpu.memory_space<vmem>>, vector<16xf32>,
      %gather3A_607 = tpu.vector_load_idx %arg13[%shift_right_arithmetic3A_583, %and3A_586] : memref<96x128xf32, #tpu.memory_space<vmem>>[vector<16xi32>, vector<16xi32>], vector<16xf32>,
      %swap3A_608 = arith.constant 4 : i32
      %swap3A_609 = arith.index_cast %swap3A_608 : i32 to index
      %swap3A_610 = arith.constant 80 : index
      %swap3A_611 = tpu.vector_load %arg20[%swap3A_609, %swap3A_610] {strides = array<i32>} : memref<6x112xf32, #tpu.memory_space<vmem>>, vector<16xf32>,
      tpu.vector_store %arg20[%swap3A_609, %swap3A_610], %gather3A_607 {strides = array<i32>} : memref<6x112xf32, #tpu.memory_space<vmem>>, vector<16xf32>,
      %gather3A_612 = tpu.vector_load_idx %arg14[%shift_right_arithmetic3A_583, %and3A_586] : memref<96x128xf32, #tpu.memory_space<vmem>>[vector<16xi32>, vector<16xi32>], vector<16xf32>,
      %swap3A_613 = arith.constant 5 : i32
      %swap3A_614 = arith.index_cast %swap3A_613 : i32 to index
      %swap3A_615 = arith.constant 80 : index
      %swap3A_616 = tpu.vector_load %arg20[%swap3A_614, %swap3A_615] {strides = array<i32>} : memref<6x112xf32, #tpu.memory_space<vmem>>, vector<16xf32>,
      tpu.vector_store %arg20[%swap3A_614, %swap3A_615], %gather3A_612 {strides = array<i32>} : memref<6x112xf32, #tpu.memory_space<vmem>>, vector<16xf32>,
      %get3A_617 = arith.constant 96 : index
      %get3A_618 = tpu.vector_load %arg18[%get3A_617] {strides = array<i32>} : memref<112xi32, #tpu.memory_space<vmem>>, vector<16xi32>,
      %get3A_619 = arith.constant 96 : index
      %get3A_620 = tpu.vector_load %arg19[%get3A_619] {strides = array<i32>} : memref<112xi32, #tpu.memory_space<vmem>>, vector<16xi32>,
      %add3A_621 = arith.constant 96 : i32
      %add3A_622 = vector.broadcast %add3A_621 : i32 to vector<16xi32>
      %add3A_623 = arith.addi %iota3A, %add3A_622 : vector<16xi32>
      %lt3A_624 = arith.constant 100 : i32
      %lt3A_625 = vector.broadcast %lt3A_624 : i32 to vector<16xi32>
      %lt3A_626 = arith.cmpi slt, %add3A_623, %lt3A_625 : vector<16xi32>
      %jit3A_627 = arith.constant 0 : i32
      %broadcast_in_dim3A_628 = vector.broadcast %jit3A_627 : i32 to vector<16xi32>
      %select_n3A_629 = arith.select %lt3A_626, %get3A_620, %broadcast_in_dim3A_628 : vector<16xi1>, vector<16xi32>
      %shift_right_arithmetic3A_630 = arith.constant 7 : i32
      %shift_right_arithmetic3A_631 = vector.broadcast %shift_right_arithmetic3A_630 : i32 to vector<16xi32>
      %shift_right_arithmetic3A_632 = arith.shrsi %select_n3A_629, %shift_right_arithmetic3A_631 : vector<16xi32>
      %and3A_633 = arith.constant 127 : i32
      %and3A_634 = vector.broadcast %and3A_633 : i32 to vector<16xi32>
      %and3A_635 = arith.andi %select_n3A_629, %and3A_634 : vector<16xi32>
      %bitcast3A_636 = vector.bitcast %get3A_618 : vector<16xi32> to vector<16xf32>
      %swap3A_637 = arith.constant 0 : i32
      %swap3A_638 = arith.index_cast %swap3A_637 : i32 to index
      %swap3A_639 = arith.constant 96 : index
      %swap3A_640 = tpu.vector_load %arg20[%swap3A_638, %swap3A_639] {strides = array<i32>} : memref<6x112xf32, #tpu.memory_space<vmem>>, vector<16xf32>,
      tpu.vector_store %arg20[%swap3A_638, %swap3A_639], %bitcast3A_636 {strides = array<i32>} : memref<6x112xf32, #tpu.memory_space<vmem>>, vector<16xf32>,
      %gather3A_641 = tpu.vector_load_idx %arg10[%shift_right_arithmetic3A_632, %and3A_635] : memref<96x128xf32, #tpu.memory_space<vmem>>[vector<16xi32>, vector<16xi32>], vector<16xf32>,
      %swap3A_642 = arith.constant 1 : i32
      %swap3A_643 = arith.index_cast %swap3A_642 : i32 to index
      %swap3A_644 = arith.constant 96 : index
      %swap3A_645 = tpu.vector_load %arg20[%swap3A_643, %swap3A_644] {strides = array<i32>} : memref<6x112xf32, #tpu.memory_space<vmem>>, vector<16xf32>,
      tpu.vector_store %arg20[%swap3A_643, %swap3A_644], %gather3A_641 {strides = array<i32>} : memref<6x112xf32, #tpu.memory_space<vmem>>, vector<16xf32>,
      %gather3A_646 = tpu.vector_load_idx %arg11[%shift_right_arithmetic3A_632, %and3A_635] : memref<96x128xf32, #tpu.memory_space<vmem>>[vector<16xi32>, vector<16xi32>], vector<16xf32>,
      %swap3A_647 = arith.constant 2 : i32
      %swap3A_648 = arith.index_cast %swap3A_647 : i32 to index
      %swap3A_649 = arith.constant 96 : index
      %swap3A_650 = tpu.vector_load %arg20[%swap3A_648, %swap3A_649] {strides = array<i32>} : memref<6x112xf32, #tpu.memory_space<vmem>>, vector<16xf32>,
      tpu.vector_store %arg20[%swap3A_648, %swap3A_649], %gather3A_646 {strides = array<i32>} : memref<6x112xf32, #tpu.memory_space<vmem>>, vector<16xf32>,
      %gather3A_651 = tpu.vector_load_idx %arg12[%shift_right_arithmetic3A_632, %and3A_635] : memref<96x128xf32, #tpu.memory_space<vmem>>[vector<16xi32>, vector<16xi32>], vector<16xf32>,
      %swap3A_652 = arith.constant 3 : i32
      %swap3A_653 = arith.index_cast %swap3A_652 : i32 to index
      %swap3A_654 = arith.constant 96 : index
      %swap3A_655 = tpu.vector_load %arg20[%swap3A_653, %swap3A_654] {strides = array<i32>} : memref<6x112xf32, #tpu.memory_space<vmem>>, vector<16xf32>,
      tpu.vector_store %arg20[%swap3A_653, %swap3A_654], %gather3A_651 {strides = array<i32>} : memref<6x112xf32, #tpu.memory_space<vmem>>, vector<16xf32>,
      %gather3A_656 = tpu.vector_load_idx %arg13[%shift_right_arithmetic3A_632, %and3A_635] : memref<96x128xf32, #tpu.memory_space<vmem>>[vector<16xi32>, vector<16xi32>], vector<16xf32>,
      %swap3A_657 = arith.constant 4 : i32
      %swap3A_658 = arith.index_cast %swap3A_657 : i32 to index
      %swap3A_659 = arith.constant 96 : index
      %swap3A_660 = tpu.vector_load %arg20[%swap3A_658, %swap3A_659] {strides = array<i32>} : memref<6x112xf32, #tpu.memory_space<vmem>>, vector<16xf32>,
      tpu.vector_store %arg20[%swap3A_658, %swap3A_659], %gather3A_656 {strides = array<i32>} : memref<6x112xf32, #tpu.memory_space<vmem>>, vector<16xf32>,
      %gather3A_661 = tpu.vector_load_idx %arg14[%shift_right_arithmetic3A_632, %and3A_635] : memref<96x128xf32, #tpu.memory_space<vmem>>[vector<16xi32>, vector<16xi32>], vector<16xf32>,
      %swap3A_662 = arith.constant 5 : i32
      %swap3A_663 = arith.index_cast %swap3A_662 : i32 to index
      %swap3A_664 = arith.constant 96 : index
      %swap3A_665 = tpu.vector_load %arg20[%swap3A_663, %swap3A_664] {strides = array<i32>} : memref<6x112xf32, #tpu.memory_space<vmem>>, vector<16xf32>,
      tpu.vector_store %arg20[%swap3A_663, %swap3A_664], %gather3A_661 {strides = array<i32>} : memref<6x112xf32, #tpu.memory_space<vmem>>, vector<16xf32>,
      "tpu.region"() ({
        %run_scoped3A = tpu.sem_alloc : memref<!tpu.dma_semaphore, #tpu.memory_space<semaphore_mem>>
        %dma_start3A = arith.constant 0 : i32
        %dma_start3A_666 = arith.constant 0 : i32
        %dma_start3A_667 = tpu.memref_slice %arg8[%add3A, %dma_start3A, %dma_start3A_666] : memref<16x6x112xf32, #tpu.memory_space<hbm>> -> memref<1x6x112xf32, #tpu.memory_space<hbm>>
        %dma_start3A_668 = tpu.memref_squeeze %dma_start3A_667 : memref<1x6x112xf32, #tpu.memory_space<hbm>> -> memref<6x112xf32, #tpu.memory_space<hbm>>
        %dma_start3A_669 = arith.constant 0 : i32
        %dma_start3A_670 = arith.constant 0 : i32
        %dma_start3A_671 = tpu.memref_slice %arg8[%add3A, %dma_start3A_669, %dma_start3A_670] : memref<16x6x112xf32, #tpu.memory_space<hbm>> -> memref<1x6x112xf32, #tpu.memory_space<hbm>>
        %dma_start3A_672 = tpu.memref_squeeze %dma_start3A_671 : memref<1x6x112xf32, #tpu.memory_space<hbm>> -> memref<6x112xf32, #tpu.memory_space<hbm>>
        tpu.enqueue_dma source(%arg20 : memref<6x112xf32, #tpu.memory_space<vmem>>) target(%dma_start3A_672 : memref<6x112xf32, #tpu.memory_space<hbm>>) target_semaphore(%run_scoped3A : memref<!tpu.dma_semaphore, #tpu.memory_space<semaphore_mem>>)
        %dma_wait3A = arith.constant 0 : i32
        %dma_wait3A_673 = arith.constant 0 : i32
        %dma_wait3A_674 = tpu.memref_slice %arg8[%add3A, %dma_wait3A, %dma_wait3A_673] : memref<16x6x112xf32, #tpu.memory_space<hbm>> -> memref<1x6x112xf32, #tpu.memory_space<hbm>>
        %dma_wait3A_675 = tpu.memref_squeeze %dma_wait3A_674 : memref<1x6x112xf32, #tpu.memory_space<hbm>> -> memref<6x112xf32, #tpu.memory_space<hbm>>
        %dma_wait3A_676 = arith.constant 0 : i32
        %dma_wait3A_677 = arith.constant 0 : i32
        %dma_wait3A_678 = tpu.memref_slice %arg8[%add3A, %dma_wait3A_676, %dma_wait3A_677] : memref<16x6x112xf32, #tpu.memory_space<hbm>> -> memref<1x6x112xf32, #tpu.memory_space<hbm>>
        %dma_wait3A_679 = tpu.memref_squeeze %dma_wait3A_678 : memref<1x6x112xf32, #tpu.memory_space<hbm>> -> memref<6x112xf32, #tpu.memory_space<hbm>>
        tpu.wait_dma2 semaphore(%run_scoped3A : memref<!tpu.dma_semaphore, #tpu.memory_space<semaphore_mem>>) src(%arg20 : memref<6x112xf32, #tpu.memory_space<vmem>>) dst(%dma_wait3A_679 : memref<6x112xf32, #tpu.memory_space<hbm>>)
        tpu.yield
      }) : () -> ()
    } else {
    }
    return
  }
}

module attributes {stable_mosaic.version = 14 : i64} {
  func.func @_decode_kernel(%arg0: i32, %arg1: memref<1x192x4096xf32, #tpu.memory_space<vmem>>, %arg2: memref<264x192xf32, #tpu.memory_space<vmem>>, %arg3: memref<264x1xf32, #tpu.memory_space<vmem>>, %arg4: memref<3x2xf32, #tpu.memory_space<vmem>>, %arg5: memref<1x96x128xf32, #tpu.memory_space<vmem>>, %arg6: memref<1x96x128xf32, #tpu.memory_space<vmem>>, %arg7: memref<1x96x128xf32, #tpu.memory_space<vmem>>, %arg8: memref<1x96x128xf32, #tpu.memory_space<vmem>>, %arg9: memref<1x96x128xf32, #tpu.memory_space<vmem>>, %arg10: memref<1x96x128xf32, #tpu.memory_space<vmem>>) attributes {dimension_semantics = [#tpu.dimension_semantics<arbitrary>], iteration_bounds = array<i64: 16>, scalar_prefetch = 0 : i64, scratch_operands = 0 : i64, tpu.core_type = #tpu.core_type<tc>, window_params = [{transform_indices = @transform_0, window_bounds = array<i64: 1, 192, 4096>}, {pipeline_mode = #tpu.pipeline_mode<synchronous>, transform_indices = @transform_1, window_bounds = array<i64: 264, 192>}, {pipeline_mode = #tpu.pipeline_mode<synchronous>, transform_indices = @transform_2, window_bounds = array<i64: 264, 1>}, {pipeline_mode = #tpu.pipeline_mode<synchronous>, transform_indices = @transform_3, window_bounds = array<i64: 3, 2>}, {transform_indices = @transform_4, window_bounds = array<i64: 1, 96, 128>}, {transform_indices = @transform_5, window_bounds = array<i64: 1, 96, 128>}, {transform_indices = @transform_6, window_bounds = array<i64: 1, 96, 128>}, {transform_indices = @transform_7, window_bounds = array<i64: 1, 96, 128>}, {transform_indices = @transform_8, window_bounds = array<i64: 1, 96, 128>}, {transform_indices = @transform_9, window_bounds = array<i64: 1, 96, 128>}]} {
    %get3A = arith.constant 0 : index
    %get3A_0 = arith.constant 0 : index
    %get3A_1 = arith.constant 0 : index
    %get3A_2 = vector.load %arg1[%get3A, %get3A_0, %get3A_1] : memref<1x192x4096xf32, #tpu.memory_space<vmem>>, vector<1x192x4096xf32>
    %get3A_3 = vector.shape_cast %get3A_2 : vector<1x192x4096xf32> to vector<192x4096xf32>
    %get3A_4 = arith.constant 0 : index
    %get3A_5 = arith.constant 0 : index
    %get3A_6 = vector.load %arg2[%get3A_4, %get3A_5] : memref<264x192xf32, #tpu.memory_space<vmem>>, vector<264x192xf32>
    %dot_general3A = arith.constant dense<0.000000e+00> : vector<264x4096xf32>
    %dot_general3A_7 = tpu.matmul %get3A_6, %get3A_3, %dot_general3A {dimension_numbers = #tpu.dot_dimension_numbers<[1], [0], [0], [1], [0, 0, 1, 1], [], []>, transpose_lhs_hint = false} : vector<264x192xf32>, vector<192x4096xf32>, vector<264x4096xf32> -> vector<264x4096xf32>
    %get3A_8 = arith.constant 0 : index
    %get3A_9 = arith.constant 0 : index
    %get3A_10 = vector.load %arg3[%get3A_8, %get3A_9] : memref<264x1xf32, #tpu.memory_space<vmem>>, vector<264x1xf32>
    %add3A = vector.broadcast %get3A_10 : vector<264x1xf32> to vector<264x4096xf32>
    %add3A_11 = arith.addf %dot_general3A_7, %add3A : vector<264x4096xf32>
    %iota3A = tpu.iota {dimensions = array<i32: 1>} : vector<1x4096xi32>
    %jit3A = arith.constant 64 : i32
    %eq3A = arith.constant 0 : i32
    %eq3A_12 = arith.cmpi eq, %jit3A, %eq3A : i32
    %jit3A_13 = arith.constant 1 : i32
    %select_n3A = arith.select %eq3A_12, %jit3A_13, %jit3A : i32
    %rem3A = vector.broadcast %select_n3A : i32 to vector<1x4096xi32>
    %rem3A_14 = arith.remsi %iota3A, %rem3A : vector<1x4096xi32>
    %ne3A = arith.constant 0 : i32
    %ne3A_15 = vector.broadcast %ne3A : i32 to vector<1x4096xi32>
    %ne3A_16 = arith.cmpi ne, %rem3A_14, %ne3A_15 : vector<1x4096xi32>
    %lt3A = arith.constant 0 : i32
    %lt3A_17 = vector.broadcast %lt3A : i32 to vector<1x4096xi32>
    %lt3A_18 = arith.cmpi slt, %rem3A_14, %lt3A_17 : vector<1x4096xi32>
    %lt3A_19 = arith.constant 0 : i32
    %lt3A_20 = arith.cmpi slt, %select_n3A, %lt3A_19 : i32
    %ne3A_21 = vector.broadcast %lt3A_20 : i1 to vector<1x4096xi1>
    %ne3A_22 = vector.broadcast %ne3A_21 : vector<1x4096xi1> to vector<1x4096xi1>
    %ne3A_23 = arith.xori %lt3A_18, %ne3A_22 : vector<1x4096xi1>
    %and3A = arith.andi %ne3A_23, %ne3A_16 : vector<1x4096xi1>
    %add3A_24 = vector.broadcast %select_n3A : i32 to vector<1x4096xi32>
    %add3A_25 = arith.addi %rem3A_14, %add3A_24 : vector<1x4096xi32>
    %select_n3A_26 = arith.select %and3A, %add3A_25, %rem3A_14 : vector<1x4096xi1>, vector<1x4096xi32>
    %convert_element_type3A = arith.sitofp %select_n3A_26 : vector<1x4096xi32> to vector<1x4096xf32>
    %jit3A_27 = arith.constant 64 : i32
    %div3A = vector.broadcast %jit3A_27 : i32 to vector<1x4096xi32>
    %div3A_28 = arith.divsi %iota3A, %div3A : vector<1x4096xi32>
    %sign3A = arith.constant 0 : i32
    %sign3A_29 = vector.broadcast %sign3A : i32 to vector<1x4096xi32>
    %sign3A_30 = arith.cmpi sgt, %iota3A, %sign3A_29 : vector<1x4096xi32>
    %sign3A_31 = arith.extui %sign3A_30 : vector<1x4096xi1> to vector<1x4096xi32>
    %sign3A_32 = arith.constant 0 : i32
    %sign3A_33 = vector.broadcast %sign3A_32 : i32 to vector<1x4096xi32>
    %sign3A_34 = arith.cmpi slt, %iota3A, %sign3A_33 : vector<1x4096xi32>
    %sign3A_35 = arith.extui %sign3A_34 : vector<1x4096xi1> to vector<1x4096xi32>
    %sign3A_36 = arith.subi %sign3A_31, %sign3A_35 : vector<1x4096xi32>
    %sign3A_37 = arith.constant 0 : i32
    %sign3A_38 = arith.cmpi sgt, %jit3A_27, %sign3A_37 : i32
    %sign3A_39 = arith.extui %sign3A_38 : i1 to i32
    %sign3A_40 = arith.constant 0 : i32
    %sign3A_41 = arith.cmpi slt, %jit3A_27, %sign3A_40 : i32
    %sign3A_42 = arith.extui %sign3A_41 : i1 to i32
    %sign3A_43 = arith.subi %sign3A_39, %sign3A_42 : i32
    %ne3A_44 = vector.broadcast %sign3A_43 : i32 to vector<1x4096xi32>
    %ne3A_45 = arith.cmpi ne, %sign3A_36, %ne3A_44 : vector<1x4096xi32>
    %rem3A_46 = vector.broadcast %jit3A_27 : i32 to vector<1x4096xi32>
    %rem3A_47 = arith.remsi %iota3A, %rem3A_46 : vector<1x4096xi32>
    %ne3A_48 = arith.constant 0 : i32
    %ne3A_49 = vector.broadcast %ne3A_48 : i32 to vector<1x4096xi32>
    %ne3A_50 = arith.cmpi ne, %rem3A_47, %ne3A_49 : vector<1x4096xi32>
    %and3A_51 = arith.andi %ne3A_45, %ne3A_50 : vector<1x4096xi1>
    %sub3A = arith.constant 1 : i32
    %sub3A_52 = vector.broadcast %sub3A : i32 to vector<1x4096xi32>
    %sub3A_53 = arith.subi %div3A_28, %sub3A_52 : vector<1x4096xi32>
    %select_n3A_54 = arith.select %and3A_51, %sub3A_53, %div3A_28 : vector<1x4096xi1>, vector<1x4096xi32>
    %convert_element_type3A_55 = arith.sitofp %select_n3A_54 : vector<1x4096xi32> to vector<1x4096xf32>
    %slice3A = vector.extract_strided_slice %add3A_11 {offsets = [240, 0], sizes = [24, 4096], strides = [1, 1]} : vector<264x4096xf32> to vector<24x4096xf32>
    %logistic3A = arith.negf %slice3A : vector<24x4096xf32>
    %logistic3A_56 = math.exp %logistic3A : vector<24x4096xf32>
    %logistic3A_57 = arith.constant 1.000000e+00 : f32
    %logistic3A_58 = vector.broadcast %logistic3A_57 : f32 to vector<24x4096xf32>
    %logistic3A_59 = arith.addf %logistic3A_58, %logistic3A_56 : vector<24x4096xf32>
    %logistic3A_60 = arith.divf %logistic3A_58, %logistic3A_59 : vector<24x4096xf32>
    %custom_jvp_call3A = arith.constant 0.000000e+00 : f32
    %max3A = vector.broadcast %custom_jvp_call3A : f32 to vector<24x4096xf32>
    %max3A_61 = arith.maximumf %slice3A, %max3A : vector<24x4096xf32>
    %sub3A_62 = vector.broadcast %custom_jvp_call3A : f32 to vector<24x4096xf32>
    %sub3A_63 = arith.subf %slice3A, %sub3A_62 : vector<24x4096xf32>
    %ne3A_64 = arith.cmpf one, %sub3A_63, %sub3A_63 : vector<24x4096xf32>
    %add3A_65 = vector.broadcast %custom_jvp_call3A : f32 to vector<24x4096xf32>
    %add3A_66 = arith.addf %slice3A, %add3A_65 : vector<24x4096xf32>
    %abs3A = math.absf %sub3A_63 : vector<24x4096xf32>
    %neg3A = arith.constant 0.000000e+00 : f32
    %neg3A_67 = vector.broadcast %neg3A : f32 to vector<24x4096xf32>
    %neg3A_68 = arith.subf %neg3A_67, %abs3A : vector<24x4096xf32>
    %exp3A = math.exp %neg3A_68 : vector<24x4096xf32>
    %log1p3A = math.log1p %exp3A : vector<24x4096xf32>
    %add3A_69 = arith.addf %max3A_61, %log1p3A : vector<24x4096xf32>
    %select_n3A_70 = arith.select %ne3A_64, %add3A_66, %add3A_69 : vector<24x4096xi1>, vector<24x4096xf32>
    %slice3A_71 = vector.extract_strided_slice %add3A_11 {offsets = [0, 0], sizes = [80, 4096], strides = [1, 1]} : vector<264x4096xf32> to vector<80x4096xf32>
    %slice3A_72 = vector.extract_strided_slice %logistic3A_60 {offsets = [16, 0], sizes = [1, 4096], strides = [1, 1]} : vector<24x4096xf32> to vector<1x4096xf32>
    %slice3A_73 = vector.extract_strided_slice %logistic3A_60 {offsets = [20, 0], sizes = [1, 4096], strides = [1, 1]} : vector<24x4096xf32> to vector<1x4096xf32>
    %mul3A = arith.mulf %slice3A_72, %slice3A_73 : vector<1x4096xf32>
    %logistic3A_74 = arith.negf %slice3A_71 : vector<80x4096xf32>
    %logistic3A_75 = math.exp %logistic3A_74 : vector<80x4096xf32>
    %logistic3A_76 = arith.constant 1.000000e+00 : f32
    %logistic3A_77 = vector.broadcast %logistic3A_76 : f32 to vector<80x4096xf32>
    %logistic3A_78 = arith.addf %logistic3A_77, %logistic3A_75 : vector<80x4096xf32>
    %logistic3A_79 = arith.divf %logistic3A_77, %logistic3A_78 : vector<80x4096xf32>
    %mul3A_80 = vector.broadcast %mul3A : vector<1x4096xf32> to vector<80x4096xf32>
    %mul3A_81 = arith.mulf %mul3A_80, %logistic3A_79 : vector<80x4096xf32>
    %reduce_max3A = arith.constant dense<0xFF800000> : vector<4096xf32>
    %reduce_max3A_82 = vector.multi_reduction <maximumf>, %mul3A_81, %reduce_max3A [0] : vector<80x4096xf32> to vector<4096xf32>
    %broadcast_in_dim3A = vector.shape_cast %reduce_max3A_82 : vector<4096xf32> to vector<1x4096xf32>
    %iota3A_83 = tpu.iota {dimensions = array<i32: 0>} : vector<80x4096xi32>
    %eq3A_84 = vector.broadcast %broadcast_in_dim3A : vector<1x4096xf32> to vector<80x4096xf32>
    %eq3A_85 = arith.cmpf oeq, %mul3A_81, %eq3A_84 : vector<80x4096xf32>
    %jit3A_86 = arith.constant 127 : i32
    %broadcast_in_dim3A_87 = vector.broadcast %jit3A_86 : i32 to vector<80x4096xi32>
    %select_n3A_88 = arith.select %eq3A_85, %iota3A_83, %broadcast_in_dim3A_87 : vector<80x4096xi1>, vector<80x4096xi32>
    %reduce_min3A = arith.constant dense<2147483647> : vector<4096xi32>
    %reduce_min3A_89 = vector.multi_reduction <minsi>, %select_n3A_88, %reduce_min3A [0] : vector<80x4096xi32> to vector<4096xi32>
    %broadcast_in_dim3A_90 = vector.shape_cast %reduce_min3A_89 : vector<4096xi32> to vector<1x4096xi32>
    %convert_element_type3A_91 = arith.sitofp %broadcast_in_dim3A_90 : vector<1x4096xi32> to vector<1x4096xf32>
    %slice3A_92 = vector.extract_strided_slice %logistic3A_60 {offsets = [0, 0], sizes = [1, 4096], strides = [1, 1]} : vector<24x4096xf32> to vector<1x4096xf32>
    %add3A_93 = arith.addf %slice3A_92, %convert_element_type3A : vector<1x4096xf32>
    %mul3A_94 = arith.constant 1.562500e-02 : f32
    %mul3A_95 = vector.broadcast %mul3A_94 : f32 to vector<1x4096xf32>
    %mul3A_96 = arith.mulf %add3A_93, %mul3A_95 : vector<1x4096xf32>
    %slice3A_97 = vector.extract_strided_slice %logistic3A_60 {offsets = [4, 0], sizes = [1, 4096], strides = [1, 1]} : vector<24x4096xf32> to vector<1x4096xf32>
    %add3A_98 = arith.addf %slice3A_97, %convert_element_type3A_55 : vector<1x4096xf32>
    %mul3A_99 = arith.constant 1.562500e-02 : f32
    %mul3A_100 = vector.broadcast %mul3A_99 : f32 to vector<1x4096xf32>
    %mul3A_101 = arith.mulf %add3A_98, %mul3A_100 : vector<1x4096xf32>
    %get3A_102 = arith.constant 0 : index
    %get3A_103 = arith.constant 0 : index
    %get3A_104 = vector.load %arg4[%get3A_102, %get3A_103] : memref<3x2xf32, #tpu.memory_space<vmem>>, vector<1x1xf32>
    %get3A_105 = vector.extract %get3A_104[0, 0] : f32 from vector<1x1xf32>
    %slice3A_106 = vector.extract_strided_slice %select_n3A_70 {offsets = [8, 0], sizes = [1, 4096], strides = [1, 1]} : vector<24x4096xf32> to vector<1x4096xf32>
    %mul3A_107 = vector.broadcast %get3A_105 : f32 to vector<1x4096xf32>
    %mul3A_108 = arith.mulf %mul3A_107, %slice3A_106 : vector<1x4096xf32>
    %get3A_109 = arith.constant 0 : index
    %get3A_110 = arith.constant 1 : index
    %get3A_111 = vector.load %arg4[%get3A_109, %get3A_110] : memref<3x2xf32, #tpu.memory_space<vmem>>, vector<1x1xf32>
    %get3A_112 = vector.extract %get3A_111[0, 0] : f32 from vector<1x1xf32>
    %slice3A_113 = vector.extract_strided_slice %select_n3A_70 {offsets = [12, 0], sizes = [1, 4096], strides = [1, 1]} : vector<24x4096xf32> to vector<1x4096xf32>
    %mul3A_114 = vector.broadcast %get3A_112 : f32 to vector<1x4096xf32>
    %mul3A_115 = arith.mulf %mul3A_114, %slice3A_113 : vector<1x4096xf32>
    %reshape3A = vector.shape_cast %broadcast_in_dim3A : vector<1x4096xf32> to vector<32x128xf32>
    %swap3A = arith.constant 0 : index
    %swap3A_116 = arith.constant 0 : index
    %swap3A_117 = arith.constant 0 : index
    %swap3A_118 = vector.load %arg5[%swap3A, %swap3A_116, %swap3A_117] : memref<1x96x128xf32, #tpu.memory_space<vmem>>, vector<1x32x128xf32>
    %swap3A_119 = vector.shape_cast %swap3A_118 : vector<1x32x128xf32> to vector<32x128xf32>
    %swap3A_120 = vector.shape_cast %reshape3A : vector<32x128xf32> to vector<1x32x128xf32>
    tpu.vector_store %arg5[%swap3A, %swap3A_116, %swap3A_117], %swap3A_120 {strides = array<i32>} : memref<1x96x128xf32, #tpu.memory_space<vmem>>, vector<1x32x128xf32>,
    %reshape3A_121 = vector.shape_cast %convert_element_type3A_91 : vector<1x4096xf32> to vector<32x128xf32>
    %swap3A_122 = arith.constant 0 : index
    %swap3A_123 = arith.constant 0 : index
    %swap3A_124 = arith.constant 0 : index
    %swap3A_125 = vector.load %arg6[%swap3A_122, %swap3A_123, %swap3A_124] : memref<1x96x128xf32, #tpu.memory_space<vmem>>, vector<1x32x128xf32>
    %swap3A_126 = vector.shape_cast %swap3A_125 : vector<1x32x128xf32> to vector<32x128xf32>
    %swap3A_127 = vector.shape_cast %reshape3A_121 : vector<32x128xf32> to vector<1x32x128xf32>
    tpu.vector_store %arg6[%swap3A_122, %swap3A_123, %swap3A_124], %swap3A_127 {strides = array<i32>} : memref<1x96x128xf32, #tpu.memory_space<vmem>>, vector<1x32x128xf32>,
    %reshape3A_128 = vector.shape_cast %mul3A_96 : vector<1x4096xf32> to vector<32x128xf32>
    %swap3A_129 = arith.constant 0 : index
    %swap3A_130 = arith.constant 0 : index
    %swap3A_131 = arith.constant 0 : index
    %swap3A_132 = vector.load %arg7[%swap3A_129, %swap3A_130, %swap3A_131] : memref<1x96x128xf32, #tpu.memory_space<vmem>>, vector<1x32x128xf32>
    %swap3A_133 = vector.shape_cast %swap3A_132 : vector<1x32x128xf32> to vector<32x128xf32>
    %swap3A_134 = vector.shape_cast %reshape3A_128 : vector<32x128xf32> to vector<1x32x128xf32>
    tpu.vector_store %arg7[%swap3A_129, %swap3A_130, %swap3A_131], %swap3A_134 {strides = array<i32>} : memref<1x96x128xf32, #tpu.memory_space<vmem>>, vector<1x32x128xf32>,
    %reshape3A_135 = vector.shape_cast %mul3A_101 : vector<1x4096xf32> to vector<32x128xf32>
    %swap3A_136 = arith.constant 0 : index
    %swap3A_137 = arith.constant 0 : index
    %swap3A_138 = arith.constant 0 : index
    %swap3A_139 = vector.load %arg8[%swap3A_136, %swap3A_137, %swap3A_138] : memref<1x96x128xf32, #tpu.memory_space<vmem>>, vector<1x32x128xf32>
    %swap3A_140 = vector.shape_cast %swap3A_139 : vector<1x32x128xf32> to vector<32x128xf32>
    %swap3A_141 = vector.shape_cast %reshape3A_135 : vector<32x128xf32> to vector<1x32x128xf32>
    tpu.vector_store %arg8[%swap3A_136, %swap3A_137, %swap3A_138], %swap3A_141 {strides = array<i32>} : memref<1x96x128xf32, #tpu.memory_space<vmem>>, vector<1x32x128xf32>,
    %reshape3A_142 = vector.shape_cast %mul3A_108 : vector<1x4096xf32> to vector<32x128xf32>
    %swap3A_143 = arith.constant 0 : index
    %swap3A_144 = arith.constant 0 : index
    %swap3A_145 = arith.constant 0 : index
    %swap3A_146 = vector.load %arg9[%swap3A_143, %swap3A_144, %swap3A_145] : memref<1x96x128xf32, #tpu.memory_space<vmem>>, vector<1x32x128xf32>
    %swap3A_147 = vector.shape_cast %swap3A_146 : vector<1x32x128xf32> to vector<32x128xf32>
    %swap3A_148 = vector.shape_cast %reshape3A_142 : vector<32x128xf32> to vector<1x32x128xf32>
    tpu.vector_store %arg9[%swap3A_143, %swap3A_144, %swap3A_145], %swap3A_148 {strides = array<i32>} : memref<1x96x128xf32, #tpu.memory_space<vmem>>, vector<1x32x128xf32>,
    %reshape3A_149 = vector.shape_cast %mul3A_115 : vector<1x4096xf32> to vector<32x128xf32>
    %swap3A_150 = arith.constant 0 : index
    %swap3A_151 = arith.constant 0 : index
    %swap3A_152 = arith.constant 0 : index
    %swap3A_153 = vector.load %arg10[%swap3A_150, %swap3A_151, %swap3A_152] : memref<1x96x128xf32, #tpu.memory_space<vmem>>, vector<1x32x128xf32>
    %swap3A_154 = vector.shape_cast %swap3A_153 : vector<1x32x128xf32> to vector<32x128xf32>
    %swap3A_155 = vector.shape_cast %reshape3A_149 : vector<32x128xf32> to vector<1x32x128xf32>
    tpu.vector_store %arg10[%swap3A_150, %swap3A_151, %swap3A_152], %swap3A_155 {strides = array<i32>} : memref<1x96x128xf32, #tpu.memory_space<vmem>>, vector<1x32x128xf32>,
    %slice3A_156 = vector.extract_strided_slice %add3A_11 {offsets = [80, 0], sizes = [80, 4096], strides = [1, 1]} : vector<264x4096xf32> to vector<80x4096xf32>
    %slice3A_157 = vector.extract_strided_slice %logistic3A_60 {offsets = [17, 0], sizes = [1, 4096], strides = [1, 1]} : vector<24x4096xf32> to vector<1x4096xf32>
    %slice3A_158 = vector.extract_strided_slice %logistic3A_60 {offsets = [21, 0], sizes = [1, 4096], strides = [1, 1]} : vector<24x4096xf32> to vector<1x4096xf32>
    %mul3A_159 = arith.mulf %slice3A_157, %slice3A_158 : vector<1x4096xf32>
    %logistic3A_160 = arith.negf %slice3A_156 : vector<80x4096xf32>
    %logistic3A_161 = math.exp %logistic3A_160 : vector<80x4096xf32>
    %logistic3A_162 = arith.constant 1.000000e+00 : f32
    %logistic3A_163 = vector.broadcast %logistic3A_162 : f32 to vector<80x4096xf32>
    %logistic3A_164 = arith.addf %logistic3A_163, %logistic3A_161 : vector<80x4096xf32>
    %logistic3A_165 = arith.divf %logistic3A_163, %logistic3A_164 : vector<80x4096xf32>
    %mul3A_166 = vector.broadcast %mul3A_159 : vector<1x4096xf32> to vector<80x4096xf32>
    %mul3A_167 = arith.mulf %mul3A_166, %logistic3A_165 : vector<80x4096xf32>
    %reduce_max3A_168 = arith.constant dense<0xFF800000> : vector<4096xf32>
    %reduce_max3A_169 = vector.multi_reduction <maximumf>, %mul3A_167, %reduce_max3A_168 [0] : vector<80x4096xf32> to vector<4096xf32>
    %broadcast_in_dim3A_170 = vector.shape_cast %reduce_max3A_169 : vector<4096xf32> to vector<1x4096xf32>
    %iota3A_171 = tpu.iota {dimensions = array<i32: 0>} : vector<80x4096xi32>
    %eq3A_172 = vector.broadcast %broadcast_in_dim3A_170 : vector<1x4096xf32> to vector<80x4096xf32>
    %eq3A_173 = arith.cmpf oeq, %mul3A_167, %eq3A_172 : vector<80x4096xf32>
    %jit3A_174 = arith.constant 127 : i32
    %broadcast_in_dim3A_175 = vector.broadcast %jit3A_174 : i32 to vector<80x4096xi32>
    %select_n3A_176 = arith.select %eq3A_173, %iota3A_171, %broadcast_in_dim3A_175 : vector<80x4096xi1>, vector<80x4096xi32>
    %reduce_min3A_177 = arith.constant dense<2147483647> : vector<4096xi32>
    %reduce_min3A_178 = vector.multi_reduction <minsi>, %select_n3A_176, %reduce_min3A_177 [0] : vector<80x4096xi32> to vector<4096xi32>
    %broadcast_in_dim3A_179 = vector.shape_cast %reduce_min3A_178 : vector<4096xi32> to vector<1x4096xi32>
    %convert_element_type3A_180 = arith.sitofp %broadcast_in_dim3A_179 : vector<1x4096xi32> to vector<1x4096xf32>
    %slice3A_181 = vector.extract_strided_slice %logistic3A_60 {offsets = [1, 0], sizes = [1, 4096], strides = [1, 1]} : vector<24x4096xf32> to vector<1x4096xf32>
    %add3A_182 = arith.addf %slice3A_181, %convert_element_type3A : vector<1x4096xf32>
    %mul3A_183 = arith.constant 1.562500e-02 : f32
    %mul3A_184 = vector.broadcast %mul3A_183 : f32 to vector<1x4096xf32>
    %mul3A_185 = arith.mulf %add3A_182, %mul3A_184 : vector<1x4096xf32>
    %slice3A_186 = vector.extract_strided_slice %logistic3A_60 {offsets = [5, 0], sizes = [1, 4096], strides = [1, 1]} : vector<24x4096xf32> to vector<1x4096xf32>
    %add3A_187 = arith.addf %slice3A_186, %convert_element_type3A_55 : vector<1x4096xf32>
    %mul3A_188 = arith.constant 1.562500e-02 : f32
    %mul3A_189 = vector.broadcast %mul3A_188 : f32 to vector<1x4096xf32>
    %mul3A_190 = arith.mulf %add3A_187, %mul3A_189 : vector<1x4096xf32>
    %get3A_191 = arith.constant 1 : index
    %get3A_192 = arith.constant 0 : index
    %get3A_193 = vector.load %arg4[%get3A_191, %get3A_192] : memref<3x2xf32, #tpu.memory_space<vmem>>, vector<1x1xf32>
    %get3A_194 = vector.extract %get3A_193[0, 0] : f32 from vector<1x1xf32>
    %slice3A_195 = vector.extract_strided_slice %select_n3A_70 {offsets = [9, 0], sizes = [1, 4096], strides = [1, 1]} : vector<24x4096xf32> to vector<1x4096xf32>
    %mul3A_196 = vector.broadcast %get3A_194 : f32 to vector<1x4096xf32>
    %mul3A_197 = arith.mulf %mul3A_196, %slice3A_195 : vector<1x4096xf32>
    %get3A_198 = arith.constant 1 : index
    %get3A_199 = arith.constant 1 : index
    %get3A_200 = vector.load %arg4[%get3A_198, %get3A_199] : memref<3x2xf32, #tpu.memory_space<vmem>>, vector<1x1xf32>
    %get3A_201 = vector.extract %get3A_200[0, 0] : f32 from vector<1x1xf32>
    %slice3A_202 = vector.extract_strided_slice %select_n3A_70 {offsets = [13, 0], sizes = [1, 4096], strides = [1, 1]} : vector<24x4096xf32> to vector<1x4096xf32>
    %mul3A_203 = vector.broadcast %get3A_201 : f32 to vector<1x4096xf32>
    %mul3A_204 = arith.mulf %mul3A_203, %slice3A_202 : vector<1x4096xf32>
    %reshape3A_205 = vector.shape_cast %broadcast_in_dim3A_170 : vector<1x4096xf32> to vector<32x128xf32>
    %swap3A_206 = arith.constant 0 : index
    %swap3A_207 = arith.constant 32 : index
    %swap3A_208 = arith.constant 0 : index
    %swap3A_209 = vector.load %arg5[%swap3A_206, %swap3A_207, %swap3A_208] : memref<1x96x128xf32, #tpu.memory_space<vmem>>, vector<1x32x128xf32>
    %swap3A_210 = vector.shape_cast %swap3A_209 : vector<1x32x128xf32> to vector<32x128xf32>
    %swap3A_211 = vector.shape_cast %reshape3A_205 : vector<32x128xf32> to vector<1x32x128xf32>
    tpu.vector_store %arg5[%swap3A_206, %swap3A_207, %swap3A_208], %swap3A_211 {strides = array<i32>} : memref<1x96x128xf32, #tpu.memory_space<vmem>>, vector<1x32x128xf32>,
    %reshape3A_212 = vector.shape_cast %convert_element_type3A_180 : vector<1x4096xf32> to vector<32x128xf32>
    %swap3A_213 = arith.constant 0 : index
    %swap3A_214 = arith.constant 32 : index
    %swap3A_215 = arith.constant 0 : index
    %swap3A_216 = vector.load %arg6[%swap3A_213, %swap3A_214, %swap3A_215] : memref<1x96x128xf32, #tpu.memory_space<vmem>>, vector<1x32x128xf32>
    %swap3A_217 = vector.shape_cast %swap3A_216 : vector<1x32x128xf32> to vector<32x128xf32>
    %swap3A_218 = vector.shape_cast %reshape3A_212 : vector<32x128xf32> to vector<1x32x128xf32>
    tpu.vector_store %arg6[%swap3A_213, %swap3A_214, %swap3A_215], %swap3A_218 {strides = array<i32>} : memref<1x96x128xf32, #tpu.memory_space<vmem>>, vector<1x32x128xf32>,
    %reshape3A_219 = vector.shape_cast %mul3A_185 : vector<1x4096xf32> to vector<32x128xf32>
    %swap3A_220 = arith.constant 0 : index
    %swap3A_221 = arith.constant 32 : index
    %swap3A_222 = arith.constant 0 : index
    %swap3A_223 = vector.load %arg7[%swap3A_220, %swap3A_221, %swap3A_222] : memref<1x96x128xf32, #tpu.memory_space<vmem>>, vector<1x32x128xf32>
    %swap3A_224 = vector.shape_cast %swap3A_223 : vector<1x32x128xf32> to vector<32x128xf32>
    %swap3A_225 = vector.shape_cast %reshape3A_219 : vector<32x128xf32> to vector<1x32x128xf32>
    tpu.vector_store %arg7[%swap3A_220, %swap3A_221, %swap3A_222], %swap3A_225 {strides = array<i32>} : memref<1x96x128xf32, #tpu.memory_space<vmem>>, vector<1x32x128xf32>,
    %reshape3A_226 = vector.shape_cast %mul3A_190 : vector<1x4096xf32> to vector<32x128xf32>
    %swap3A_227 = arith.constant 0 : index
    %swap3A_228 = arith.constant 32 : index
    %swap3A_229 = arith.constant 0 : index
    %swap3A_230 = vector.load %arg8[%swap3A_227, %swap3A_228, %swap3A_229] : memref<1x96x128xf32, #tpu.memory_space<vmem>>, vector<1x32x128xf32>
    %swap3A_231 = vector.shape_cast %swap3A_230 : vector<1x32x128xf32> to vector<32x128xf32>
    %swap3A_232 = vector.shape_cast %reshape3A_226 : vector<32x128xf32> to vector<1x32x128xf32>
    tpu.vector_store %arg8[%swap3A_227, %swap3A_228, %swap3A_229], %swap3A_232 {strides = array<i32>} : memref<1x96x128xf32, #tpu.memory_space<vmem>>, vector<1x32x128xf32>,
    %reshape3A_233 = vector.shape_cast %mul3A_197 : vector<1x4096xf32> to vector<32x128xf32>
    %swap3A_234 = arith.constant 0 : index
    %swap3A_235 = arith.constant 32 : index
    %swap3A_236 = arith.constant 0 : index
    %swap3A_237 = vector.load %arg9[%swap3A_234, %swap3A_235, %swap3A_236] : memref<1x96x128xf32, #tpu.memory_space<vmem>>, vector<1x32x128xf32>
    %swap3A_238 = vector.shape_cast %swap3A_237 : vector<1x32x128xf32> to vector<32x128xf32>
    %swap3A_239 = vector.shape_cast %reshape3A_233 : vector<32x128xf32> to vector<1x32x128xf32>
    tpu.vector_store %arg9[%swap3A_234, %swap3A_235, %swap3A_236], %swap3A_239 {strides = array<i32>} : memref<1x96x128xf32, #tpu.memory_space<vmem>>, vector<1x32x128xf32>,
    %reshape3A_240 = vector.shape_cast %mul3A_204 : vector<1x4096xf32> to vector<32x128xf32>
    %swap3A_241 = arith.constant 0 : index
    %swap3A_242 = arith.constant 32 : index
    %swap3A_243 = arith.constant 0 : index
    %swap3A_244 = vector.load %arg10[%swap3A_241, %swap3A_242, %swap3A_243] : memref<1x96x128xf32, #tpu.memory_space<vmem>>, vector<1x32x128xf32>
    %swap3A_245 = vector.shape_cast %swap3A_244 : vector<1x32x128xf32> to vector<32x128xf32>
    %swap3A_246 = vector.shape_cast %reshape3A_240 : vector<32x128xf32> to vector<1x32x128xf32>
    tpu.vector_store %arg10[%swap3A_241, %swap3A_242, %swap3A_243], %swap3A_246 {strides = array<i32>} : memref<1x96x128xf32, #tpu.memory_space<vmem>>, vector<1x32x128xf32>,
    %slice3A_247 = vector.extract_strided_slice %add3A_11 {offsets = [160, 0], sizes = [80, 4096], strides = [1, 1]} : vector<264x4096xf32> to vector<80x4096xf32>
    %slice3A_248 = vector.extract_strided_slice %logistic3A_60 {offsets = [18, 0], sizes = [1, 4096], strides = [1, 1]} : vector<24x4096xf32> to vector<1x4096xf32>
    %slice3A_249 = vector.extract_strided_slice %logistic3A_60 {offsets = [22, 0], sizes = [1, 4096], strides = [1, 1]} : vector<24x4096xf32> to vector<1x4096xf32>
    %mul3A_250 = arith.mulf %slice3A_248, %slice3A_249 : vector<1x4096xf32>
    %logistic3A_251 = arith.negf %slice3A_247 : vector<80x4096xf32>
    %logistic3A_252 = math.exp %logistic3A_251 : vector<80x4096xf32>
    %logistic3A_253 = arith.constant 1.000000e+00 : f32
    %logistic3A_254 = vector.broadcast %logistic3A_253 : f32 to vector<80x4096xf32>
    %logistic3A_255 = arith.addf %logistic3A_254, %logistic3A_252 : vector<80x4096xf32>
    %logistic3A_256 = arith.divf %logistic3A_254, %logistic3A_255 : vector<80x4096xf32>
    %mul3A_257 = vector.broadcast %mul3A_250 : vector<1x4096xf32> to vector<80x4096xf32>
    %mul3A_258 = arith.mulf %mul3A_257, %logistic3A_256 : vector<80x4096xf32>
    %reduce_max3A_259 = arith.constant dense<0xFF800000> : vector<4096xf32>
    %reduce_max3A_260 = vector.multi_reduction <maximumf>, %mul3A_258, %reduce_max3A_259 [0] : vector<80x4096xf32> to vector<4096xf32>
    %broadcast_in_dim3A_261 = vector.shape_cast %reduce_max3A_260 : vector<4096xf32> to vector<1x4096xf32>
    %iota3A_262 = tpu.iota {dimensions = array<i32: 0>} : vector<80x4096xi32>
    %eq3A_263 = vector.broadcast %broadcast_in_dim3A_261 : vector<1x4096xf32> to vector<80x4096xf32>
    %eq3A_264 = arith.cmpf oeq, %mul3A_258, %eq3A_263 : vector<80x4096xf32>
    %jit3A_265 = arith.constant 127 : i32
    %broadcast_in_dim3A_266 = vector.broadcast %jit3A_265 : i32 to vector<80x4096xi32>
    %select_n3A_267 = arith.select %eq3A_264, %iota3A_262, %broadcast_in_dim3A_266 : vector<80x4096xi1>, vector<80x4096xi32>
    %reduce_min3A_268 = arith.constant dense<2147483647> : vector<4096xi32>
    %reduce_min3A_269 = vector.multi_reduction <minsi>, %select_n3A_267, %reduce_min3A_268 [0] : vector<80x4096xi32> to vector<4096xi32>
    %broadcast_in_dim3A_270 = vector.shape_cast %reduce_min3A_269 : vector<4096xi32> to vector<1x4096xi32>
    %convert_element_type3A_271 = arith.sitofp %broadcast_in_dim3A_270 : vector<1x4096xi32> to vector<1x4096xf32>
    %slice3A_272 = vector.extract_strided_slice %logistic3A_60 {offsets = [2, 0], sizes = [1, 4096], strides = [1, 1]} : vector<24x4096xf32> to vector<1x4096xf32>
    %add3A_273 = arith.addf %slice3A_272, %convert_element_type3A : vector<1x4096xf32>
    %mul3A_274 = arith.constant 1.562500e-02 : f32
    %mul3A_275 = vector.broadcast %mul3A_274 : f32 to vector<1x4096xf32>
    %mul3A_276 = arith.mulf %add3A_273, %mul3A_275 : vector<1x4096xf32>
    %slice3A_277 = vector.extract_strided_slice %logistic3A_60 {offsets = [6, 0], sizes = [1, 4096], strides = [1, 1]} : vector<24x4096xf32> to vector<1x4096xf32>
    %add3A_278 = arith.addf %slice3A_277, %convert_element_type3A_55 : vector<1x4096xf32>
    %mul3A_279 = arith.constant 1.562500e-02 : f32
    %mul3A_280 = vector.broadcast %mul3A_279 : f32 to vector<1x4096xf32>
    %mul3A_281 = arith.mulf %add3A_278, %mul3A_280 : vector<1x4096xf32>
    %get3A_282 = arith.constant 2 : index
    %get3A_283 = arith.constant 0 : index
    %get3A_284 = vector.load %arg4[%get3A_282, %get3A_283] : memref<3x2xf32, #tpu.memory_space<vmem>>, vector<1x1xf32>
    %get3A_285 = vector.extract %get3A_284[0, 0] : f32 from vector<1x1xf32>
    %slice3A_286 = vector.extract_strided_slice %select_n3A_70 {offsets = [10, 0], sizes = [1, 4096], strides = [1, 1]} : vector<24x4096xf32> to vector<1x4096xf32>
    %mul3A_287 = vector.broadcast %get3A_285 : f32 to vector<1x4096xf32>
    %mul3A_288 = arith.mulf %mul3A_287, %slice3A_286 : vector<1x4096xf32>
    %get3A_289 = arith.constant 2 : index
    %get3A_290 = arith.constant 1 : index
    %get3A_291 = vector.load %arg4[%get3A_289, %get3A_290] : memref<3x2xf32, #tpu.memory_space<vmem>>, vector<1x1xf32>
    %get3A_292 = vector.extract %get3A_291[0, 0] : f32 from vector<1x1xf32>
    %slice3A_293 = vector.extract_strided_slice %select_n3A_70 {offsets = [14, 0], sizes = [1, 4096], strides = [1, 1]} : vector<24x4096xf32> to vector<1x4096xf32>
    %mul3A_294 = vector.broadcast %get3A_292 : f32 to vector<1x4096xf32>
    %mul3A_295 = arith.mulf %mul3A_294, %slice3A_293 : vector<1x4096xf32>
    %reshape3A_296 = vector.shape_cast %broadcast_in_dim3A_261 : vector<1x4096xf32> to vector<32x128xf32>
    %swap3A_297 = arith.constant 0 : index
    %swap3A_298 = arith.constant 64 : index
    %swap3A_299 = arith.constant 0 : index
    %swap3A_300 = vector.load %arg5[%swap3A_297, %swap3A_298, %swap3A_299] : memref<1x96x128xf32, #tpu.memory_space<vmem>>, vector<1x32x128xf32>
    %swap3A_301 = vector.shape_cast %swap3A_300 : vector<1x32x128xf32> to vector<32x128xf32>
    %swap3A_302 = vector.shape_cast %reshape3A_296 : vector<32x128xf32> to vector<1x32x128xf32>
    tpu.vector_store %arg5[%swap3A_297, %swap3A_298, %swap3A_299], %swap3A_302 {strides = array<i32>} : memref<1x96x128xf32, #tpu.memory_space<vmem>>, vector<1x32x128xf32>,
    %reshape3A_303 = vector.shape_cast %convert_element_type3A_271 : vector<1x4096xf32> to vector<32x128xf32>
    %swap3A_304 = arith.constant 0 : index
    %swap3A_305 = arith.constant 64 : index
    %swap3A_306 = arith.constant 0 : index
    %swap3A_307 = vector.load %arg6[%swap3A_304, %swap3A_305, %swap3A_306] : memref<1x96x128xf32, #tpu.memory_space<vmem>>, vector<1x32x128xf32>
    %swap3A_308 = vector.shape_cast %swap3A_307 : vector<1x32x128xf32> to vector<32x128xf32>
    %swap3A_309 = vector.shape_cast %reshape3A_303 : vector<32x128xf32> to vector<1x32x128xf32>
    tpu.vector_store %arg6[%swap3A_304, %swap3A_305, %swap3A_306], %swap3A_309 {strides = array<i32>} : memref<1x96x128xf32, #tpu.memory_space<vmem>>, vector<1x32x128xf32>,
    %reshape3A_310 = vector.shape_cast %mul3A_276 : vector<1x4096xf32> to vector<32x128xf32>
    %swap3A_311 = arith.constant 0 : index
    %swap3A_312 = arith.constant 64 : index
    %swap3A_313 = arith.constant 0 : index
    %swap3A_314 = vector.load %arg7[%swap3A_311, %swap3A_312, %swap3A_313] : memref<1x96x128xf32, #tpu.memory_space<vmem>>, vector<1x32x128xf32>
    %swap3A_315 = vector.shape_cast %swap3A_314 : vector<1x32x128xf32> to vector<32x128xf32>
    %swap3A_316 = vector.shape_cast %reshape3A_310 : vector<32x128xf32> to vector<1x32x128xf32>
    tpu.vector_store %arg7[%swap3A_311, %swap3A_312, %swap3A_313], %swap3A_316 {strides = array<i32>} : memref<1x96x128xf32, #tpu.memory_space<vmem>>, vector<1x32x128xf32>,
    %reshape3A_317 = vector.shape_cast %mul3A_281 : vector<1x4096xf32> to vector<32x128xf32>
    %swap3A_318 = arith.constant 0 : index
    %swap3A_319 = arith.constant 64 : index
    %swap3A_320 = arith.constant 0 : index
    %swap3A_321 = vector.load %arg8[%swap3A_318, %swap3A_319, %swap3A_320] : memref<1x96x128xf32, #tpu.memory_space<vmem>>, vector<1x32x128xf32>
    %swap3A_322 = vector.shape_cast %swap3A_321 : vector<1x32x128xf32> to vector<32x128xf32>
    %swap3A_323 = vector.shape_cast %reshape3A_317 : vector<32x128xf32> to vector<1x32x128xf32>
    tpu.vector_store %arg8[%swap3A_318, %swap3A_319, %swap3A_320], %swap3A_323 {strides = array<i32>} : memref<1x96x128xf32, #tpu.memory_space<vmem>>, vector<1x32x128xf32>,
    %reshape3A_324 = vector.shape_cast %mul3A_288 : vector<1x4096xf32> to vector<32x128xf32>
    %swap3A_325 = arith.constant 0 : index
    %swap3A_326 = arith.constant 64 : index
    %swap3A_327 = arith.constant 0 : index
    %swap3A_328 = vector.load %arg9[%swap3A_325, %swap3A_326, %swap3A_327] : memref<1x96x128xf32, #tpu.memory_space<vmem>>, vector<1x32x128xf32>
    %swap3A_329 = vector.shape_cast %swap3A_328 : vector<1x32x128xf32> to vector<32x128xf32>
    %swap3A_330 = vector.shape_cast %reshape3A_324 : vector<32x128xf32> to vector<1x32x128xf32>
    tpu.vector_store %arg9[%swap3A_325, %swap3A_326, %swap3A_327], %swap3A_330 {strides = array<i32>} : memref<1x96x128xf32, #tpu.memory_space<vmem>>, vector<1x32x128xf32>,
    %reshape3A_331 = vector.shape_cast %mul3A_295 : vector<1x4096xf32> to vector<32x128xf32>
    %swap3A_332 = arith.constant 0 : index
    %swap3A_333 = arith.constant 64 : index
    %swap3A_334 = arith.constant 0 : index
    %swap3A_335 = vector.load %arg10[%swap3A_332, %swap3A_333, %swap3A_334] : memref<1x96x128xf32, #tpu.memory_space<vmem>>, vector<1x32x128xf32>
    %swap3A_336 = vector.shape_cast %swap3A_335 : vector<1x32x128xf32> to vector<32x128xf32>
    %swap3A_337 = vector.shape_cast %reshape3A_331 : vector<32x128xf32> to vector<1x32x128xf32>
    tpu.vector_store %arg10[%swap3A_332, %swap3A_333, %swap3A_334], %swap3A_337 {strides = array<i32>} : memref<1x96x128xf32, #tpu.memory_space<vmem>>, vector<1x32x128xf32>,
    return
  }
  func.func @transform_0(%arg0: i32) -> (i32, i32, i32) {
    %c0_i32 = arith.constant 0 : i32
    %c0_i32_0 = arith.constant 0 : i32
    %c0_i32_1 = arith.constant 0 : i32
    return %arg0, %c0_i32, %c0_i32_0 : i32, i32, i32
  }
  func.func @transform_1(%arg0: i32) -> (i32, i32) {
    %c0_i32 = arith.constant 0 : i32
    %c0_i32_0 = arith.constant 0 : i32
    %c0_i32_1 = arith.constant 0 : i32
    return %c0_i32, %c0_i32_0 : i32, i32
  }
  func.func @transform_2(%arg0: i32) -> (i32, i32) {
    %c0_i32 = arith.constant 0 : i32
    %c0_i32_0 = arith.constant 0 : i32
    %c0_i32_1 = arith.constant 0 : i32
    return %c0_i32, %c0_i32_0 : i32, i32
  }
  func.func @transform_3(%arg0: i32) -> (i32, i32) {
    %c0_i32 = arith.constant 0 : i32
    %c0_i32_0 = arith.constant 0 : i32
    %c0_i32_1 = arith.constant 0 : i32
    return %c0_i32, %c0_i32_0 : i32, i32
  }
  func.func @transform_4(%arg0: i32) -> (i32, i32, i32) {
    %c0_i32 = arith.constant 0 : i32
    %c0_i32_0 = arith.constant 0 : i32
    %c0_i32_1 = arith.constant 0 : i32
    return %arg0, %c0_i32, %c0_i32_0 : i32, i32, i32
  }
  func.func @transform_5(%arg0: i32) -> (i32, i32, i32) {
    %c0_i32 = arith.constant 0 : i32
    %c0_i32_0 = arith.constant 0 : i32
    %c0_i32_1 = arith.constant 0 : i32
    return %arg0, %c0_i32, %c0_i32_0 : i32, i32, i32
  }
  func.func @transform_6(%arg0: i32) -> (i32, i32, i32) {
    %c0_i32 = arith.constant 0 : i32
    %c0_i32_0 = arith.constant 0 : i32
    %c0_i32_1 = arith.constant 0 : i32
    return %arg0, %c0_i32, %c0_i32_0 : i32, i32, i32
  }
  func.func @transform_7(%arg0: i32) -> (i32, i32, i32) {
    %c0_i32 = arith.constant 0 : i32
    %c0_i32_0 = arith.constant 0 : i32
    %c0_i32_1 = arith.constant 0 : i32
    return %arg0, %c0_i32, %c0_i32_0 : i32, i32, i32
  }
  func.func @transform_8(%arg0: i32) -> (i32, i32, i32) {
    %c0_i32 = arith.constant 0 : i32
    %c0_i32_0 = arith.constant 0 : i32
    %c0_i32_1 = arith.constant 0 : i32
    return %arg0, %c0_i32, %c0_i32_0 : i32, i32, i32
  }
  func.func @transform_9(%arg0: i32) -> (i32, i32, i32) {
    %c0_i32 = arith.constant 0 : i32
    %c0_i32_0 = arith.constant 0 : i32
    %c0_i32_1 = arith.constant 0 : i32
    return %arg0, %c0_i32, %c0_i32_0 : i32, i32, i32
  }
}

</mosaic_0001>

<sc_bundles>
// kernel: kernel.4.cloned.1.call-start
scs
__scs_entry_jumppad:
0x0: {  	(pc) =	sbr.rel $0x88, $3  }
0x1: {  	(tag) =	ssettag $0x0;
	lr =	simm.s32 $0x1  }
0x2: {  	[smem:$0x3F9D] =	sst lr;
	_ =	strace $0xD0000000  }
0x3: {  	_ = 	snop  }
0x4: {  	_ = 	snop  }
0x5: {  	_ = 	snop  }
0x6: {  	_ = 	snop  }
0x7: {  	_ = 	snop  }
__scs_overlays_trampoline_lowered:
0x8: {  	[smem:$0x3FAC] =	sst s0  }
0x9: {  	[smem:$0x3FAD] =	sst s1  }
0xa: {  	[smem:$0x3FAE] =	sst s2  }
0xb: {  	[smem:$0x3FAF] =	sst s3  }
0xc: {  	[smem:$0x3FB0] =	sst s4  }
0xd: {  	[smem:$0x3FB1] =	sst s5  }
0xe: {  	[smem:$0x3FB2] =	sst s6  }
0xf: {  	[smem:$0x3FB3] =	sst s7  }
0x10: {  	[smem:$0x3FB4] =	sst s8  }
0x11: {  	[smem:$0x3FB5] =	sst s9;
	s0 =	simm.s32 @!p0 $0x0  }
0x12: {  	s1 =	sld [smem:$0x3F9B];
	s0 =	simm.s32 @p0 $0x1  }
0x13: {  	[smem:$0x3FB6] =	sst s0;
	s0 =	simm.s32 @!p1 $0x0  }
0x14: {  	s2 =	sld [smem:$0x3F9A];
	s0 =	simm.s32 @p1 $0x1  }
0x15: {  	[smem:$0x3FB7] =	sst s0;
	s0 =	simm.s32 @!p2 $0x0  }
0x16: {  	s3 =	sld [smem:$0x3FDB];
	s0 =	simm.s32 @p2 $0x1  }
0x17: {  	s4 =	simm.s32 $0x1BF5;
	[smem:$0x3FB9] =	sst s0  }
0x18: {  	s0 =	sld [smem:$0x3F9C];
	_ =	swait.ge [sflag:s4], $0x0  }
0x19: {  	s7 =	sld [smem:$0x3F9D]  }
0x1a: {  	s8 =	sadd.s32 $0xFFFFE003, lr  }
0x1b: {  	s9 =	sadd.s32 $0xFFFFFEF7, lr;
	s5 =	simm.s32 $0xFFFFFFFF;
	p2 =	slt.u32 s8, $0xFFFFF086  }
0x1c: {  	p1 =	slt.u32 s9, $0xF7A;
	s5 =	simm.s32 @!p2 $0x0  }
0x1d: {  	s5 =	simm.s32 @p1 $0x1;
	p0 =	seq.s32 s7, s2  }
0x1e: {  	s7 =	smul.u32 @!p0 $0xF7A, s2;
	p2 =	seq.s32 @!p0 s5, $0x0  }
0x1f: {  	s9 =	smul.u32 $0xF7A, s1;
	s8 =	simm.s32 @!p0 $0x1BF5;
	p2 =	por !p2, p0  }
0x20: {  	[sflag:s8] =	ssyncset.s32 @!p0 $0xFFFFF086;
	s6 =	sadd.s32 @!p0 s3, s7;
	s7 =	simm.s32 @!p0 $0x108  }
0x21: {  	s3 =	sadd.s32 s3, s9;
	s6 =	sadd.s32 @!p0 $0x88, s6;
	s7 =	simm.s32 @p2 $0x1082  }
0x22: {  	[simem:s7], [sflag:s8] =	dma.local @!p0 [hbm:s6], $0xF7A  }
0x23: {  	s9 =	sor.u32 $0xD0000000, s2;
	s6 =	simm.s32 $0x108;
	_ =	swait.ge @!p0 [sflag:s8], $0x0  }
0x24: {  	s3 =	sadd.s32 $0x88, s3;
	s6 =	simm.s32 @!p1 $0x1082;
	[sflag:s4] =	ssyncset.s32 $0xFFFFF086  }
0x25: {  	[simem:s6], [sflag:s4] =	dma.local [hbm:s3], $0xF7A  }
0x26: {  	[smem:$0x3F9D] =	sst s1;
	(tag) =	ssettag s2;
	_ =	strace s9  }
0x27: {  	s1 =	sld [smem:$0x3FAD]  }
0x28: {  	s2 =	sld [smem:$0x3FAE]  }
0x29: {  	s4 =	sld [smem:$0x3FB0]  }
0x2a: {  	p0 =	seq.s32 s5, $0x0;
	s5 =	sld [smem:$0x3FB1]  }
0x2b: {  	s6 =	sld [smem:$0x3FB2]  }
0x2c: {  	s7 =	sld [smem:$0x3FB3]  }
0x2d: {  	s3 =	simm.s32 $0x108;
	s8 =	sld [smem:$0x3FB4]  }
0x2e: {  	s3 =	simm.s32 @!p0 $0x1082;
	s9 =	sld [smem:$0x3FB5]  }
0x2f: {  	lr =	sadd.s32 s0, s3;
	s0 =	sld [smem:$0x3FAC]  }
0x30: {  	s3 =	sld [smem:$0x3FAF]  }
0x31: {  	[smem:$0x3FB8] =	sst s10  }
0x32: {  	s10 =	sld [smem:$0x3FB6];
	_ =	sdelay $0x3  }
0x33: {  	p0 =	seq.s32 s10, $0x1;
	s10 =	sld [smem:$0x3FB8];
	_ =	sdelay $0x3  }
0x34: {  	[smem:$0x3FB8] =	sst s10  }
0x35: {  	s10 =	sld [smem:$0x3FB7];
	_ =	sdelay $0x3  }
0x36: {  	p1 =	seq.s32 s10, $0x1;
	s10 =	sld [smem:$0x3FB8];
	_ =	sdelay $0x3  }
0x37: {  	[smem:$0x3FB8] =	sst s10  }
0x38: {  	s10 =	sld [smem:$0x3FB9]  }
0x39: {  	_ = 	snop;
	(pc) =	sbr.ind lr, $3  }
0x3a: {  	_ = 	snop  }
0x3b: {  	_ = 	snop  }
0x3c: {  	p2 =	seq.s32 s10, $0x1;
	s10 =	sld [smem:$0x3FB8]  }
0x3d: {  	_ =	shalt  }
0x3e: {  	_ =	shalt  }
0x3f: {  	_ =	shalt  }
0x40: {  	_ =	shalt  }
0x41: {  	_ =	shalt  }
0x42: {  	_ =	shalt  }
0x43: {  	_ =	shalt  }
0x44: {  	_ =	shalt  }
0x45: {  	_ =	shalt  }
0x46: {  	_ =	shalt  }
0x47: {  	_ =	shalt  }
0x48: {  	_ =	shalt  }
0x49: {  	_ =	shalt  }
0x4a: {  	_ =	shalt  }
0x4b: {  	_ =	shalt  }
0x4c: {  	_ =	shalt  }
0x4d: {  	_ =	shalt  }
0x4e: {  	_ =	shalt  }
0x4f: {  	_ =	shalt  }
0x50: {  	_ =	shalt  }
0x51: {  	_ =	shalt  }
0x52: {  	_ =	shalt  }
0x53: {  	_ =	shalt  }
0x54: {  	_ =	shalt  }
0x55: {  	_ =	shalt  }
0x56: {  	_ =	shalt  }
0x57: {  	_ =	shalt  }
0x58: {  	_ =	shalt  }
0x59: {  	_ =	shalt  }
0x5a: {  	_ =	shalt  }
0x5b: {  	_ =	shalt  }
0x5c: {  	_ =	shalt  }
0x5d: {  	_ =	shalt  }
0x5e: {  	_ =	shalt  }
0x5f: {  	_ =	shalt  }
0x60: {  	_ =	shalt  }
0x61: {  	_ =	shalt  }
0x62: {  	_ =	shalt  }
0x63: {  	_ =	shalt  }
0x64: {  	_ =	shalt  }
0x65: {  	_ =	shalt  }
0x66: {  	_ =	shalt  }
0x67: {  	_ =	shalt  }
0x68: {  	_ =	shalt  }
0x69: {  	_ =	shalt  }
0x6a: {  	_ =	shalt  }
0x6b: {  	_ =	shalt  }
0x6c: {  	_ =	shalt  }
0x6d: {  	_ =	shalt  }
0x6e: {  	_ =	shalt  }
0x6f: {  	_ =	shalt  }
0x70: {  	_ =	shalt  }
0x71: {  	_ =	shalt  }
0x72: {  	_ =	shalt  }
0x73: {  	_ =	shalt  }
0x74: {  	_ =	shalt  }
0x75: {  	_ =	shalt  }
0x76: {  	_ =	shalt  }
0x77: {  	_ =	shalt  }
0x78: {  	_ =	shalt  }
0x79: {  	_ =	shalt  }
0x7a: {  	_ =	shalt  }
0x7b: {  	_ =	shalt  }
0x7c: {  	_ =	shalt  }
0x7d: {  	_ =	shalt  }
0x7e: {  	_ =	shalt  }
0x7f: {  	_ =	shalt  }
0x80: {  	_ =	shalt  }
0x81: {  	_ =	shalt  }
0x82: {  	_ =	shalt  }
0x83: {  	_ =	shalt  }
0x84: {  	_ =	shalt  }
0x85: {  	_ =	shalt  }
0x86: {  	_ =	shalt  }
0x87: {  	_ =	shalt  }
.Lfunc_end0:
.L_simem_size_0:
called_computation.1_lowered:
.L_overlay_start_0:
0x88: {  	s2 =	sld [smem:$0x3FD9]  }
0x89: {  	s3 =	sld [smem:$0x3FFE];
	_ =	sdelay $0x1  }
0x8a: {  	s1 =	srdreg.scid  }
0x8b: {  	s0 =	sand.u32 $0x1, s1  }
0x8c: {  	s16 =	sshll.u32 s0, $0xA;
	s2 =	sadd.s32 s3, s2  }
0x8d: {  	s2 =	sadd.s32 s2, s16  }
0x8e: {  	[smem:$0x3FC4] =	sst s2  }
0x8f: {  	_ = 	snop  }
0x90: {  	(tm) =	ssettm $0x1  }
0x91: {  	s17 =	sld [smem:$0x3FFB];
	_ =	sdelay $0x3  }
0x92: {  	_ =	strace s17  }
0x93: {  	s2 =	sld [smem:$0x3FFC];
	_ =	sdelay $0x3  }
0x94: {  	_ =	strace s2  }
0x95: {  	s2 =	sld [smem:$0x3FFD];
	_ =	sdelay $0x3  }
0x96: {  	_ =	strace s2  }
0x97: {  	_ =	strace $0x8FFFFFFF  }
0x98: {  	s18 =	sld [smem:$0x3FDB];
	_ =	sdelay $0x1  }
0x99: {  	s19 =	simm.s32 $_scs_section_size  }
0x9a: {  	s4 =	simm.s32 $_size__tile_overlayer_lowered;
	s5 =	simm.s32 $_tile_overlayer_lowered  }
0x9b: {  	s22 =	simm.s32 $0x1BFF;
	s21 =	sshll.u32 s5, $0x1;
	s2 =	sadd.s32 s19, s18  }
0x9c: {  	s6 =	simm.s32 $0x0;
	s20 =	sshll.u32 s4, $0x1;
	s4 =	sadd.s32 s21, s2  }
0x9d: {  	[timem:s6], [sflag:s22] =	dma.local [hbm:s4], s20  }
0x9e: {  	_ =	swait.ge [sflag:s22], s20  }
0x9f: {  	s3 =	ssub.s32 $0x0, s20;
	[sflag:s22] =	ssyncset.done $0x0  }
0xa0: {  	[sflag:s22] =	ssyncadd.s32 s3;
	_ =	sdelay $0x1  }
0xa1: {  	s23 =	simm.s32 $0x1B8B  }
0xa2: {  	_ =	swait.ge [sflag:s23], $0x1  }
0xa3: {  	[sflag:s23] =	ssyncset.done $0x0  }
0xa4: {  	s25 =	simm.s32 $0x1B8E;
	s24 =	sld [smem:$0x3FFE];
	[sflag:s23] =	ssyncadd.s32 $0xFFFFFFFF  }
0xa5: {  	s26 =	simm.s32 $execute0_lowered;
	[smem:$0x3FD2] =	sst s25  }
0xa6: {  	s4 =	sshll.u32 s26, $0x1;
	_ =	strace $0x80000049;
	[dreg:$0x1] =	wrdreg $0xFFFFFFFF  }
0xa7: {  	s28 =	simm.s32 $_size_execute0_lowered;
	s2 =	sadd.s32 s2, s4;
	[dreg:$0x0] =	wrdreg $0x0  }
0xa8: {  	s4 =	sshll.u32 s28, $0x1;
	[dreg:$0x2] =	wrdreg s2  }
0xa9: {  	[dreg:$0x3] =	wrdreg s4  }
0xaa: {  	[dreg:$0x4] =	wrdreg $0xC0  }
0xab: {  	_ =	task [dreg:s6], $0x5FFFF  }
0xac: {  	[dreg:$0x1] =	wrdreg $0xFFFFFFFF  }
0xad: {  	[dreg:$0x0] =	wrdreg $0x60  }
0xae: {  	[dreg:$0x2] =	wrdreg s24  }
0xaf: {  	[dreg:$0x3] =	wrdreg $0x9  }
0xb0: {  	_ =	task.clear_ibuf [dreg:s6], $0x4FFFF;
	_ =	strace $0x90000049  }
0xb1: {  	s29 =	simm.s32 $0x9;
	_ =	strace $0x8000004B  }
0xb2: {  	_ =	swait.ge [sflag:s29], $0x1  }
0xb3: {  	[sflag:s29] =	ssyncadd.s32 $0xFFFFFFFF  }
0xb4: {  	_ =	strace $0x9000004B  }
0xb5: {  	_ =	sfence  }
0xb6: {  	s30 =	sld [smem:$0x0];
	_ =	sdelay $0x2  }
0xb7: {  	s31 =	sshll.u32 s1, $0xD;
	s1 =	sshrl.u32 s1, $0x2  }
0xb8: {  	s3 =	sand.u32 $0x4000, s31;
	s1 =	sadd.s32 s1, s30  }
0xb9: {  	s0 =	sor.u32 s3, s0;
	s1 =	sshll.u32 s1, $0x11  }
0xba: {  	s0 =	sor.u32 s1, s0  }
0xbb: {  	s0 =	sadd.s32 $0x8F2B, s0  }
0xbc: {  	[sflag:s0] =	ssyncadd.remote.s32 $0x1  }
0xbd: {  	_ =	sfence.sel $0xFFFF  }
0xbe: {  	[dreg:$0x0] =	wrdreg $0xFFFFFFFF;
	(pc) =	sbr.abs _section_cstart, $3  }
0xbf: {  	[dreg:$0x1] =	wrdreg $0xFFFFFFFF  }
0xc0: {  	_ =	task.clear_ibuf [dreg:s6], $0x2FFFF;
	_ =	strace $0x9FFFFFFF  }
0xc1: {  	(tm) =	ssettm $0x7FFFFFFF  }
tec
execute0_lowered:
.L_overlay_start_1:
0x0: {  	(tag) =	ssettag $0x1  }
0x1: {  	s1 =	stileid.u32  }
0x2: {  	p0 =	sgt.u32 s1, $0x7  }
.Ltmp0:
0x3: {  	_ = 	snop;
	(pc) =	sbr.rel @p0 .LBB2_21-.Ltmp0, $4  }
0x4: {  	_ = 	snop  }
0x5: {  	s2 =	simm.s32 $0x0  }
0x6: {  	[smem:$0x7FF] =	sst s2  }
0x7: {  	s0 =	rddreg [dreg:$0x0];
	_ =	strace $0x8000004A  }
0x8: {  	s1 =	srdreg.scid;
	s2 =	stileid.u32;
	s4 =	sadd.s32 $0x2200, s0  }
0x9: {  	s11 =	simm.s32 $0x1;
	s12 =	simm.s32 $0x3000;
	s13 =	simm.s32 $0x6000  }
0xa: {  	s14 =	simm.s32 $0x9000;
	s1 =	sand.u32 $0x1, s1;
	s2 =	sshll.u32 s2, $0x1  }
0xb: {  	s15 =	simm.s32 $0xC000;
	s16 =	simm.s32 $0xF000;
	s2 =	sor.u32 s1, s2  }
0xc: {  	s17 =	simm.s32 $0x12000;
	s3 =	smul.u32 $0x600, s2;
	s2 =	sshll.u32 s2, $0x7  }
0xd: {  	s18 =	simm.s32 $0x12200;
	s19 =	simm.s32 $0x12280;
	s24 =	sadd.s32 s2, s0  }
0xe: {  	s20 =	simm.s32 $0x12300;
	s5 =	sadd.s32 s3, s0;
	s0 =	sadd.s32 $0x26200, s24  }
0xf: {  	s21 =	simm.s32 $0x12380;
	s25 =	sadd.s32 $0x8200, s5;
	[dreg:$0x7] =	wrdreg s0  }
0x10: {  	s23 =	simm.s32 $0x0;
	s26 =	sadd.s32 $0xE200, s5;
	[dreg:$0x2] =	wrdreg s25  }
0x11: {  	v0 =	vlaneseq.u32;
	s1 =	ssub.s32 $0x2, s1;
	s28 =	sadd.s32 $0x14200, s5;
	[dreg:$0x3] =	wrdreg s26  }
0x12: {  	v1 =	vimm.s32 $0x0;
	v5 =	vmul.u32 $0xFFFFFFFF, v0;
	s30 =	sshrl.u32 s1, $0x1;
	s29 =	sadd.s32 $0x1A200, s5;
	[dreg:$0x4] =	wrdreg s28  }
0x13: {  	v2 =	vimm.s32 $0x1;
	v6 =	vimm.s32 $0xFFFFFFFF;
	v7 =	vimm.s32 $0x40000000;
	s31 =	ssub.s32 s1, s30;
	s5 =	sadd.s32 $0x20200, s5;
	[dreg:$0x5] =	wrdreg s29  }
0x14: {  	v3 =	vadd.s32 $0xF, v5;
	v4 =	vadd.s32 $0x8000000F, v5;
	v5 =	vadd.s32 $0x8000001F, v5;
	s9 =	sadd.s32 s4, s3;
	s10 =	smax.u32 s31, $0x1;
	[dreg:$0x6] =	wrdreg s5  }
.LBB2_2:
0x15: {  	s0 =	simm.s32 $0x0  }
0x16: {  	[tilespmem:s0], [sflag:$0x1] =	stream.linear.gather [hbm4b:s9+s0], $0x3000, $0x38;
	[tilespmem:$0x12800] =	vst v63  }
0x17: {  	_ =	swait.ge [sflag:s11], $0x3000  }
0x18: {  	[sflag:s11] =	ssyncset.done $0x0  }
0x19: {  	s1 =	rddreg [dreg:$0x2];
	[sflag:s11] =	ssyncadd.s32 $0xFFFFD000  }
0x1a: {  	[tilespmem:s12], [sflag:$0x1] =	stream.linear.gather [hbm4b:s1+s0], $0x3000, $0x38;
	[tilespmem:$0x12800] =	vst v63  }
0x1b: {  	_ =	swait.ge [sflag:s11], $0x3000  }
0x1c: {  	[sflag:s11] =	ssyncset.done $0x0  }
0x1d: {  	s28 =	rddreg [dreg:$0x3];
	[sflag:s11] =	ssyncadd.s32 $0xFFFFD000  }
0x1e: {  	[tilespmem:s13], [sflag:$0x1] =	stream.linear.gather [hbm4b:s28+s0], $0x3000, $0x38;
	[tilespmem:$0x12800] =	vst v63  }
0x1f: {  	_ =	swait.ge [sflag:s11], $0x3000  }
0x20: {  	[sflag:s11] =	ssyncset.done $0x0  }
0x21: {  	s29 =	rddreg [dreg:$0x4];
	[sflag:s11] =	ssyncadd.s32 $0xFFFFD000  }
0x22: {  	[tilespmem:s14], [sflag:$0x1] =	stream.linear.gather [hbm4b:s29+s0], $0x3000, $0x38;
	[tilespmem:$0x12800] =	vst v63  }
0x23: {  	_ =	swait.ge [sflag:s11], $0x3000  }
0x24: {  	[sflag:s11] =	ssyncset.done $0x0  }
0x25: {  	s30 =	rddreg [dreg:$0x5];
	[sflag:s11] =	ssyncadd.s32 $0xFFFFD000  }
0x26: {  	[tilespmem:s15], [sflag:$0x1] =	stream.linear.gather [hbm4b:s30+s0], $0x3000, $0x38;
	[tilespmem:$0x12800] =	vst v63  }
0x27: {  	_ =	swait.ge [sflag:s11], $0x3000  }
0x28: {  	[sflag:s11] =	ssyncset.done $0x0  }
0x29: {  	s31 =	rddreg [dreg:$0x6];
	[sflag:s11] =	ssyncadd.s32 $0xFFFFD000  }
0x2a: {  	[tilespmem:s16], [sflag:$0x1] =	stream.linear.gather [hbm4b:s31+s0], $0x3000, $0x38;
	[tilespmem:$0x12800] =	vst v63  }
0x2b: {  	_ =	swait.ge [sflag:s11], $0x3000  }
0x2c: {  	[sflag:s11] =	ssyncset.done $0x0  }
0x2d: {  	[sflag:s11] =	ssyncadd.s32 $0xFFFFD000  }
0x2e: {  	[tilespmem:$0x12000] =	vst v1  }
0x2f: {  	[tilespmem:$0x12010] =	vst v1  }
0x30: {  	[tilespmem:$0x12020] =	vst v1  }
0x31: {  	[tilespmem:$0x12030] =	vst v1  }
0x32: {  	[tilespmem:$0x12040] =	vst v1  }
0x33: {  	[tilespmem:$0x12050] =	vst v1  }
0x34: {  	[tilespmem:$0x12060] =	vst v1  }
0x35: {  	[tilespmem:$0x12070] =	vst v1  }
0x36: {  	[tilespmem:$0x12080] =	vst v1  }
0x37: {  	[tilespmem:$0x12090] =	vst v1  }
0x38: {  	[tilespmem:$0x120A0] =	vst v1  }
0x39: {  	[tilespmem:$0x120B0] =	vst v1  }
0x3a: {  	[tilespmem:$0x120C0] =	vst v1  }
0x3b: {  	[tilespmem:$0x120D0] =	vst v1  }
0x3c: {  	[tilespmem:$0x120E0] =	vst v1  }
0x3d: {  	[tilespmem:$0x120F0] =	vst v1  }
0x3e: {  	[tilespmem:$0x12100] =	vst v1  }
0x3f: {  	[tilespmem:$0x12110] =	vst v1  }
0x40: {  	[tilespmem:$0x12120] =	vst v1  }
0x41: {  	[tilespmem:$0x12130] =	vst v1  }
0x42: {  	[tilespmem:$0x12140] =	vst v1  }
0x43: {  	[tilespmem:$0x12150] =	vst v1  }
0x44: {  	[tilespmem:$0x12160] =	vst v1  }
0x45: {  	[tilespmem:$0x12170] =	vst v1  }
0x46: {  	[tilespmem:$0x12180] =	vst v1  }
0x47: {  	[tilespmem:$0x12190] =	vst v1  }
0x48: {  	[tilespmem:$0x121A0] =	vst v1  }
0x49: {  	[tilespmem:$0x121B0] =	vst v1  }
0x4a: {  	[tilespmem:$0x121C0] =	vst v1  }
0x4b: {  	[tilespmem:$0x121D0] =	vst v1  }
0x4c: {  	[tilespmem:$0x121E0] =	vst v1  }
0x4d: {  	s1 =	simm.s32 $0x0;
	[tilespmem:$0x121F0] =	vst v1  }
.LBB2_3:
0x4e: {  	s2 =	sand.u32 $0x3FF0, s1  }
0x4f: {  	v8 =	vld [tilespmem:s2+$0x0];
	_ =	sdelay $0x4  }
0x50: {  	p0 =	sne.s32 s1, $0x2FF0;
	v8 =	vshrl.u32 v8, $0x17  }
.Ltmp1:
0x51: {  	_ = 	snop;
	(pc) =	sbr.rel @p0 .LBB2_3-.Ltmp1, $2  }
0x52: {  	_ =	sdelay $0x2  }
0x53: {  	s1 =	sadd.s32 $0x10, s1;
	[tilespmem:v8+s17+$0x0] =	vst.idx.add.s32.msk $0xffff, v2  }
0x54: {  	s1 =	simm.s32 $0x121F0  }
0x55: {  	v8 =	vld [tilespmem:s1+$0x0];
	_ =	sdelay $0x2  }
0x56: {  	s24 =	simm.s32 $0x121E0  }
0x57: {  	v9 =	vld [tilespmem:s24+$0x0]  }
0x58: {  	(xrf0) =	vadd.scan.msk.s32 $0xffff, v8;
	_ =	sdelay $0x3  }
0x59: {  	(xrf0) =	vadd.scan.msk.s32 $0xffff, v9  }
0x5a: {  	v8 =	vperm.xlane v8, v3  }
0x5b: {  	v10, _, _ =	vpop (xrf0)  }
0x5c: {  	s25 =	simm.s32 $0x121D0;
	(xrf0) =	vadd.scan.msk.s32 $0xffff, v8;
	(v2sf) =	vpush v10, $0xF  }
0x5d: {  	v11 =	vld [tilespmem:s25+$0x0]  }
0x5e: {  	s26 =	simm.s32 $0x121C0  }
0x5f: {  	v12 =	vld [tilespmem:s26+$0x0];
	v10, _, _ =	vpop (xrf0)  }
0x60: {  	(v2sf) =	vpush v10, $0xF  }
0x61: {  	v9 =	vperm.xlane v9, v3  }
0x62: {  	(xrf0) =	vadd.scan.msk.s32 $0xffff, v11;
	v10, _, _ =	vpop (xrf0)  }
0x63: {  	(xrf0) =	vadd.scan.msk.s32 $0xffff, v9;
	v10 =	vadd.s32 s0, v10  }
0x64: {  	(xrf0) =	vadd.scan.msk.s32 $0xffff, v12;
	v8 =	vsub.s32 v10, v8  }
0x65: {  	s3 =	simm.s32 $0x1F0;
	vm0 =	vgt.s32 v10, $0x63;
	vm1 =	vlt.s32 v8, $0x64  }
0x66: {  	s2 =	simm.s32 $0x121B0;
	v10 =	vperm.xlane v11, v3;
	v11 =	vor.u32 s3, v4;
	vm0 =	vmand vm0, vm1  }
0x67: {  	v13 =	vld [tilespmem:s2+$0x0];
	v11 =	vnsel vm0, $0x7FFFFFFF, v11  }
0x68: {  	v14, _, _ =	vpop (xrf0)  }
0x69: {  	(v2sf) =	vpush v14, $0xF;
	v14, _, _ =	vpop (xrf0);
	(xrf0) =	vadd.scan.msk.s32 $0xffff, v10  }
0x6a: {  	(xrf0) =	vmax.scan.msk.u32 $0xffff, v11;
	v11, _, _ =	vpop (xrf0)  }
0x6b: {  	(v2sf) =	vpush v11, $0xF;
	s4 =	spop (v2sf)  }
0x6c: {  	(xrf0) =	vadd.scan.msk.s32 $0xffff, v13;
	s0 =	sadd.s32 $0x0, s4  }
0x6d: {  	s5 =	simm.s32 $0x121A0;
	v8 =	vxor.u32 $0x80000000, v8;
	v11 =	vadd.s32 s0, v14  }
0x6e: {  	v8 =	vnsel vm0, $0x7FFFFFFF, v8;
	v14 =	vld [tilespmem:s5+$0x0];
	v9 =	vsub.s32 v11, v9  }
0x6f: {  	s6 =	simm.s32 $0x1E0;
	s2 =	spop (v2sf);
	vm8 =	vgt.s32 v11, $0x63;
	v11 =	vperm.xlane v12, v3;
	v12, _, _ =	vpop (xrf0);
	vm9 =	vlt.s32 v9, $0x64  }
0x70: {  	(xrf0) =	vmax.scan.msk.u32 $0xffff, v8;
	v8 =	vor.u32 s6, v4;
	s0 =	sadd.s32 s0, s2;
	v15, _, _ =	vpop (xrf0);
	vm0 =	vmand vm8, vm9  }
0x71: {  	v12 =	vadd.s32 s0, v12;
	(xrf0) =	vadd.scan.msk.s32 $0xffff, v11;
	(v2sf) =	vpush v15, $0xF;
	v8 =	vnsel vm0, $0x7FFFFFFF, v8  }
0x72: {  	s7 =	simm.s32 $0x12190;
	v9 =	vxor.u32 $0x80000000, v9;
	v15, _, _ =	vpop (xrf0);
	v10 =	vsub.s32 v12, v10;
	vm10 =	vgt.s32 v12, $0x63;
	(xrf0) =	vmax.scan.msk.u32 $0xffff, v8  }
0x73: {  	s8 =	simm.s32 $0x1D0;
	v12 =	vperm.xlane v13, v3;
	v9 =	vnsel vm0, $0x7FFFFFFF, v9;
	vm11 =	vlt.s32 v10, $0x64;
	v8 =	vld [tilespmem:s7+$0x0];
	(xrf0) =	vadd.scan.msk.s32 $0xffff, v14  }
0x74: {  	vm0 =	vmand vm10, vm11;
	(xrf0) =	vmax.scan.msk.u32 $0xffff, v9;
	v9 =	vor.u32 s8, v4  }
0x75: {  	(xrf0) =	vadd.scan.msk.s32 $0xffff, v12;
	v9 =	vnsel vm0, $0x7FFFFFFF, v9  }
0x76: {  	(v2sf) =	vpush v15, $0xF;
	v13, _, _ =	vpop (xrf0);
	(xrf0) =	vmax.scan.msk.u32 $0xffff, v9;
	v9 =	vxor.u32 $0x80000000, v10  }
0x77: {  	(v2sf) =	vpush v13, $0xF;
	v10, _, _ =	vpop (xrf0);
	v13 =	vnsel vm0, $0x7FFFFFFF, v9  }
0x78: {  	(xrf0) =	vadd.scan.msk.s32 $0xffff, v8;
	v15, _, _ =	vpop (xrf0)  }
0x79: {  	s22 =	spop (v2sf);
	v16, _, _ =	vpop (xrf0);
	(v2sf) =	vpush v15, $0xF;
	(xrf0) =	vmax.scan.msk.u32 $0xffff, v13  }
0x7a: {  	s0 =	sadd.s32 s0, s22;
	s26 =	spop (v2sf);
	(v2sf) =	vpush v16, $0xF;
	v13, _, _ =	vpop (xrf0)  }
0x7b: {  	s30 =	sadd.s32 s0, s26;
	(v2sf) =	vpush v13, $0xF;
	v13, _, _ =	vpop (xrf0)  }
0x7c: {  	v13 =	vadd.s32 s30, v13  }
0x7d: {  	v17 =	vadd.s32 s0, v10;
	v15, _, _ =	vpop (xrf0)  }
0x7e: {  	s24 =	simm.s32 $0x12180;
	v10 =	vperm.xlane v14, v3;
	v11 =	vsub.s32 v17, v11;
	(v2sf) =	vpush v15, $0xF;
	v15, _, _ =	vpop (xrf0)  }
0x7f: {  	v9 =	vld [tilespmem:s24+$0x0];
	v12 =	vsub.s32 v13, v12;
	vm14 =	vgt.s32 v13, $0x63;
	(v2sf) =	vpush v15, $0xF;
	v13, _, _ =	vpop (xrf0)  }
0x80: {  	s25 =	simm.s32 $0x1C0;
	vm12 =	vgt.s32 v17, $0x63;
	vm13 =	vlt.s32 v11, $0x64;
	(xrf0) =	vadd.scan.msk.s32 $0xffff, v10;
	s4 =	spop (v2sf);
	(v2sf) =	vpush v13, $0xF  }
0x81: {  	v14 =	vor.u32 s25, v4;
	vm0 =	vmand vm12, vm13  }
0x82: {  	v14 =	vnsel vm0, $0x7FFFFFFF, v14  }
0x83: {  	s31 =	simm.s32 $0x1A0;
	s29 =	simm.s32 $0x190;
	s28 =	simm.s32 $0x170;
	v11 =	vxor.u32 $0x80000000, v11;
	(xrf0) =	vmax.scan.msk.u32 $0xffff, v14  }
0x84: {  	s1 =	simm.s32 $0x12170;
	s3 =	simm.s32 $0x1B0;
	v8 =	vperm.xlane v8, v3;
	v11 =	vnsel vm0, $0x7FFFFFFF, v11;
	(xrf0) =	vadd.scan.msk.s32 $0xffff, v9;
	vm15 =	vlt.s32 v12, $0x64  }
0x85: {  	s2 =	simm.s32 $0x160;
	s26 =	simm.s32 $0xFFFFFFFF;
	s24 =	simm.s32 $0xFFFFFFFF;
	v14 =	vor.u32 s3, v4;
	(xrf0) =	vmax.scan.msk.u32 $0xffff, v11;
	v12 =	vxor.u32 $0x80000000, v12;
	v11 =	vld [tilespmem:s1+$0x0];
	vm0 =	vmand vm14, vm15  }
0x86: {  	s0 =	simm.s32 $0x180;
	(xrf0) =	vadd.scan.msk.s32 $0xffff, v8;
	v13, _, _ =	vpop (xrf0);
	v14 =	vnsel vm0, $0x7FFFFFFF, v14;
	v12 =	vnsel vm0, $0x7FFFFFFF, v12;
	s3 =	spop (v2sf);
	s25 =	sxor.u32 $0x80000000, s4  }
.LBB2_5:
0x87: {  	s4 =	smov.u32 s26;
	s5 =	smov.u32 s24  }
0x88: {  	s1 =	sadd.s32 $0xFFFFFFF0, s1;
	s30 =	sadd.s32 s30, s3;
	s22 =	smov.u32 s28  }
0x89: {  	s28 =	smov.u32 s2;
	p0 =	sgt.s32 s24, s25;
	s24 =	smov.u32 s25  }
0x8a: {  	v15 =	vmov v11;
	(xrf0) =	vmax.scan.msk.u32 $0xffff, v14;
	v14, _, _ =	vpop (xrf0);
	s3 =	spop (v2sf);
	v13 =	vadd.s32 s30, v13;
	s24 =	smov.u32 @p0 s5;
	p0 =	sne.s32 s2, $0x0  }
.Ltmp2:
0x8b: {  	v11 =	vld [tilespmem:s1+$0x0];
	(xrf0) =	vadd.scan.msk.s32 $0xffff, v15;
	v16, _, _ =	vpop (xrf0);
	(v2sf) =	vpush v14, $0xF;
	s26 =	sxor.u32 $0x80000000, s3;
	v14 =	vsub.s32 v13, v10;
	(pc) =	sbr.rel @p0 .LBB2_5-.Ltmp2, $4  }
0x8c: {  	s6 =	sadd.s32 $0xFFFFFFF0, s2;
	vm0 =	vgt.s32 v13, $0x63;
	(v2sf) =	vpush v16, $0xF;
	(xrf0) =	vmax.scan.msk.u32 $0xffff, v12;
	v10, _, _ =	vpop (xrf0);
	p1 =	sgt.s32 s4, s26;
	vm1 =	vlt.s32 v14, $0x64  }
0x8d: {  	v12 =	vor.u32 s31, v4;
	s31 =	smov.u32 s29;
	(v2sf) =	vpush v10, $0xF;
	s26 =	smov.u32 @p1 s4;
	v10 =	vmovc v8;
	v8 =	vperm.xlane v9, v3;
	v9 =	vmovc v15  }
0x8e: {  	s29 =	smov.u32 s0;
	s0 =	smov.u32 s22;
	vm0 =	vmand vm0, vm1;
	v15 =	vxor.u32 $0x80000000, v14;
	s2 =	spop (v2sf)  }
0x8f: {  	v14 =	vnsel vm0, $0x7FFFFFFF, v12;
	v12 =	vnsel vm0, $0x7FFFFFFF, v15;
	(xrf0) =	vadd.scan.msk.s32 $0xffff, v8;
	v13, _, _ =	vpop (xrf0);
	s3 =	spop (v2sf);
	s25 =	sxor.u32 $0x80000000, s2;
	s2 =	smov.u32 s6  }
0x90: {  	v15, _, _ =	vpop (xrf0)  }
0x91: {  	v16, _, _ =	vpop (xrf0);
	(v2sf) =	vpush v15, $0xF  }
0x92: {  	(v2sf) =	vpush v16, $0xF;
	_ =	sdelay $0x1  }
0x93: {  	s1 =	sadd.s32 s30, s3  }
0x94: {  	v13 =	vadd.s32 s1, v13  }
0x95: {  	(xrf0) =	vmax.scan.msk.u32 $0xffff, v14;
	v10 =	vsub.s32 v13, v10  }
0x96: {  	v9 =	vperm.xlane v9, v3;
	(xrf0) =	vadd.scan.msk.s32 $0xffff, v11;
	vm0 =	vgt.s32 v13, $0x63;
	vm1 =	vlt.s32 v10, $0x64  }
0x97: {  	v57 =	vor.u32 s31, v4;
	(xrf0) =	vmax.scan.msk.u32 $0xffff, v12;
	v10 =	vxor.u32 $0x80000000, v10;
	vm0 =	vmand vm0, vm1  }
0x98: {  	s31 =	spop (v2sf);
	(xrf0) =	vadd.scan.msk.s32 $0xffff, v9;
	v12 =	vnsel vm0, $0x7FFFFFFF, v57;
	v10 =	vnsel vm0, $0x7FFFFFFF, v10  }
0x99: {  	s3 =	spop (v2sf);
	v11 =	vperm.xlane v11, v3;
	v58, _, _ =	vpop (xrf0);
	(xrf0) =	vmax.scan.msk.u32 $0xffff, v12  }
0x9a: {  	s4 =	spop (v2sf);
	v59, _, _ =	vpop (xrf0);
	(xrf0) =	vmax.scan.msk.u32 $0xffff, v10  }
0x9b: {  	s2 =	spop (v2sf);
	v10, _, _ =	vpop (xrf0);
	(xrf0) =	vadd.scan.msk.s32 $0xffff, v11  }
0x9c: {  	s4 =	sadd.s32 s1, s4;
	v60, _, _ =	vpop (xrf0);
	s6 =	spop (v2sf)  }
0x9d: {  	v19 =	vor.u32 s29, v4;
	v20 =	vor.u32 s0, v4;
	v12 =	vadd.s32 s4, v59;
	v61, _, _ =	vpop (xrf0);
	s5 =	spop (v2sf)  }
0x9e: {  	(v2sf) =	vpush v58, $0xF;
	v8 =	vsub.s32 v12, v8;
	vm10 =	vgt.s32 v12, $0x63;
	v62, _, _ =	vpop (xrf0);
	s22 =	spop (v2sf)  }
0x9f: {  	[tilespmem:$0x12000] =	vst v1;
	vm11 =	vlt.s32 v8, $0x64;
	v8 =	vxor.u32 $0x80000000, v8;
	(v2sf) =	vpush v10, $0xF;
	v17, _, _ =	vpop (xrf0);
	s4 =	sadd.s32 s4, s5;
	s1 =	spop (v2sf)  }
0xa0: {  	[tilespmem:$0x12010] =	vst v1;
	vm0 =	vmand vm10, vm11;
	(v2sf) =	vpush v60, $0xF;
	v18, _, _ =	vpop (xrf0);
	v16 =	vadd.s32 s4, v62;
	s7 =	spop (v2sf)  }
0xa1: {  	[tilespmem:$0x12020] =	vst v1;
	v63 =	vnsel vm0, $0x7FFFFFFF, v19;
	v8 =	vnsel vm0, $0x7FFFFFFF, v8;
	v21, _, _ =	vpop (xrf0);
	v9 =	vsub.s32 v16, v9;
	s8 =	sadd.s32 s4, s7  }
0xa2: {  	(xrf0) =	vmax.scan.msk.u32 $0xffff, v63;
	vm12 =	vgt.s32 v16, $0x63;
	vm13 =	vlt.s32 v9, $0x64;
	v21 =	vadd.s32 s8, v21  }
0xa3: {  	(xrf0) =	vmax.scan.msk.u32 $0xffff, v8;
	v8 =	vxor.u32 $0x80000000, v9;
	vm0 =	vmand vm12, vm13;
	v11 =	vsub.s32 v21, v11  }
0xa4: {  	[tilespmem:$0x12030] =	vst v1;
	v9 =	vnsel vm0, $0x7FFFFFFF, v20;
	vm14 =	vgt.s32 v21, $0x63;
	vm2 =	vlt.s32 v11, $0x64  }
0xa5: {  	v10 =	vor.u32 s28, v4;
	v8 =	vnsel vm0, $0x7FFFFFFF, v8;
	(xrf0) =	vmax.scan.msk.u32 $0xffff, v9;
	vm15 =	vmand vm14, vm2  }
0xa6: {  	(v2sf) =	vpush v61, $0xF;
	(xrf0) =	vmax.scan.msk.u32 $0xffff, v8;
	v8 =	vxor.u32 $0x80000000, v11;
	v9 =	vnsel vm15, $0x7FFFFFFF, v10  }
0xa7: {  	[tilespmem:$0x12040] =	vst v1;
	(v2sf) =	vpush v17, $0xF;
	v8 =	vnsel vm15, $0x7FFFFFFF, v8  }
0xa8: {  	[tilespmem:$0x12050] =	vst v1;
	(v2sf) =	vpush v18, $0xF;
	(xrf0) =	vmax.scan.msk.u32 $0xffff, v9  }
0xa9: {  	[tilespmem:$0x12060] =	vst v1;
	v9, _, _ =	vpop (xrf0);
	(xrf0) =	vmax.scan.msk.u32 $0xffff, v8  }
0xaa: {  	[tilespmem:$0x12070] =	vst v1;
	(v2sf) =	vpush v9, $0xF;
	v8, _, _ =	vpop (xrf0)  }
0xab: {  	[tilespmem:$0x12080] =	vst v1;
	(v2sf) =	vpush v8, $0xF;
	v8, _, _ =	vpop (xrf0)  }
0xac: {  	p0 =	sgt.s32 s24, s25;
	[tilespmem:$0x12090] =	vst v1;
	s0 =	sxor.u32 $0x80000000, s31;
	(v2sf) =	vpush v8, $0xF  }
0xad: {  	[tilespmem:$0x120A0] =	vst v1;
	s25 =	smov.u32 @p0 s24;
	p0 =	sgt.s32 s26, s0;
	s3 =	sxor.u32 $0x80000000, s3;
	v8, _, _ =	vpop (xrf0)  }
0xae: {  	[tilespmem:$0x120B0] =	vst v1;
	s0 =	smov.u32 @p0 s26;
	p0 =	sgt.s32 s25, s3;
	s28 =	spop (v2sf);
	(v2sf) =	vpush v8, $0xF;
	v8, _, _ =	vpop (xrf0)  }
0xaf: {  	[tilespmem:$0x120C0] =	vst v1;
	s2 =	sxor.u32 $0x80000000, s2;
	s3 =	smov.u32 @p0 s25;
	s29 =	spop (v2sf);
	(v2sf) =	vpush v8, $0xF;
	v8, _, _ =	vpop (xrf0)  }
0xb0: {  	[tilespmem:$0x120D0] =	vst v1;
	p0 =	sgt.s32 s0, s2;
	s6 =	sxor.u32 $0x80000000, s6;
	s31 =	spop (v2sf);
	(v2sf) =	vpush v8, $0xF  }
0xb1: {  	[tilespmem:$0x120E0] =	vst v1;
	s2 =	smov.u32 @p0 s0;
	p0 =	sgt.s32 s3, s6;
	s0 =	sxor.u32 $0x80000000, s22  }
0xb2: {  	[tilespmem:$0x120F0] =	vst v1;
	s6 =	smov.u32 @p0 s3;
	p0 =	sgt.s32 s2, s0;
	s1 =	sxor.u32 $0x80000000, s1  }
0xb3: {  	[tilespmem:$0x12100] =	vst v1;
	s0 =	smov.u32 @p0 s2;
	p0 =	sgt.s32 s6, s1;
	s2 =	sxor.u32 $0x80000000, s28  }
0xb4: {  	[tilespmem:$0x12110] =	vst v1;
	s1 =	smov.u32 @p0 s6;
	p0 =	sgt.s32 s0, s2;
	s3 =	sxor.u32 $0x80000000, s29  }
0xb5: {  	[tilespmem:$0x12120] =	vst v1;
	s2 =	smov.u32 @p0 s0;
	s7 =	spop (v2sf);
	p0 =	sgt.s32 s1, s3  }
0xb6: {  	[tilespmem:$0x12130] =	vst v1;
	s0 =	sxor.u32 $0x80000000, s7;
	s3 =	smov.u32 @p0 s1;
	s8 =	spop (v2sf)  }
0xb7: {  	[tilespmem:$0x12140] =	vst v1;
	p0 =	sgt.s32 s2, s0;
	s1 =	sxor.u32 $0x80000000, s8;
	s22 =	spop (v2sf)  }
0xb8: {  	[tilespmem:$0x12150] =	vst v1;
	s0 =	smov.u32 @p0 s2;
	p0 =	sgt.s32 s3, s1;
	s2 =	sxor.u32 $0x80000000, s22  }
0xb9: {  	[tilespmem:$0x12160] =	vst v1;
	s1 =	smov.u32 @p0 s3;
	p0 =	sgt.s32 s0, s2;
	s24 =	spop (v2sf)  }
0xba: {  	[tilespmem:$0x12170] =	vst v1;
	s2 =	smov.u32 @p0 s0;
	s0 =	sxor.u32 $0x80000000, s24;
	s25 =	spop (v2sf)  }
0xbb: {  	[tilespmem:$0x12180] =	vst v1;
	p0 =	sgt.s32 s1, s0;
	s3 =	sxor.u32 $0x80000000, s25;
	s26 =	spop (v2sf)  }
0xbc: {  	[tilespmem:$0x12190] =	vst v1;
	s0 =	smov.u32 @p0 s1;
	p0 =	sgt.s32 s2, s3;
	s1 =	sxor.u32 $0x80000000, s26  }
0xbd: {  	[tilespmem:$0x121A0] =	vst v1;
	s28 =	spop (v2sf);
	s3 =	smov.u32 @p0 s2;
	p0 =	sgt.s32 s0, s1  }
0xbe: {  	[tilespmem:$0x121B0] =	vst v1;
	s2 =	sxor.u32 $0x80000000, s28;
	s29 =	spop (v2sf);
	s1 =	smov.u32 @p0 s0  }
0xbf: {  	[tilespmem:$0x121C0] =	vst v1;
	p0 =	sgt.s32 s3, s2;
	s24 =	sxor.u32 $0x80000000, s29;
	s30 =	spop (v2sf)  }
0xc0: {  	[tilespmem:$0x121D0] =	vst v1;
	s2 =	smov.u32 @p0 s3;
	p0 =	sgt.s32 s1, s24;
	s0 =	sxor.u32 $0x80000000, s30  }
0xc1: {  	[tilespmem:$0x121E0] =	vst v1;
	s31 =	simm.s32 $0x0;
	s24 =	smov.u32 @p0 s1;
	p0 =	sgt.s32 s2, s0  }
0xc2: {  	[tilespmem:$0x121F0] =	vst v1;
	s1 =	simm.s32 $0x10;
	v8 =	vmov s24;
	s0 =	smov.u32 @p0 s2;
	s2 =	sand.u32 $0x3FF0, s31  }
.LBB2_7:
0xc3: {  	p0 =	seq.s32 s1, $0x2FF0;
	v9 =	vld [tilespmem:s2+$0x0];
	_ =	sdelay $0x4  }
0xc4: {  	v10 =	vshra.s32 v9, $0x17  }
0xc5: {  	v9 =	vshrl.u32 v9, $0xE;
	vm0 =	veq.s32 v10, v8  }
0xc6: {  	v9 =	vand.u32 $0x1FF, v9  }
.Ltmp3:
0xc7: {  	(pc) =	sbr.rel @!p0 .LBB2_7-.Ltmp3, $2  }
0xc8: {  	_ =	sdelay $0x2  }
0xc9: {  	s2 =	sand.u32 $0x3FF0, s1;
	s1 =	sadd.s32 $0x10, s1;
	[tilespmem:v9+s17+$0x0] =	vst.idx.add.s32.msk vm0, v2  }
0xca: {  	v9 =	vld [tilespmem:s2+$0x0];
	_ =	sdelay $0x4  }
0xcb: {  	v10 =	vshra.s32 v9, $0x17  }
0xcc: {  	v9 =	vshrl.u32 v9, $0xE;
	vm0 =	veq.s32 v10, v8  }
0xcd: {  	v8 =	vand.u32 $0x1FF, v9;
	_ =	sdelay $0x4  }
0xce: {  	s3 =	simm.s32 $0x121F0;
	[tilespmem:v8+s17+$0x0] =	vst.idx.add.s32.msk vm0, v2  }
0xcf: {  	v9 =	vld [tilespmem:s3+$0x0];
	_ =	sdelay $0x2  }
0xd0: {  	s4 =	simm.s32 $0x121E0  }
0xd1: {  	v10 =	vld [tilespmem:s4+$0x0]  }
0xd2: {  	(xrf0) =	vadd.scan.msk.s32 $0xffff, v9;
	_ =	sdelay $0x3  }
0xd3: {  	(xrf0) =	vadd.scan.msk.s32 $0xffff, v10;
	_ =	sdelay $0x1  }
0xd4: {  	s5 =	simm.s32 $0x121D0;
	v11, _, _ =	vpop (xrf0)  }
0xd5: {  	v12 =	vld [tilespmem:s5+$0x0];
	v9 =	vperm.xlane v9, v3;
	(v2sf) =	vpush v11, $0xF;
	_ =	sdelay $0x1  }
0xd6: {  	(xrf0) =	vadd.scan.msk.s32 $0xffff, v9  }
0xd7: {  	v11, _, _ =	vpop (xrf0)  }
0xd8: {  	s6 =	simm.s32 $0x121C0;
	(v2sf) =	vpush v11, $0xF  }
0xd9: {  	v13 =	vld [tilespmem:s6+$0x0];
	(xrf0) =	vadd.scan.msk.s32 $0xffff, v12;
	_ =	sdelay $0x1  }
0xda: {  	v10 =	vperm.xlane v10, v3  }
0xdb: {  	s1 =	simm.s32 $0x0;
	v11, _, _ =	vpop (xrf0)  }
0xdc: {  	s25 =	ssub.s32 $0x64, s0;
	(xrf0) =	vadd.scan.msk.s32 $0xffff, v10;
	v11 =	vadd.s32 s1, v11  }
0xdd: {  	s7 =	simm.s32 $0x121B0;
	v8 =	vmov s25;
	(xrf0) =	vadd.scan.msk.s32 $0xffff, v13;
	v9 =	vsub.s32 v11, v9  }
0xde: {  	s22 =	simm.s32 $0x1F0;
	v14 =	vld [tilespmem:s7+$0x0];
	v15, _, _ =	vpop (xrf0);
	vm7 =	vge.s32 v11, v8;
	v11 =	vperm.xlane v12, v3;
	vm1 =	vlt.s32 v9, v8  }
0xdf: {  	(v2sf) =	vpush v15, $0xF;
	v12 =	vor.u32 s22, v4;
	vm0 =	vmand vm7, vm1  }
0xe0: {  	v12 =	vnsel vm0, $0x7FFFFFFF, v12  }
0xe1: {  	(xrf0) =	vadd.scan.msk.s32 $0xffff, v11  }
0xe2: {  	v15, _, _ =	vpop (xrf0);
	(xrf0) =	vmax.scan.msk.u32 $0xffff, v12;
	s8 =	spop (v2sf)  }
0xe3: {  	(xrf0) =	vadd.scan.msk.s32 $0xffff, v14;
	v12, _, _ =	vpop (xrf0);
	s0 =	sadd.s32 $0x0, s8  }
0xe4: {  	s22 =	simm.s32 $0x121A0;
	v9 =	vxor.u32 $0x80000000, v9;
	(v2sf) =	vpush v12, $0xF;
	v12 =	vadd.s32 s0, v15  }
0xe5: {  	v9 =	vnsel vm0, $0x7FFFFFFF, v9;
	v15 =	vld [tilespmem:s22+$0x0];
	v10 =	vsub.s32 v12, v10  }
0xe6: {  	s2 =	simm.s32 $0x1E0;
	s3 =	spop (v2sf);
	vm8 =	vge.s32 v12, v8;
	v12 =	vperm.xlane v13, v3;
	vm9 =	vlt.s32 v10, v8  }
0xe7: {  	(xrf0) =	vmax.scan.msk.u32 $0xffff, v9;
	v9 =	vor.u32 s2, v4;
	s0 =	sadd.s32 s0, s3;
	v13, _, _ =	vpop (xrf0);
	vm0 =	vmand vm8, vm9  }
0xe8: {  	v16, _, _ =	vpop (xrf0);
	v13 =	vadd.s32 s0, v13;
	(xrf0) =	vadd.scan.msk.s32 $0xffff, v12;
	v9 =	vnsel vm0, $0x7FFFFFFF, v9  }
0xe9: {  	v10 =	vxor.u32 $0x80000000, v10;
	(v2sf) =	vpush v16, $0xF;
	v16, _, _ =	vpop (xrf0);
	(xrf0) =	vmax.scan.msk.u32 $0xffff, v9;
	v9 =	vsub.s32 v13, v11  }
0xea: {  	s4 =	simm.s32 $0x12190;
	s5 =	simm.s32 $0x1D0;
	vm10 =	vge.s32 v13, v8;
	v10 =	vnsel vm0, $0x7FFFFFFF, v10;
	(xrf0) =	vadd.scan.msk.s32 $0xffff, v15;
	vm11 =	vlt.s32 v9, v8  }
0xeb: {  	v17 =	vld [tilespmem:s4+$0x0];
	(xrf0) =	vmax.scan.msk.u32 $0xffff, v10;
	vm0 =	vmand vm10, vm11;
	v10 =	vor.u32 s5, v4  }
0xec: {  	v13 =	vperm.xlane v14, v3;
	v10 =	vnsel vm0, $0x7FFFFFFF, v10;
	_ =	sdelay $0x1  }
0xed: {  	s6 =	spop (v2sf);
	v11, _, _ =	vpop (xrf0);
	(xrf0) =	vadd.scan.msk.s32 $0xffff, v13  }
0xee: {  	s0 =	sadd.s32 s0, s6;
	(v2sf) =	vpush v16, $0xF;
	v9 =	vxor.u32 $0x80000000, v9;
	(xrf0) =	vmax.scan.msk.u32 $0xffff, v10;
	v10, _, _ =	vpop (xrf0)  }
0xef: {  	(v2sf) =	vpush v11, $0xF;
	v16 =	vnsel vm0, $0x7FFFFFFF, v9;
	(xrf0) =	vadd.scan.msk.s32 $0xffff, v17;
	v14, _, _ =	vpop (xrf0);
	v10 =	vadd.s32 s0, v10  }
0xf0: {  	v18, _, _ =	vpop (xrf0);
	(v2sf) =	vpush v14, $0xF;
	v12 =	vsub.s32 v10, v12;
	(xrf0) =	vmax.scan.msk.u32 $0xffff, v16  }
0xf1: {  	s8 =	simm.s32 $0x1C0;
	vm12 =	vge.s32 v10, v8;
	(v2sf) =	vpush v18, $0xF;
	v14, _, _ =	vpop (xrf0);
	vm13 =	vlt.s32 v12, v8  }
0xf2: {  	(v2sf) =	vpush v14, $0xF;
	vm0 =	vmand vm12, vm13;
	v14 =	vor.u32 s8, v4  }
0xf3: {  	v11 =	vperm.xlane v15, v3;
	v10, _, _ =	vpop (xrf0);
	v14 =	vnsel vm0, $0x7FFFFFFF, v14  }
0xf4: {  	v15, _, _ =	vpop (xrf0)  }
0xf5: {  	s7 =	simm.s32 $0x12180;
	s22 =	spop (v2sf);
	(xrf0) =	vadd.scan.msk.s32 $0xffff, v11;
	(v2sf) =	vpush v15, $0xF;
	v15, _, _ =	vpop (xrf0)  }
0xf6: {  	v9 =	vld [tilespmem:s7+$0x0];
	(xrf0) =	vmax.scan.msk.u32 $0xffff, v14;
	(v2sf) =	vpush v15, $0xF;
	v14, _, _ =	vpop (xrf0)  }
0xf7: {  	s5 =	spop (v2sf);
	(v2sf) =	vpush v14, $0xF  }
0xf8: {  	s22 =	sadd.s32 s0, s22  }
0xf9: {  	v12 =	vxor.u32 $0x80000000, v12;
	v10 =	vadd.s32 s22, v10  }
0xfa: {  	s26 =	simm.s32 $0xFFFFFFFF;
	s31 =	simm.s32 $0x190;
	v12 =	vnsel vm0, $0x7FFFFFFF, v12;
	v13 =	vsub.s32 v10, v13  }
0xfb: {  	s29 =	simm.s32 $0x170;
	s4 =	simm.s32 $0x1B0;
	s2 =	simm.s32 $0x12170;
	vm14 =	vge.s32 v10, v8;
	v10 =	vperm.xlane v17, v3;
	(xrf0) =	vadd.scan.msk.s32 $0xffff, v9;
	vm15 =	vlt.s32 v13, v8  }
0xfc: {  	s30 =	simm.s32 $0xFFFFFFFF;
	s1 =	simm.s32 $0x1A0;
	s3 =	simm.s32 $0x160;
	v15 =	vor.u32 s4, v4;
	v13 =	vxor.u32 $0x80000000, v13;
	(xrf0) =	vmax.scan.msk.u32 $0xffff, v12;
	vm0 =	vmand vm14, vm15;
	v12 =	vld [tilespmem:s2+$0x0]  }
0xfd: {  	s0 =	simm.s32 $0x180;
	s4 =	spop (v2sf);
	s28 =	sxor.u32 $0x80000000, s5;
	(xrf0) =	vadd.scan.msk.s32 $0xffff, v10;
	v14, _, _ =	vpop (xrf0);
	v15 =	vnsel vm0, $0x7FFFFFFF, v15;
	v13 =	vnsel vm0, $0x7FFFFFFF, v13  }
.LBB2_9:
0xfe: {  	s5 =	smov.u32 s30;
	s6 =	smov.u32 s26  }
0xff: {  	s2 =	sadd.s32 $0xFFFFFFF0, s2;
	s22 =	sadd.s32 s22, s4;
	s7 =	smov.u32 s29  }
0x100: {  	s29 =	smov.u32 s3;
	p0 =	sgt.s32 s26, s28;
	s26 =	smov.u32 s28  }
0x101: {  	v16 =	vmov v12;
	(xrf0) =	vmax.scan.msk.u32 $0xffff, v15;
	v15, _, _ =	vpop (xrf0);
	s4 =	spop (v2sf);
	v14 =	vadd.s32 s22, v14;
	s26 =	smov.u32 @p0 s6;
	p0 =	sne.s32 s3, $0x0  }
.Ltmp4:
0x102: {  	v12 =	vld [tilespmem:s2+$0x0];
	(xrf0) =	vadd.scan.msk.s32 $0xffff, v16;
	v17, _, _ =	vpop (xrf0);
	(v2sf) =	vpush v15, $0xF;
	s30 =	sxor.u32 $0x80000000, s4;
	v15 =	vsub.s32 v14, v11;
	(pc) =	sbr.rel @p0 .LBB2_9-.Ltmp4, $4  }
0x103: {  	s8 =	sadd.s32 $0xFFFFFFF0, s3;
	vm0 =	vge.s32 v14, v8;
	(v2sf) =	vpush v17, $0xF;
	(xrf0) =	vmax.scan.msk.u32 $0xffff, v13;
	v11, _, _ =	vpop (xrf0);
	p1 =	sgt.s32 s5, s30;
	vm1 =	vlt.s32 v15, v8  }
0x104: {  	v13 =	vor.u32 s1, v4;
	s1 =	smov.u32 s31;
	(v2sf) =	vpush v11, $0xF;
	s30 =	smov.u32 @p1 s5;
	v11 =	vmovc v10;
	v10 =	vperm.xlane v9, v3;
	v9 =	vmovc v16  }
0x105: {  	s31 =	smov.u32 s0;
	s0 =	smov.u32 s7;
	vm0 =	vmand vm0, vm1;
	v16 =	vxor.u32 $0x80000000, v15;
	s3 =	spop (v2sf)  }
0x106: {  	v15 =	vnsel vm0, $0x7FFFFFFF, v13;
	v13 =	vnsel vm0, $0x7FFFFFFF, v16;
	(xrf0) =	vadd.scan.msk.s32 $0xffff, v10;
	v14, _, _ =	vpop (xrf0);
	s4 =	spop (v2sf);
	s28 =	sxor.u32 $0x80000000, s3;
	s3 =	smov.u32 s8  }
0x107: {  	v16, _, _ =	vpop (xrf0)  }
0x108: {  	v17, _, _ =	vpop (xrf0);
	(v2sf) =	vpush v16, $0xF  }
0x109: {  	(v2sf) =	vpush v17, $0xF;
	_ =	sdelay $0x1  }
0x10a: {  	s2 =	sadd.s32 s22, s4  }
0x10b: {  	v14 =	vadd.s32 s2, v14  }
0x10c: {  	(xrf0) =	vmax.scan.msk.u32 $0xffff, v15;
	v11 =	vsub.s32 v14, v11  }
0x10d: {  	v9 =	vperm.xlane v9, v3;
	(xrf0) =	vadd.scan.msk.s32 $0xffff, v12;
	vm0 =	vge.s32 v14, v8;
	vm1 =	vlt.s32 v11, v8  }
0x10e: {  	v56 =	vor.u32 s1, v4;
	(xrf0) =	vmax.scan.msk.u32 $0xffff, v13;
	v11 =	vxor.u32 $0x80000000, v11;
	vm0 =	vmand vm0, vm1  }
0x10f: {  	s3 =	spop (v2sf);
	(xrf0) =	vadd.scan.msk.s32 $0xffff, v9;
	v13 =	vnsel vm0, $0x7FFFFFFF, v56;
	v11 =	vnsel vm0, $0x7FFFFFFF, v11  }
0x110: {  	v58 =	vperm.xlane v12, v3;
	s4 =	spop (v2sf);
	v57, _, _ =	vpop (xrf0);
	(xrf0) =	vmax.scan.msk.u32 $0xffff, v13  }
0x111: {  	s8 =	spop (v2sf);
	v59, _, _ =	vpop (xrf0);
	(xrf0) =	vmax.scan.msk.u32 $0xffff, v11  }
0x112: {  	s5 =	spop (v2sf);
	s1 =	sadd.s32 s2, s8;
	v11, _, _ =	vpop (xrf0);
	(xrf0) =	vadd.scan.msk.s32 $0xffff, v58  }
0x113: {  	v13 =	vadd.s32 s1, v59;
	v60, _, _ =	vpop (xrf0);
	s22 =	spop (v2sf)  }
0x114: {  	v18 =	vor.u32 s31, v4;
	v10 =	vsub.s32 v13, v10;
	v61, _, _ =	vpop (xrf0);
	s6 =	spop (v2sf)  }
0x115: {  	v21 =	vor.u32 s0, v4;
	vm10 =	vge.s32 v13, v8;
	vm11 =	vlt.s32 v10, v8;
	v62, _, _ =	vpop (xrf0);
	s2 =	spop (v2sf)  }
0x116: {  	(v2sf) =	vpush v57, $0xF;
	v10 =	vxor.u32 $0x80000000, v10;
	vm0 =	vmand vm10, vm11;
	s6 =	sadd.s32 s1, s6;
	v19, _, _ =	vpop (xrf0);
	s7 =	spop (v2sf)  }
0x117: {  	(v2sf) =	vpush v11, $0xF;
	v11 =	vnsel vm0, $0x7FFFFFFF, v18;
	v17 =	vadd.s32 s6, v62;
	v20, _, _ =	vpop (xrf0);
	s8 =	spop (v2sf)  }
0x118: {  	v10 =	vnsel vm0, $0x7FFFFFFF, v10;
	(v2sf) =	vpush v60, $0xF;
	v63, _, _ =	vpop (xrf0);
	v9 =	vsub.s32 v17, v9;
	s0 =	sadd.s32 s6, s8  }
0x119: {  	(xrf0) =	vmax.scan.msk.u32 $0xffff, v11;
	vm12 =	vge.s32 v17, v8;
	v11 =	vor.u32 s29, v4;
	v13 =	vadd.s32 s0, v63  }
0x11a: {  	[tilespmem:$0x12000] =	vst v1;
	vm13 =	vlt.s32 v9, v8;
	v9 =	vxor.u32 $0x80000000, v9;
	v12 =	vsub.s32 v13, v58  }
0x11b: {  	(xrf0) =	vmax.scan.msk.u32 $0xffff, v10;
	vm0 =	vmand vm12, vm13;
	vm14 =	vge.s32 v13, v8;
	vm15 =	vlt.s32 v12, v8  }
0x11c: {  	[tilespmem:$0x12010] =	vst v1;
	v10 =	vnsel vm0, $0x7FFFFFFF, v21;
	v9 =	vnsel vm0, $0x7FFFFFFF, v9;
	vm0 =	vmand vm14, vm15  }
0x11d: {  	[tilespmem:$0x12020] =	vst v1;
	(v2sf) =	vpush v61, $0xF;
	(xrf0) =	vmax.scan.msk.u32 $0xffff, v10;
	v8 =	vnsel vm0, $0x7FFFFFFF, v11  }
0x11e: {  	[tilespmem:$0x12030] =	vst v1;
	(v2sf) =	vpush v19, $0xF;
	(xrf0) =	vmax.scan.msk.u32 $0xffff, v9  }
0x11f: {  	[tilespmem:$0x12040] =	vst v1;
	v9 =	vxor.u32 $0x80000000, v12;
	(xrf0) =	vmax.scan.msk.u32 $0xffff, v8  }
0x120: {  	[tilespmem:$0x12050] =	vst v1;
	(v2sf) =	vpush v20, $0xF;
	v9 =	vnsel vm0, $0x7FFFFFFF, v9;
	v8, _, _ =	vpop (xrf0)  }
0x121: {  	[tilespmem:$0x12060] =	vst v1;
	(xrf0) =	vmax.scan.msk.u32 $0xffff, v9;
	(v2sf) =	vpush v8, $0xF;
	v8, _, _ =	vpop (xrf0)  }
0x122: {  	[tilespmem:$0x12070] =	vst v1;
	(v2sf) =	vpush v8, $0xF  }
0x123: {  	p0 =	sgt.s32 s26, s28;
	[tilespmem:$0x12080] =	vst v1;
	s0 =	sxor.u32 $0x80000000, s3;
	v8, _, _ =	vpop (xrf0)  }
0x124: {  	[tilespmem:$0x12090] =	vst v1;
	s28 =	smov.u32 @p0 s26;
	s3 =	sxor.u32 $0x80000000, s4;
	p0 =	sgt.s32 s30, s0;
	(v2sf) =	vpush v8, $0xF;
	v8, _, _ =	vpop (xrf0)  }
0x125: {  	[tilespmem:$0x120A0] =	vst v1;
	s4 =	sxor.u32 $0x80000000, s5;
	s0 =	smov.u32 @p0 s30;
	p0 =	sgt.s32 s28, s3;
	(v2sf) =	vpush v8, $0xF;
	v8, _, _ =	vpop (xrf0)  }
0x126: {  	[tilespmem:$0x120B0] =	vst v1;
	s3 =	smov.u32 @p0 s28;
	p0 =	sgt.s32 s0, s4;
	(v2sf) =	vpush v8, $0xF  }
0x127: {  	[tilespmem:$0x120C0] =	vst v1;
	s2 =	sxor.u32 $0x80000000, s2;
	s4 =	smov.u32 @p0 s0;
	s0 =	sxor.u32 $0x80000000, s22;
	v8, _, _ =	vpop (xrf0)  }
0x128: {  	[tilespmem:$0x120D0] =	vst v1;
	s1 =	sxor.u32 $0x80000000, s7;
	s29 =	spop (v2sf);
	p0 =	sgt.s32 s3, s0;
	(v2sf) =	vpush v8, $0xF  }
0x129: {  	[tilespmem:$0x120E0] =	vst v1;
	s30 =	spop (v2sf);
	s0 =	smov.u32 @p0 s3;
	p0 =	sgt.s32 s4, s2  }
0x12a: {  	[tilespmem:$0x120F0] =	vst v1;
	s3 =	sxor.u32 $0x80000000, s29;
	s2 =	smov.u32 @p0 s4;
	p0 =	sgt.s32 s0, s1  }
0x12b: {  	[tilespmem:$0x12100] =	vst v1;
	s31 =	spop (v2sf);
	s1 =	smov.u32 @p0 s0;
	p0 =	sgt.s32 s2, s3  }
0x12c: {  	[tilespmem:$0x12110] =	vst v1;
	s5 =	spop (v2sf);
	s0 =	sxor.u32 $0x80000000, s30;
	s3 =	smov.u32 @p0 s2  }
0x12d: {  	[tilespmem:$0x12120] =	vst v1;
	p0 =	sgt.s32 s1, s0;
	s2 =	sxor.u32 $0x80000000, s5;
	s4 =	spop (v2sf)  }
0x12e: {  	[tilespmem:$0x12130] =	vst v1;
	s0 =	smov.u32 @p0 s1;
	p0 =	sgt.s32 s3, s2;
	s1 =	sxor.u32 $0x80000000, s4  }
0x12f: {  	[tilespmem:$0x12140] =	vst v1;
	s6 =	spop (v2sf);
	s2 =	smov.u32 @p0 s3;
	p0 =	sgt.s32 s0, s1  }
0x130: {  	[tilespmem:$0x12150] =	vst v1;
	s3 =	sxor.u32 $0x80000000, s6;
	s1 =	smov.u32 @p0 s0;
	s7 =	spop (v2sf)  }
0x131: {  	[tilespmem:$0x12160] =	vst v1;
	p0 =	sgt.s32 s2, s3;
	s0 =	sxor.u32 $0x80000000, s7;
	s8 =	spop (v2sf)  }
0x132: {  	[tilespmem:$0x12170] =	vst v1;
	s3 =	smov.u32 @p0 s2;
	p0 =	sgt.s32 s1, s0;
	s2 =	sxor.u32 $0x80000000, s8  }
0x133: {  	[tilespmem:$0x12180] =	vst v1;
	s22 =	spop (v2sf);
	s0 =	smov.u32 @p0 s1;
	p0 =	sgt.s32 s3, s2  }
0x134: {  	[tilespmem:$0x12190] =	vst v1;
	s1 =	sxor.u32 $0x80000000, s22;
	s26 =	spop (v2sf);
	s2 =	smov.u32 @p0 s3  }
0x135: {  	[tilespmem:$0x121A0] =	vst v1;
	p0 =	sgt.s32 s0, s1;
	s3 =	sxor.u32 $0x80000000, s26;
	s28 =	spop (v2sf)  }
0x136: {  	[tilespmem:$0x121B0] =	vst v1;
	s1 =	smov.u32 @p0 s0;
	p0 =	sgt.s32 s2, s3;
	s4 =	sxor.u32 $0x80000000, s28  }
0x137: {  	[tilespmem:$0x121C0] =	vst v1;
	s3 =	smov.u32 @p0 s2;
	s29 =	spop (v2sf);
	p0 =	sgt.s32 s1, s4  }
0x138: {  	[tilespmem:$0x121D0] =	vst v1;
	s30 =	sshll.u32 s24, $0x9;
	s0 =	sxor.u32 $0x80000000, s29;
	s4 =	smov.u32 @p0 s1  }
0x139: {  	[tilespmem:$0x121E0] =	vst v1;
	s31 =	simm.s32 $0x0;
	p0 =	sgt.s32 s3, s0;
	s26 =	sor.u32 s30, s4  }
0x13a: {  	[tilespmem:$0x121F0] =	vst v1;
	s2 =	sand.u32 $0x3FF0, s31;
	s1 =	simm.s32 $0x10;
	s0 =	smov.u32 @p0 s3;
	v8 =	vmov s26  }
.LBB2_11:
0x13b: {  	p0 =	seq.s32 s1, $0x2FF0;
	v9 =	vld [tilespmem:s2+$0x0];
	_ =	sdelay $0x4  }
0x13c: {  	v10 =	vshra.s32 v9, $0xE  }
0x13d: {  	v9 =	vshrl.u32 v9, $0x5;
	vm0 =	veq.s32 v10, v8  }
0x13e: {  	v9 =	vand.u32 $0x1FF, v9  }
.Ltmp5:
0x13f: {  	(pc) =	sbr.rel @!p0 .LBB2_11-.Ltmp5, $2  }
0x140: {  	_ =	sdelay $0x2  }
0x141: {  	s2 =	sand.u32 $0x3FF0, s1;
	s1 =	sadd.s32 $0x10, s1;
	[tilespmem:v9+s17+$0x0] =	vst.idx.add.s32.msk vm0, v2  }
0x142: {  	v9 =	vld [tilespmem:s2+$0x0];
	_ =	sdelay $0x4  }
0x143: {  	v10 =	vshra.s32 v9, $0xE  }
0x144: {  	v9 =	vshrl.u32 v9, $0x5;
	vm0 =	veq.s32 v10, v8  }
0x145: {  	v8 =	vand.u32 $0x1FF, v9;
	_ =	sdelay $0x4  }
0x146: {  	s3 =	simm.s32 $0x121F0;
	[tilespmem:v8+s17+$0x0] =	vst.idx.add.s32.msk vm0, v2  }
0x147: {  	v9 =	vld [tilespmem:s3+$0x0];
	_ =	sdelay $0x2  }
0x148: {  	s4 =	simm.s32 $0x121E0  }
0x149: {  	v10 =	vld [tilespmem:s4+$0x0]  }
0x14a: {  	(xrf0) =	vadd.scan.msk.s32 $0xffff, v9;
	_ =	sdelay $0x3  }
0x14b: {  	(xrf0) =	vadd.scan.msk.s32 $0xffff, v10  }
0x14c: {  	v9 =	vperm.xlane v9, v3  }
0x14d: {  	v11, _, _ =	vpop (xrf0)  }
0x14e: {  	s5 =	simm.s32 $0x121D0;
	(xrf0) =	vadd.scan.msk.s32 $0xffff, v9;
	(v2sf) =	vpush v11, $0xF  }
0x14f: {  	v12 =	vld [tilespmem:s5+$0x0]  }
0x150: {  	s6 =	simm.s32 $0x121C0  }
0x151: {  	v13 =	vld [tilespmem:s6+$0x0];
	v11, _, _ =	vpop (xrf0)  }
0x152: {  	(v2sf) =	vpush v11, $0xF  }
0x153: {  	v10 =	vperm.xlane v10, v3  }
0x154: {  	s1 =	simm.s32 $0x0;
	(xrf0) =	vadd.scan.msk.s32 $0xffff, v12;
	v11, _, _ =	vpop (xrf0)  }
0x155: {  	s24 =	ssub.s32 s25, s0;
	(xrf0) =	vadd.scan.msk.s32 $0xffff, v10;
	v11 =	vadd.s32 s1, v11  }
0x156: {  	v8 =	vmov s24;
	(xrf0) =	vadd.scan.msk.s32 $0xffff, v13;
	v9 =	vsub.s32 v11, v9  }
0x157: {  	s22 =	simm.s32 $0x1F0;
	vm7 =	vge.s32 v11, v8;
	vm1 =	vlt.s32 v9, v8  }
0x158: {  	s7 =	simm.s32 $0x121B0;
	v11 =	vperm.xlane v12, v3;
	v12 =	vor.u32 s22, v4;
	vm0 =	vmand vm7, vm1  }
0x159: {  	v14 =	vld [tilespmem:s7+$0x0];
	v12 =	vnsel vm0, $0x7FFFFFFF, v12  }
0x15a: {  	v15, _, _ =	vpop (xrf0)  }
0x15b: {  	(v2sf) =	vpush v15, $0xF;
	v15, _, _ =	vpop (xrf0);
	(xrf0) =	vadd.scan.msk.s32 $0xffff, v11  }
0x15c: {  	(xrf0) =	vmax.scan.msk.u32 $0xffff, v12;
	v12, _, _ =	vpop (xrf0)  }
0x15d: {  	(v2sf) =	vpush v12, $0xF;
	s8 =	spop (v2sf)  }
0x15e: {  	(xrf0) =	vadd.scan.msk.s32 $0xffff, v14;
	s0 =	sadd.s32 $0x0, s8  }
0x15f: {  	s22 =	simm.s32 $0x121A0;
	v9 =	vxor.u32 $0x80000000, v9;
	v12 =	vadd.s32 s0, v15  }
0x160: {  	v9 =	vnsel vm0, $0x7FFFFFFF, v9;
	v15 =	vld [tilespmem:s22+$0x0];
	v10 =	vsub.s32 v12, v10  }
0x161: {  	s2 =	simm.s32 $0x1E0;
	s3 =	spop (v2sf);
	vm8 =	vge.s32 v12, v8;
	v12 =	vperm.xlane v13, v3;
	v13, _, _ =	vpop (xrf0);
	vm9 =	vlt.s32 v10, v8  }
0x162: {  	(xrf0) =	vmax.scan.msk.u32 $0xffff, v9;
	v9 =	vor.u32 s2, v4;
	s0 =	sadd.s32 s0, s3;
	v16, _, _ =	vpop (xrf0);
	vm0 =	vmand vm8, vm9  }
0x163: {  	v13 =	vadd.s32 s0, v13;
	(xrf0) =	vadd.scan.msk.s32 $0xffff, v12;
	(v2sf) =	vpush v16, $0xF;
	v9 =	vnsel vm0, $0x7FFFFFFF, v9  }
0x164: {  	s4 =	simm.s32 $0x12190;
	v10 =	vxor.u32 $0x80000000, v10;
	v16, _, _ =	vpop (xrf0);
	v11 =	vsub.s32 v13, v11;
	vm10 =	vge.s32 v13, v8;
	(xrf0) =	vmax.scan.msk.u32 $0xffff, v9  }
0x165: {  	s5 =	simm.s32 $0x1D0;
	v13 =	vperm.xlane v14, v3;
	v10 =	vnsel vm0, $0x7FFFFFFF, v10;
	vm11 =	vlt.s32 v11, v8;
	v9 =	vld [tilespmem:s4+$0x0];
	(xrf0) =	vadd.scan.msk.s32 $0xffff, v15  }
0x166: {  	vm0 =	vmand vm10, vm11;
	(xrf0) =	vmax.scan.msk.u32 $0xffff, v10;
	v10 =	vor.u32 s5, v4  }
0x167: {  	(xrf0) =	vadd.scan.msk.s32 $0xffff, v13;
	v10 =	vnsel vm0, $0x7FFFFFFF, v10  }
0x168: {  	(v2sf) =	vpush v16, $0xF;
	v14, _, _ =	vpop (xrf0);
	(xrf0) =	vmax.scan.msk.u32 $0xffff, v10;
	v10 =	vxor.u32 $0x80000000, v11  }
0x169: {  	(v2sf) =	vpush v14, $0xF;
	v11, _, _ =	vpop (xrf0);
	v14 =	vnsel vm0, $0x7FFFFFFF, v10  }
0x16a: {  	(xrf0) =	vadd.scan.msk.s32 $0xffff, v9;
	v16, _, _ =	vpop (xrf0)  }
0x16b: {  	s6 =	spop (v2sf);
	v17, _, _ =	vpop (xrf0);
	(v2sf) =	vpush v16, $0xF;
	(xrf0) =	vmax.scan.msk.u32 $0xffff, v14  }
0x16c: {  	s0 =	sadd.s32 s0, s6;
	s22 =	spop (v2sf);
	(v2sf) =	vpush v17, $0xF;
	v14, _, _ =	vpop (xrf0)  }
0x16d: {  	s22 =	sadd.s32 s0, s22;
	(v2sf) =	vpush v14, $0xF;
	v14, _, _ =	vpop (xrf0)  }
0x16e: {  	v14 =	vadd.s32 s22, v14  }
0x16f: {  	v18 =	vadd.s32 s0, v11;
	v16, _, _ =	vpop (xrf0)  }
0x170: {  	s7 =	simm.s32 $0x12180;
	v11 =	vperm.xlane v15, v3;
	v12 =	vsub.s32 v18, v12;
	(v2sf) =	vpush v16, $0xF;
	v16, _, _ =	vpop (xrf0)  }
0x171: {  	v10 =	vld [tilespmem:s7+$0x0];
	v13 =	vsub.s32 v14, v13;
	vm14 =	vge.s32 v14, v8;
	(v2sf) =	vpush v16, $0xF;
	v14, _, _ =	vpop (xrf0)  }
0x172: {  	s8 =	simm.s32 $0x1C0;
	vm12 =	vge.s32 v18, v8;
	vm13 =	vlt.s32 v12, v8;
	(xrf0) =	vadd.scan.msk.s32 $0xffff, v11;
	s5 =	spop (v2sf);
	(v2sf) =	vpush v14, $0xF  }
0x173: {  	v15 =	vor.u32 s8, v4;
	vm0 =	vmand vm12, vm13  }
0x174: {  	v15 =	vnsel vm0, $0x7FFFFFFF, v15  }
0x175: {  	s25 =	simm.s32 $0xFFFFFFFF;
	s31 =	simm.s32 $0x190;
	v12 =	vxor.u32 $0x80000000, v12;
	(xrf0) =	vmax.scan.msk.u32 $0xffff, v15  }
0x176: {  	s29 =	simm.s32 $0x170;
	s2 =	simm.s32 $0x12170;
	s4 =	simm.s32 $0x1B0;
	v9 =	vperm.xlane v9, v3;
	v12 =	vnsel vm0, $0x7FFFFFFF, v12;
	(xrf0) =	vadd.scan.msk.s32 $0xffff, v10;
	vm15 =	vlt.s32 v13, v8  }
0x177: {  	s30 =	simm.s32 $0xFFFFFFFF;
	s1 =	simm.s32 $0x1A0;
	s3 =	simm.s32 $0x160;
	v15 =	vor.u32 s4, v4;
	(xrf0) =	vmax.scan.msk.u32 $0xffff, v12;
	v13 =	vxor.u32 $0x80000000, v13;
	v12 =	vld [tilespmem:s2+$0x0];
	vm0 =	vmand vm14, vm15  }
0x178: {  	s0 =	simm.s32 $0x180;
	(xrf0) =	vadd.scan.msk.s32 $0xffff, v9;
	v14, _, _ =	vpop (xrf0);
	v15 =	vnsel vm0, $0x7FFFFFFF, v15;
	v13 =	vnsel vm0, $0x7FFFFFFF, v13;
	s4 =	spop (v2sf);
	s28 =	sxor.u32 $0x80000000, s5  }
.LBB2_13:
0x179: {  	s5 =	smov.u32 s30;
	s6 =	smov.u32 s25  }
0x17a: {  	s2 =	sadd.s32 $0xFFFFFFF0, s2;
	s22 =	sadd.s32 s22, s4;
	s7 =	smov.u32 s29  }
0x17b: {  	s29 =	smov.u32 s3;
	p0 =	sgt.s32 s25, s28;
	s25 =	smov.u32 s28  }
0x17c: {  	v16 =	vmov v12;
	(xrf0) =	vmax.scan.msk.u32 $0xffff, v15;
	v15, _, _ =	vpop (xrf0);
	s4 =	spop (v2sf);
	v14 =	vadd.s32 s22, v14;
	s25 =	smov.u32 @p0 s6;
	p0 =	sne.s32 s3, $0x0  }
.Ltmp6:
0x17d: {  	v12 =	vld [tilespmem:s2+$0x0];
	(xrf0) =	vadd.scan.msk.s32 $0xffff, v16;
	v17, _, _ =	vpop (xrf0);
	(v2sf) =	vpush v15, $0xF;
	s30 =	sxor.u32 $0x80000000, s4;
	v15 =	vsub.s32 v14, v11;
	(pc) =	sbr.rel @p0 .LBB2_13-.Ltmp6, $4  }
0x17e: {  	s8 =	sadd.s32 $0xFFFFFFF0, s3;
	vm0 =	vge.s32 v14, v8;
	(v2sf) =	vpush v17, $0xF;
	(xrf0) =	vmax.scan.msk.u32 $0xffff, v13;
	v11, _, _ =	vpop (xrf0);
	p1 =	sgt.s32 s5, s30;
	vm1 =	vlt.s32 v15, v8  }
0x17f: {  	v13 =	vor.u32 s1, v4;
	s1 =	smov.u32 s31;
	(v2sf) =	vpush v11, $0xF;
	s30 =	smov.u32 @p1 s5;
	v11 =	vmovc v9;
	v9 =	vperm.xlane v10, v3;
	v10 =	vmovc v16  }
0x180: {  	s31 =	smov.u32 s0;
	s0 =	smov.u32 s7;
	vm0 =	vmand vm0, vm1;
	v16 =	vxor.u32 $0x80000000, v15;
	s3 =	spop (v2sf)  }
0x181: {  	v15 =	vnsel vm0, $0x7FFFFFFF, v13;
	v13 =	vnsel vm0, $0x7FFFFFFF, v16;
	(xrf0) =	vadd.scan.msk.s32 $0xffff, v9;
	v14, _, _ =	vpop (xrf0);
	s4 =	spop (v2sf);
	s28 =	sxor.u32 $0x80000000, s3;
	s3 =	smov.u32 s8  }
0x182: {  	v16, _, _ =	vpop (xrf0)  }
0x183: {  	v17, _, _ =	vpop (xrf0);
	(v2sf) =	vpush v16, $0xF  }
0x184: {  	(v2sf) =	vpush v17, $0xF;
	_ =	sdelay $0x1  }
0x185: {  	s6 =	sadd.s32 s22, s4  }
0x186: {  	v14 =	vadd.s32 s6, v14  }
0x187: {  	(xrf0) =	vmax.scan.msk.u32 $0xffff, v15;
	v11 =	vsub.s32 v14, v11  }
0x188: {  	v10 =	vperm.xlane v10, v3;
	(xrf0) =	vadd.scan.msk.s32 $0xffff, v12;
	vm0 =	vge.s32 v14, v8;
	vm1 =	vlt.s32 v11, v8  }
0x189: {  	v55 =	vor.u32 s1, v4;
	(xrf0) =	vmax.scan.msk.u32 $0xffff, v13;
	v11 =	vxor.u32 $0x80000000, v11;
	vm0 =	vmand vm0, vm1  }
0x18a: {  	s4 =	spop (v2sf);
	(xrf0) =	vadd.scan.msk.s32 $0xffff, v10;
	v13 =	vnsel vm0, $0x7FFFFFFF, v55;
	v11 =	vnsel vm0, $0x7FFFFFFF, v11  }
0x18b: {  	v57 =	vperm.xlane v12, v3;
	s5 =	spop (v2sf);
	v56, _, _ =	vpop (xrf0);
	(xrf0) =	vmax.scan.msk.u32 $0xffff, v13  }
0x18c: {  	s8 =	spop (v2sf);
	v58, _, _ =	vpop (xrf0);
	(xrf0) =	vmax.scan.msk.u32 $0xffff, v11  }
0x18d: {  	s22 =	spop (v2sf);
	v11, _, _ =	vpop (xrf0);
	(xrf0) =	vadd.scan.msk.s32 $0xffff, v57  }
0x18e: {  	s6 =	sadd.s32 s6, s8;
	v59, _, _ =	vpop (xrf0);
	s2 =	spop (v2sf)  }
0x18f: {  	v20 =	vor.u32 s31, v4;
	v21 =	vor.u32 s0, v4;
	v13 =	vadd.s32 s6, v58;
	v60, _, _ =	vpop (xrf0);
	s7 =	spop (v2sf)  }
0x190: {  	(v2sf) =	vpush v56, $0xF;
	v9 =	vsub.s32 v13, v9;
	vm10 =	vge.s32 v13, v8;
	v61, _, _ =	vpop (xrf0);
	s3 =	spop (v2sf)  }
0x191: {  	vm11 =	vlt.s32 v9, v8;
	v9 =	vxor.u32 $0x80000000, v9;
	(v2sf) =	vpush v11, $0xF;
	v18, _, _ =	vpop (xrf0);
	s6 =	sadd.s32 s6, s7;
	s1 =	spop (v2sf)  }
0x192: {  	v11 =	vor.u32 s29, v4;
	vm0 =	vmand vm10, vm11;
	v19, _, _ =	vpop (xrf0);
	v17 =	vadd.s32 s6, v61;
	s8 =	spop (v2sf)  }
0x193: {  	v62 =	vnsel vm0, $0x7FFFFFFF, v20;
	v9 =	vnsel vm0, $0x7FFFFFFF, v9;
	v22, _, _ =	vpop (xrf0);
	v10 =	vsub.s32 v17, v10;
	s8 =	sadd.s32 s6, s8  }
0x194: {  	(xrf0) =	vmax.scan.msk.u32 $0xffff, v62;
	vm12 =	vge.s32 v17, v8;
	vm13 =	vlt.s32 v10, v8;
	v22 =	vadd.s32 s8, v22  }
0x195: {  	(xrf0) =	vmax.scan.msk.u32 $0xffff, v9;
	v9 =	vxor.u32 $0x80000000, v10;
	vm0 =	vmand vm12, vm13;
	v10 =	vsub.s32 v22, v57  }
0x196: {  	v63 =	vnsel vm0, $0x7FFFFFFF, v21;
	vm14 =	vge.s32 v22, v8;
	vm2 =	vlt.s32 v10, v8  }
0x197: {  	(v2sf) =	vpush v59, $0xF;
	(xrf0) =	vmax.scan.msk.u32 $0xffff, v63;
	v8 =	vnsel vm0, $0x7FFFFFFF, v9;
	vm15 =	vmand vm14, vm2  }
0x198: {  	(v2sf) =	vpush v60, $0xF;
	(xrf0) =	vmax.scan.msk.u32 $0xffff, v8;
	v8 =	vnsel vm15, $0x7FFFFFFF, v11  }
0x199: {  	(v2sf) =	vpush v18, $0xF  }
0x19a: {  	v9 =	vxor.u32 $0x80000000, v10;
	(xrf0) =	vmax.scan.msk.u32 $0xffff, v8  }
0x19b: {  	(v2sf) =	vpush v19, $0xF;
	v9 =	vnsel vm15, $0x7FFFFFFF, v9;
	v8, _, _ =	vpop (xrf0)  }
0x19c: {  	(xrf0) =	vmax.scan.msk.u32 $0xffff, v9;
	(v2sf) =	vpush v8, $0xF;
	v8, _, _ =	vpop (xrf0)  }
0x19d: {  	p0 =	sgt.s32 s25, s28;
	s0 =	sxor.u32 $0x80000000, s4;
	(v2sf) =	vpush v8, $0xF  }
0x19e: {  	s28 =	smov.u32 @p0 s25;
	p0 =	sgt.s32 s30, s0;
	s4 =	sxor.u32 $0x80000000, s5;
	v8, _, _ =	vpop (xrf0)  }
0x19f: {  	s0 =	smov.u32 @p0 s30;
	p0 =	sgt.s32 s28, s4;
	s5 =	sxor.u32 $0x80000000, s22;
	(v2sf) =	vpush v8, $0xF;
	v8, _, _ =	vpop (xrf0)  }
0x1a0: {  	s4 =	smov.u32 @p0 s28;
	p0 =	sgt.s32 s0, s5;
	(v2sf) =	vpush v8, $0xF;
	v8, _, _ =	vpop (xrf0)  }
0x1a1: {  	s5 =	smov.u32 @p0 s0;
	s0 =	sxor.u32 $0x80000000, s2;
	(v2sf) =	vpush v8, $0xF  }
0x1a2: {  	p0 =	sgt.s32 s4, s0;
	s2 =	sxor.u32 $0x80000000, s3;
	v8, _, _ =	vpop (xrf0)  }
0x1a3: {  	s0 =	smov.u32 @p0 s4;
	p0 =	sgt.s32 s5, s2;
	s29 =	spop (v2sf);
	(v2sf) =	vpush v8, $0xF  }
0x1a4: {  	s2 =	smov.u32 @p0 s5;
	s1 =	sxor.u32 $0x80000000, s1  }
0x1a5: {  	p0 =	sgt.s32 s0, s1;
	s4 =	sxor.u32 $0x80000000, s29;
	s30 =	spop (v2sf)  }
0x1a6: {  	s1 =	smov.u32 @p0 s0;
	p0 =	sgt.s32 s2, s4;
	s31 =	spop (v2sf)  }
0x1a7: {  	s4 =	smov.u32 @p0 s2;
	s0 =	sxor.u32 $0x80000000, s30;
	s3 =	spop (v2sf)  }
0x1a8: {  	p0 =	sgt.s32 s1, s0;
	s2 =	sxor.u32 $0x80000000, s3;
	s5 =	spop (v2sf)  }
0x1a9: {  	s0 =	smov.u32 @p0 s1;
	p0 =	sgt.s32 s4, s2;
	s1 =	sxor.u32 $0x80000000, s5  }
0x1aa: {  	s2 =	smov.u32 @p0 s4;
	s6 =	spop (v2sf);
	p0 =	sgt.s32 s0, s1  }
0x1ab: {  	s3 =	sxor.u32 $0x80000000, s6;
	s1 =	smov.u32 @p0 s0;
	s7 =	spop (v2sf)  }
0x1ac: {  	p0 =	sgt.s32 s2, s3;
	s0 =	sxor.u32 $0x80000000, s7;
	s8 =	spop (v2sf)  }
0x1ad: {  	s3 =	smov.u32 @p0 s2;
	p0 =	sgt.s32 s1, s0;
	s2 =	sxor.u32 $0x80000000, s8  }
0x1ae: {  	s22 =	spop (v2sf);
	s0 =	smov.u32 @p0 s1;
	p0 =	sgt.s32 s3, s2  }
0x1af: {  	s25 =	spop (v2sf);
	s2 =	smov.u32 @p0 s3;
	s3 =	sxor.u32 $0x80000000, s22  }
0x1b0: {  	s4 =	sxor.u32 $0x80000000, s25;
	s28 =	spop (v2sf);
	p0 =	sgt.s32 s0, s3  }
0x1b1: {  	s3 =	smov.u32 @p0 s0;
	p0 =	sgt.s32 s2, s4;
	s0 =	sxor.u32 $0x80000000, s28  }
0x1b2: {  	s29 =	spop (v2sf);
	s4 =	smov.u32 @p0 s2;
	p0 =	sgt.s32 s3, s0  }
0x1b3: {  	s30 =	sshll.u32 s26, $0x9;
	s1 =	sxor.u32 $0x80000000, s29;
	s0 =	smov.u32 @p0 s3  }
0x1b4: {  	[tilespmem:$0x12000] =	vst v1;
	s31 =	simm.s32 $0x0;
	p0 =	sgt.s32 s4, s1;
	s0 =	sor.u32 s30, s0  }
0x1b5: {  	[tilespmem:$0x12010] =	vst v1;
	s2 =	simm.s32 $0x10;
	s3 =	sand.u32 $0x3FF0, s31;
	s1 =	smov.u32 @p0 s4;
	v8 =	vmov s0  }
.LBB2_15:
0x1b6: {  	p0 =	seq.s32 s2, $0x2FF0;
	v9 =	vld [tilespmem:s3+$0x0];
	_ =	sdelay $0x4  }
0x1b7: {  	v10 =	vshra.s32 v9, $0x5  }
0x1b8: {  	vm0 =	veq.s32 v10, v8  }
0x1b9: {  	v9 =	vand.u32 $0x1F, v9  }
.Ltmp7:
0x1ba: {  	(pc) =	sbr.rel @!p0 .LBB2_15-.Ltmp7, $2  }
0x1bb: {  	_ =	sdelay $0x2  }
0x1bc: {  	s3 =	sand.u32 $0x3FF0, s2;
	s2 =	sadd.s32 $0x10, s2;
	[tilespmem:v9+s17+$0x0] =	vst.idx.add.s32.msk vm0, v2  }
0x1bd: {  	v9 =	vld [tilespmem:s3+$0x0];
	_ =	sdelay $0x4  }
0x1be: {  	v10 =	vshra.s32 v9, $0x5  }
0x1bf: {  	vm0 =	veq.s32 v10, v8  }
0x1c0: {  	v8 =	vand.u32 $0x1F, v9;
	_ =	sdelay $0x4  }
0x1c1: {  	[tilespmem:v8+s17+$0x0] =	vst.idx.add.s32.msk vm0, v2  }
0x1c2: {  	v8 =	vld [tilespmem:$0x12010];
	_ =	sdelay $0x4  }
0x1c3: {  	v9 =	vperm.xlane v8, v3;
	_ =	sdelay $0x1  }
0x1c4: {  	(xrf0) =	vadd.scan.msk.s32 $0xffff, v9;
	_ =	sdelay $0x5  }
0x1c5: {  	v10, _, _ =	vpop (xrf0)  }
0x1c6: {  	s1 =	ssub.s32 s24, s1;
	v9 =	vsub.s32 v10, v9  }
0x1c7: {  	vm1 =	vge.s32 v10, s1;
	v10 =	vld [tilespmem:$0x12000];
	vm11 =	vlt.s32 v9, s1  }
0x1c8: {  	vm0 =	vmand vm1, vm11  }
0x1c9: {  	v9 =	vxor.u32 $0x80000000, v9;
	v11 =	vnsel vm0, $0x7FFFFFFF, v5  }
0x1ca: {  	v9 =	vnsel vm0, $0x7FFFFFFF, v9;
	(xrf0) =	vmax.scan.msk.u32 $0xffff, v11  }
0x1cb: {  	(xrf0) =	vmax.scan.msk.u32 $0xffff, v9  }
0x1cc: {  	(xrf0) =	vadd.scan.msk.s32 $0xffff, v8;
	v8 =	vperm.xlane v10, v3;
	_ =	sdelay $0x1  }
0x1cd: {  	(xrf0) =	vadd.scan.msk.s32 $0xffff, v8;
	_ =	sdelay $0x1  }
0x1ce: {  	v9, _, _ =	vpop (xrf0)  }
0x1cf: {  	v10, _, _ =	vpop (xrf0)  }
0x1d0: {  	v11, _, _ =	vpop (xrf0)  }
0x1d1: {  	v11 =	vbroadcast v11, $0xF  }
0x1d2: {  	v12, _, _ =	vpop (xrf0)  }
0x1d3: {  	v11 =	vadd.s32 v11, v12  }
0x1d4: {  	v8 =	vsub.s32 v11, v8  }
0x1d5: {  	vm13 =	vge.s32 v11, s1;
	vm12 =	vlt.s32 v8, s1  }
0x1d6: {  	vm0 =	vmand vm13, vm12  }
0x1d7: {  	v11 =	vnsel vm0, $0x7FFFFFFF, v4  }
0x1d8: {  	(xrf0) =	vmax.scan.msk.u32 $0xffff, v11;
	_ =	sdelay $0x1  }
0x1d9: {  	v8 =	vxor.u32 $0x80000000, v8  }
0x1da: {  	v8 =	vnsel vm0, $0x7FFFFFFF, v8;
	_ =	sdelay $0x1  }
0x1db: {  	(v2sf) =	vpush v9, $0xF  }
0x1dc: {  	(v2sf) =	vpush v10, $0xF;
	(xrf0) =	vmax.scan.msk.u32 $0xffff, v8;
	v8, _, _ =	vpop (xrf0)  }
0x1dd: {  	(v2sf) =	vpush v8, $0xF;
	_ =	sdelay $0x3  }
0x1de: {  	[tilespmem:$0x12200] =	vst v6  }
0x1df: {  	[tilespmem:$0x12280] =	vst v7  }
0x1e0: {  	[tilespmem:$0x12210] =	vst v6  }
0x1e1: {  	[tilespmem:$0x12290] =	vst v7  }
0x1e2: {  	[tilespmem:$0x12220] =	vst v6  }
0x1e3: {  	[tilespmem:$0x122A0] =	vst v7  }
0x1e4: {  	[tilespmem:$0x12230] =	vst v6  }
0x1e5: {  	[tilespmem:$0x122B0] =	vst v7  }
0x1e6: {  	[tilespmem:$0x12240] =	vst v6;
	v8, _, _ =	vpop (xrf0)  }
0x1e7: {  	[tilespmem:$0x122C0] =	vst v7;
	s2 =	spop (v2sf);
	(v2sf) =	vpush v8, $0xF  }
0x1e8: {  	[tilespmem:$0x12250] =	vst v6;
	s29 =	spop (v2sf)  }
0x1e9: {  	[tilespmem:$0x122D0] =	vst v7;
	s4 =	spop (v2sf)  }
0x1ea: {  	s24 =	simm.s32 $0x0;
	[tilespmem:$0x12260] =	vst v6;
	s2 =	sxor.u32 $0x80000000, s2;
	s4 =	sxor.u32 $0x80000000, s4  }
0x1eb: {  	s30 =	sand.u32 $0x3FF0, s24;
	[tilespmem:$0x122E0] =	vst v7;
	p0 =	sgt.s32 s2, s4  }
0x1ec: {  	v10 =	vld [tilespmem:s30+$0x0];
	s4 =	smov.u32 @p0 s2  }
0x1ed: {  	s2 =	sshra.s32 s4, $0x1F  }
0x1ee: {  	s0 =	sshll.u32 s0, $0x5;
	s2 =	sor.u32 s2, s4  }
0x1ef: {  	s0 =	sor.u32 s0, s2  }
0x1f0: {  	v8 =	vmov s0  }
0x1f1: {  	vm14 =	veq.s32 v10, v8  }
0x1f2: {  	v11 =	vsel vm14, $0x1, v1  }
0x1f3: {  	(xrf0) =	vadd.scan.msk.s32 $0xffff, v11;
	_ =	sdelay $0x2  }
0x1f4: {  	s5 =	spop (v2sf)  }
0x1f5: {  	s3 =	sxor.u32 $0x80000000, s29;
	s5 =	sxor.u32 $0x80000000, s5  }
0x1f6: {  	p1 =	sgt.s32 s3, s5  }
0x1f7: {  	s5 =	smov.u32 @p1 s3;
	v11 =	vmov s24;
	v61, _, _ =	vpop (xrf0)  }
0x1f8: {  	s3 =	sshra.s32 s5, $0x1F;
	v11 =	vadd.s32 $0xFFFFFFFF, v11;
	(v2sf) =	vpush v61, $0xF  }
0x1f9: {  	s3 =	sor.u32 s3, s5;
	v11 =	vbroadcast v11, $0x0  }
0x1fa: {  	s1 =	ssub.s32 s1, s3  }
0x1fb: {  	v9 =	vmov s1;
	v13 =	vadd.s32 v61, v11  }
0x1fc: {  	vm15 =	vlt.s32 v13, v9  }
0x1fd: {  	vm2 =	vgt.s32 v10, v8;
	vm0 =	vmand vm14, vm15  }
0x1fe: {  	vm0 =	vmor vm2, vm0  }
0x1ff: {  	v62 =	vsel vm0, $0x1, v1  }
0x200: {  	(xrf0) =	vadd.scan.msk.s32 $0xffff, v62;
	_ =	sdelay $0x5  }
0x201: {  	v12, _, _ =	vpop (xrf0)  }
0x202: {  	v11 =	vadd.s32 v12, v11;
	s31 =	spop (v2sf);
	(v2sf) =	vpush v12, $0xF;
	_ =	sdelay $0x4  }
0x203: {  	v63 =	vor.u32 s24, v0;
	s0 =	simm.s32 $0x10;
	s3 =	simm.s32 $0x20;
	[tilespmem:v11+s18+$0x0] =	vst.idx.msk vm0, v10  }
0x204: {  	s4 =	sand.u32 $0x3FF0, s0;
	s1 =	simm.s32 $0x0;
	s2 =	sadd.s32 $0x0, s31;
	[tilespmem:v11+s19+$0x0] =	vst.idx.msk vm0, v63  }
.LBB2_17:
0x205: {  	p0 =	sne.s32 s3, $0x2FF0;
	v10 =	vld [tilespmem:s4+$0x0];
	_ =	sdelay $0x4  }
0x206: {  	vm0 =	vgt.s32 v10, v8;
	vm1 =	veq.s32 v10, v8  }
0x207: {  	v11 =	vsel vm1, $0x1, v1  }
0x208: {  	(xrf0) =	vadd.scan.msk.s32 $0xffff, v11  }
0x209: {  	s4 =	spop (v2sf)  }
0x20a: {  	s1 =	sadd.s32 s1, s4  }
0x20b: {  	v11 =	vmov s2;
	v12 =	vmov s1  }
0x20c: {  	v11 =	vadd.s32 $0xFFFFFFFF, v11;
	v12 =	vadd.s32 $0xFFFFFFFF, v12  }
0x20d: {  	v11 =	vbroadcast v11, $0x0;
	v12 =	vbroadcast v12, $0x0  }
0x20e: {  	v13, _, _ =	vpop (xrf0)  }
0x20f: {  	v11 =	vadd.s32 v13, v11;
	(v2sf) =	vpush v13, $0xF  }
0x210: {  	vm2 =	vlt.s32 v11, v9  }
0x211: {  	vm1 =	vmand vm1, vm2  }
0x212: {  	vm0 =	vmor vm0, vm1  }
0x213: {  	v11 =	vsel vm0, $0x1, v1  }
0x214: {  	(xrf0) =	vadd.scan.msk.s32 $0xffff, v11;
	_ =	sdelay $0x5  }
0x215: {  	v11, _, _ =	vpop (xrf0)  }
0x216: {  	v12 =	vadd.s32 v11, v12;
	(v2sf) =	vpush v11, $0xF;
	_ =	sdelay $0x1  }
.Ltmp8:
0x217: {  	(pc) =	sbr.rel @p0 .LBB2_17-.Ltmp8, $4  }
0x218: {  	s4 =	spop (v2sf)  }
0x219: {  	s2 =	sadd.s32 s2, s4  }
0x21a: {  	v11 =	vor.u32 s0, v0;
	s0 =	smov.u32 s3;
	[tilespmem:v12+s18+$0x0] =	vst.idx.msk vm0, v10  }
0x21b: {  	s3 =	sadd.s32 $0x10, s3;
	s4 =	sand.u32 $0x3FF0, s0;
	[tilespmem:v12+s19+$0x0] =	vst.idx.msk vm0, v11  }
0x21c: {  	v10 =	vld [tilespmem:s4+$0x0];
	_ =	sdelay $0x4  }
0x21d: {  	vm0 =	veq.s32 v10, v8  }
0x21e: {  	v11 =	vsel vm0, $0x1, v1  }
0x21f: {  	(xrf0) =	vadd.scan.msk.s32 $0xffff, v11;
	_ =	sdelay $0x2  }
0x220: {  	v11 =	vmov s2  }
0x221: {  	v11 =	vadd.s32 $0xFFFFFFFF, v11  }
0x222: {  	v11 =	vbroadcast v11, $0x0  }
0x223: {  	v12, _, _ =	vpop (xrf0)  }
0x224: {  	v11 =	vadd.s32 v12, v11  }
0x225: {  	vm1 =	vlt.s32 v11, v9  }
0x226: {  	vm2 =	vgt.s32 v10, v8;
	vm0 =	vmand vm0, vm1  }
0x227: {  	vm0 =	vmor vm2, vm0  }
0x228: {  	v8 =	vsel vm0, $0x1, v1  }
0x229: {  	(xrf0) =	vadd.scan.msk.s32 $0xffff, v8  }
0x22a: {  	s29 =	spop (v2sf)  }
0x22b: {  	s1 =	sadd.s32 s1, s29  }
0x22c: {  	v8 =	vmov s1  }
0x22d: {  	v8 =	vadd.s32 $0xFFFFFFFF, v8  }
0x22e: {  	v8 =	vbroadcast v8, $0x0  }
0x22f: {  	v9, _, _ =	vpop (xrf0)  }
0x230: {  	v8 =	vadd.s32 v9, v8;
	_ =	sdelay $0x4  }
0x231: {  	v11 =	vor.u32 s0, v0;
	[tilespmem:v8+s18+$0x0] =	vst.idx.msk vm0, v10  }
0x232: {  	[tilespmem:v8+s19+$0x0] =	vst.idx.msk vm0, v11  }
0x233: {  	v8 =	vld [tilespmem:$0x12280]  }
0x234: {  	v10 =	vld [tilespmem:$0x12200];
	_ =	sdelay $0x2  }
0x235: {  	v11 =	vld [tilespmem:$0x12290]  }
0x236: {  	v13 =	vld [tilespmem:$0x12210]  }
0x237: {  	vm6 =	veq.s32 v10, $0xFFFFFFFF;
	vm7 =	vlt.s32 v8, $0x40000000  }
0x238: {  	vm8 =	vgt.s32 v10, $0xFFFFFFFF;
	vm0 =	vmand vm6, vm7  }
0x239: {  	v14 =	vld [tilespmem:$0x12220];
	vm0 =	vmor vm8, vm0  }
0x23a: {  	v15 =	vld [tilespmem:$0x122A0];
	v10 =	vnsel vm0, $0xFFFFFFFF, v10;
	v8 =	vnsel vm0, $0x40000000, v8  }
0x23b: {  	vm9 =	veq.s32 v13, v10;
	vm10 =	vlt.s32 v11, v8  }
0x23c: {  	vm11 =	vgt.s32 v13, v10;
	vm0 =	vmand vm9, vm10  }
0x23d: {  	v16 =	vld [tilespmem:$0x122B0];
	vm0 =	vmor vm11, vm0  }
0x23e: {  	v10 =	vsel vm0, v13, v10;
	v8 =	vsel vm0, v11, v8;
	v11 =	vld [tilespmem:$0x12230]  }
0x23f: {  	vm12 =	veq.s32 v14, v10;
	vm13 =	vlt.s32 v15, v8  }
0x240: {  	vm14 =	vgt.s32 v14, v10;
	vm0 =	vmand vm12, vm13  }
0x241: {  	v59 =	vld [tilespmem:$0x122C0];
	vm0 =	vmor vm14, vm0  }
0x242: {  	v60 =	vld [tilespmem:$0x12240];
	v10 =	vsel vm0, v14, v10;
	v8 =	vsel vm0, v15, v8  }
0x243: {  	vm15 =	veq.s32 v11, v10;
	vm4 =	vlt.s32 v16, v8  }
0x244: {  	vm5 =	vgt.s32 v11, v10;
	vm0 =	vmand vm15, vm4  }
0x245: {  	v61 =	vld [tilespmem:$0x122D0];
	vm0 =	vmor vm5, vm0  }
0x246: {  	v10 =	vsel vm0, v11, v10;
	v8 =	vsel vm0, v16, v8;
	v11 =	vld [tilespmem:$0x12250]  }
0x247: {  	vm6 =	veq.s32 v60, v10;
	vm7 =	vlt.s32 v59, v8  }
0x248: {  	vm8 =	vgt.s32 v60, v10;
	vm0 =	vmand vm6, vm7  }
0x249: {  	v62 =	vld [tilespmem:$0x122E0];
	vm0 =	vmor vm8, vm0  }
0x24a: {  	v63 =	vld [tilespmem:$0x12260];
	v10 =	vsel vm0, v60, v10;
	v8 =	vsel vm0, v59, v8  }
0x24b: {  	vm9 =	veq.s32 v11, v10;
	vm10 =	vlt.s32 v61, v8  }
0x24c: {  	vm11 =	vgt.s32 v11, v10;
	vm0 =	vmand vm9, vm10  }
0x24d: {  	vm0 =	vmor vm11, vm0  }
0x24e: {  	v10 =	vsel vm0, v11, v10;
	v8 =	vsel vm0, v61, v8  }
0x24f: {  	vm12 =	veq.s32 v63, v10;
	vm13 =	vlt.s32 v62, v8  }
0x250: {  	vm14 =	vgt.s32 v63, v10;
	vm0 =	vmand vm12, vm13  }
0x251: {  	vm0 =	vmor vm14, vm0  }
0x252: {  	v10 =	vsel vm0, v63, v10  }
0x253: {  	v11 =	vxor.u32 $0x80000000, v10  }
0x254: {  	(xrf0) =	vmax.scan.msk.u32 $0xffff, v11;
	_ =	sdelay $0x4  }
0x255: {  	(v2sf) =	vpush v12, $0xF  }
0x256: {  	(v2sf) =	vpush v9, $0xF;
	v9, _, _ =	vpop (xrf0)  }
0x257: {  	(v2sf) =	vpush v9, $0xF;
	_ =	sdelay $0xc  }
0x258: {  	s30 =	spop (v2sf)  }
0x259: {  	s31 =	spop (v2sf)  }
0x25a: {  	s0 =	spop (v2sf)  }
0x25b: {  	v8 =	vsel vm0, v62, v8;
	s26 =	sxor.u32 $0x80000000, s0  }
0x25c: {  	v8 =	vxor.u32 $0x80000000, v8;
	vm15 =	veq.s32 v10, s26  }
0x25d: {  	v9 =	vnsel vm15, $0xC0000000, v8  }
0x25e: {  	s25 =	simm.s32 $0x1;
	v8 =	vmov s26;
	(xrf0) =	vmin.scan.msk.u32 $0xffff, v9  }
.LBB2_19:
0x25f: {  	_ =	sdelay $0x4  }
0x260: {  	p0 =	sne.s32 s25, $0x63;
	s0 =	smov.u32 s25;
	s25 =	sadd.s32 $0x1, s25;
	v9, _, _ =	vpop (xrf0)  }
0x261: {  	(v2sf) =	vpush v9, $0xF;
	_ =	sdelay $0xb  }
0x262: {  	v9 =	vmov s24;
	s24 =	smov.u32 s0;
	_ =	sdelay $0x2  }
0x263: {  	s0 =	spop (v2sf)  }
0x264: {  	s0 =	sxor.u32 $0x80000000, s0  }
0x265: {  	[tilespmem:v9+s20+$0x0] =	vst.idx.msk $0x1, v8;
	v8 =	vmov s0  }
0x266: {  	[tilespmem:v9+s21+$0x0] =	vst.idx.msk $0x1, v8  }
0x267: {  	v8 =	vld [tilespmem:$0x122C0]  }
0x268: {  	v9 =	vld [tilespmem:$0x12290]  }
0x269: {  	v10 =	vld [tilespmem:$0x12240]  }
0x26a: {  	v11 =	vld [tilespmem:$0x122E0]  }
0x26b: {  	v12 =	vld [tilespmem:$0x122A0]  }
0x26c: {  	v13 =	vld [tilespmem:$0x122D0]  }
0x26d: {  	vm1 =	veq.s32 v8, s0;
	vm0 =	veq.s32 v9, s0;
	v8 =	vld [tilespmem:$0x12250]  }
0x26e: {  	vm2 =	veq.s32 v10, s26;
	v9 =	vld [tilespmem:$0x12260]  }
0x26f: {  	v14 =	vld [tilespmem:$0x122B0];
	vm1 =	vmand vm2, vm1;
	vm2 =	veq.s32 v11, s0  }
0x270: {  	vm3 =	veq.s32 v12, s0;
	v11 =	vld [tilespmem:$0x12230];
	v10 =	vsel vm1, $0xFFFFFFFF, v10  }
0x271: {  	v12 =	vld [tilespmem:$0x12220];
	[tilespmem:$0x12240] =	vst v10;
	vm1 =	veq.s32 v13, s0  }
0x272: {  	v10 =	vld [tilespmem:$0x12200];
	vm4 =	veq.s32 v8, s26  }
0x273: {  	v13 =	vld [tilespmem:$0x12280];
	vm1 =	vmand vm4, vm1;
	vm4 =	veq.s32 v9, s26  }
0x274: {  	v15 =	vld [tilespmem:$0x12210];
	vm5 =	veq.s32 v14, s0;
	v8 =	vsel vm1, $0xFFFFFFFF, v8;
	vm1 =	vmand vm4, vm2  }
0x275: {  	vm2 =	veq.s32 v11, s26;
	[tilespmem:$0x12250] =	vst v8;
	v8 =	vsel vm1, $0xFFFFFFFF, v9  }
0x276: {  	vm1 =	veq.s32 v12, s26;
	vm2 =	vmand vm2, vm5;
	[tilespmem:$0x12260] =	vst v8  }
0x277: {  	vm4 =	veq.s32 v10, s26;
	vm1 =	vmand vm1, vm3;
	v8 =	vsel vm2, $0xFFFFFFFF, v11  }
0x278: {  	vm2 =	veq.s32 v13, s0;
	v9 =	vsel vm1, $0xFFFFFFFF, v12;
	[tilespmem:$0x12230] =	vst v8  }
0x279: {  	vm1 =	vmand vm4, vm2;
	vm2 =	veq.s32 v15, s26;
	[tilespmem:$0x12220] =	vst v9  }
0x27a: {  	v8 =	vsel vm1, $0xFFFFFFFF, v10;
	vm0 =	vmand vm2, vm0  }
0x27b: {  	v9 =	vld [tilespmem:$0x12280];
	[tilespmem:$0x12200] =	vst v8;
	v8 =	vsel vm0, $0xFFFFFFFF, v15  }
0x27c: {  	v10 =	vld [tilespmem:$0x12200];
	[tilespmem:$0x12210] =	vst v8  }
0x27d: {  	v8 =	vld [tilespmem:$0x12220];
	_ =	sdelay $0x1  }
0x27e: {  	v11 =	vld [tilespmem:$0x12290]  }
0x27f: {  	v12 =	vld [tilespmem:$0x12210]  }
0x280: {  	vm1 =	vlt.s32 v9, $0x40000000;
	vm0 =	veq.s32 v10, $0xFFFFFFFF  }
0x281: {  	vm2 =	vgt.s32 v10, $0xFFFFFFFF;
	vm0 =	vmand vm0, vm1  }
0x282: {  	vm0 =	vmor vm2, vm0  }
0x283: {  	v10 =	vnsel vm0, $0xFFFFFFFF, v10;
	v9 =	vnsel vm0, $0x40000000, v9;
	v13 =	vld [tilespmem:$0x122A0]  }
0x284: {  	vm0 =	veq.s32 v12, v10;
	vm1 =	vlt.s32 v11, v9  }
0x285: {  	vm2 =	vgt.s32 v12, v10;
	vm0 =	vmand vm0, vm1  }
0x286: {  	vm0 =	vmor vm2, vm0;
	v14 =	vld [tilespmem:$0x122B0]  }
0x287: {  	v10 =	vsel vm0, v12, v10;
	v9 =	vsel vm0, v11, v9;
	v11 =	vld [tilespmem:$0x12230]  }
0x288: {  	vm0 =	vgt.s32 v8, v10;
	vm1 =	veq.s32 v8, v10;
	vm2 =	vlt.s32 v13, v9  }
0x289: {  	vm1 =	vmand vm1, vm2  }
0x28a: {  	vm0 =	vmor vm0, vm1;
	v12 =	vld [tilespmem:$0x122C0]  }
0x28b: {  	v8 =	vsel vm0, v8, v10;
	v9 =	vsel vm0, v13, v9;
	v10 =	vld [tilespmem:$0x12240]  }
0x28c: {  	vm0 =	veq.s32 v11, v8;
	vm1 =	vlt.s32 v14, v9  }
0x28d: {  	vm2 =	vgt.s32 v11, v8;
	vm0 =	vmand vm0, vm1  }
0x28e: {  	vm0 =	vmor vm2, vm0;
	v13 =	vld [tilespmem:$0x122D0]  }
0x28f: {  	v8 =	vsel vm0, v11, v8;
	v9 =	vsel vm0, v14, v9;
	v11 =	vld [tilespmem:$0x12250]  }
0x290: {  	vm0 =	veq.s32 v10, v8;
	vm1 =	vlt.s32 v12, v9  }
0x291: {  	vm2 =	vgt.s32 v10, v8;
	vm0 =	vmand vm0, vm1  }
0x292: {  	vm0 =	vmor vm2, vm0;
	v14 =	vld [tilespmem:$0x122E0]  }
0x293: {  	v8 =	vsel vm0, v10, v8;
	v9 =	vsel vm0, v12, v9;
	v10 =	vld [tilespmem:$0x12260]  }
0x294: {  	vm0 =	veq.s32 v11, v8;
	vm1 =	vlt.s32 v13, v9  }
0x295: {  	vm2 =	vgt.s32 v11, v8;
	vm0 =	vmand vm0, vm1  }
0x296: {  	vm0 =	vmor vm2, vm0  }
0x297: {  	v8 =	vsel vm0, v11, v8;
	v9 =	vsel vm0, v13, v9  }
0x298: {  	vm0 =	veq.s32 v10, v8;
	vm1 =	vlt.s32 v14, v9  }
0x299: {  	vm2 =	vgt.s32 v10, v8;
	vm0 =	vmand vm0, vm1  }
0x29a: {  	vm0 =	vmor vm2, vm0  }
0x29b: {  	v10 =	vsel vm0, v10, v8;
	v9 =	vsel vm0, v14, v9  }
0x29c: {  	v8 =	vxor.u32 $0x80000000, v10  }
0x29d: {  	(xrf0) =	vmax.scan.msk.u32 $0xffff, v8;
	_ =	sdelay $0x5  }
0x29e: {  	v8, _, _ =	vpop (xrf0)  }
0x29f: {  	(v2sf) =	vpush v8, $0xF;
	_ =	sdelay $0xe  }
.Ltmp9:
0x2a0: {  	s0 =	spop (v2sf);
	(pc) =	sbr.rel @p0 .LBB2_19-.Ltmp9, $4  }
0x2a1: {  	s26 =	sxor.u32 $0x80000000, s0  }
0x2a2: {  	v9 =	vxor.u32 $0x80000000, v9;
	v8 =	vmov s26;
	vm0 =	veq.s32 v10, s26  }
0x2a3: {  	v9 =	vnsel vm0, $0xC0000000, v9  }
0x2a4: {  	(xrf0) =	vmin.scan.msk.u32 $0xffff, v9  }
0x2a5: {  	_ =	sdelay $0x4  }
0x2a6: {  	v9, _, _ =	vpop (xrf0)  }
0x2a7: {  	(v2sf) =	vpush v9, $0xF;
	_ =	sdelay $0xb  }
0x2a8: {  	v45 =	vmov s24;
	_ =	sdelay $0x2  }
0x2a9: {  	s0 =	spop (v2sf)  }
0x2aa: {  	s0 =	sxor.u32 $0x80000000, s0  }
0x2ab: {  	[tilespmem:v45+s20+$0x0] =	vst.idx.msk $0x1, v8;
	v8 =	vmov s0  }
0x2ac: {  	[tilespmem:v45+s21+$0x0] =	vst.idx.msk $0x1, v8  }
0x2ad: {  	v8 =	vld [tilespmem:$0x122C0]  }
0x2ae: {  	v9 =	vld [tilespmem:$0x12290]  }
0x2af: {  	v10 =	vld [tilespmem:$0x12240]  }
0x2b0: {  	v11 =	vld [tilespmem:$0x122E0]  }
0x2b1: {  	v12 =	vld [tilespmem:$0x122A0]  }
0x2b2: {  	v13 =	vld [tilespmem:$0x122D0]  }
0x2b3: {  	v14 =	vld [tilespmem:$0x12250]  }
0x2b4: {  	v15 =	vld [tilespmem:$0x12260]  }
0x2b5: {  	v16 =	vld [tilespmem:$0x122B0]  }
0x2b6: {  	v17 =	vld [tilespmem:$0x12230]  }
0x2b7: {  	v53 =	vld [tilespmem:$0x12300]  }
0x2b8: {  	v46 =	vld [tilespmem:$0x12200];
	vm1 =	veq.s32 v8, s0  }
0x2b9: {  	vm2 =	veq.s32 v10, s26;
	v8 =	vld [tilespmem:$0x12220];
	vm0 =	veq.s32 v9, s0;
	vm15 =	veq.s32 v11, s0  }
0x2ba: {  	v47 =	vld [tilespmem:$0x12280];
	vm3 =	veq.s32 v12, s0;
	vm8 =	veq.s32 v13, s0;
	vm4 =	veq.s32 v14, s26  }
0x2bb: {  	v48 =	vld [tilespmem:$0x12210];
	vm5 =	veq.s32 v15, s26;
	vm9 =	veq.s32 v16, s0;
	vm1 =	vmand vm2, vm1  }
0x2bc: {  	v51 =	vld [tilespmem:$0x12380];
	vm10 =	veq.s32 v17, s26;
	[tilespmem:$0x12400] =	vst v53;
	vm2 =	vmand vm5, vm15;
	v10 =	vsel vm1, $0xFFFFFFFF, v10  }
0x2bd: {  	vm12 =	veq.s32 v46, s26;
	vm1 =	vmand vm4, vm8;
	v50 =	vsel vm2, $0xFFFFFFFF, v15;
	[tilespmem:$0x12240] =	vst v10  }
0x2be: {  	v49 =	vsel vm1, $0xFFFFFFFF, v14;
	vm1 =	vmand vm10, vm9;
	[tilespmem:$0x12260] =	vst v50;
	vm11 =	veq.s32 v8, s26  }
0x2bf: {  	vm13 =	veq.s32 v47, s0;
	[tilespmem:$0x12250] =	vst v49;
	v52 =	vsel vm1, $0xFFFFFFFF, v17;
	vm2 =	vmand vm11, vm3  }
0x2c0: {  	vm14 =	veq.s32 v48, s26;
	vm1 =	vmand vm12, vm13;
	[tilespmem:$0x12230] =	vst v52;
	v8 =	vsel vm2, $0xFFFFFFFF, v8  }
0x2c1: {  	vm0 =	vmand vm14, vm0;
	[tilespmem:$0x12220] =	vst v8;
	v8 =	vsel vm1, $0xFFFFFFFF, v46  }
0x2c2: {  	[tilespmem:$0x12200] =	vst v8;
	v8 =	vsel vm0, $0xFFFFFFFF, v48  }
0x2c3: {  	[tilespmem:$0x12210] =	vst v8  }
0x2c4: {  	v8 =	vld.idx.msk [tilespmem:v51+s12+$0x0], $0xffff;
	_ =	sdelay $0x4  }
0x2c5: {  	[tilespmem:$0x12480] =	vst v8  }
0x2c6: {  	v8 =	vld.idx.msk [tilespmem:v51+s13+$0x0], $0xffff;
	_ =	sdelay $0x4  }
0x2c7: {  	[tilespmem:$0x12500] =	vst v8  }
0x2c8: {  	v8 =	vld.idx.msk [tilespmem:v51+s14+$0x0], $0xffff;
	_ =	sdelay $0x4  }
0x2c9: {  	[tilespmem:$0x12580] =	vst v8  }
0x2ca: {  	v8 =	vld.idx.msk [tilespmem:v51+s15+$0x0], $0xffff;
	_ =	sdelay $0x4  }
0x2cb: {  	[tilespmem:$0x12600] =	vst v8;
	v8 =	vld [tilespmem:$0x12390]  }
0x2cc: {  	v55 =	vld [tilespmem:$0x12310]  }
0x2cd: {  	v54 =	vld.idx.msk [tilespmem:v51+s16+$0x0], $0xffff;
	_ =	sdelay $0x3  }
0x2ce: {  	[tilespmem:$0x12410] =	vst v55  }
0x2cf: {  	[tilespmem:$0x12680] =	vst v54  }
0x2d0: {  	v9 =	vld.idx.msk [tilespmem:v8+s12+$0x0], $0xffff;
	_ =	sdelay $0x4  }
0x2d1: {  	[tilespmem:$0x12490] =	vst v9  }
0x2d2: {  	v9 =	vld.idx.msk [tilespmem:v8+s13+$0x0], $0xffff;
	_ =	sdelay $0x4  }
0x2d3: {  	[tilespmem:$0x12510] =	vst v9  }
0x2d4: {  	v9 =	vld.idx.msk [tilespmem:v8+s14+$0x0], $0xffff;
	_ =	sdelay $0x4  }
0x2d5: {  	[tilespmem:$0x12590] =	vst v9  }
0x2d6: {  	v9 =	vld.idx.msk [tilespmem:v8+s15+$0x0], $0xffff;
	_ =	sdelay $0x3  }
0x2d7: {  	v56 =	vld [tilespmem:$0x123A0]  }
0x2d8: {  	v57 =	vld [tilespmem:$0x12320];
	[tilespmem:$0x12610] =	vst v9  }
0x2d9: {  	v8 =	vld.idx.msk [tilespmem:v8+s16+$0x0], $0xffff;
	_ =	sdelay $0x3  }
0x2da: {  	[tilespmem:$0x12420] =	vst v57  }
0x2db: {  	[tilespmem:$0x12690] =	vst v8  }
0x2dc: {  	v8 =	vld.idx.msk [tilespmem:v56+s12+$0x0], $0xffff;
	_ =	sdelay $0x4  }
0x2dd: {  	[tilespmem:$0x124A0] =	vst v8  }
0x2de: {  	v8 =	vld.idx.msk [tilespmem:v56+s13+$0x0], $0xffff;
	_ =	sdelay $0x4  }
0x2df: {  	[tilespmem:$0x12520] =	vst v8  }
0x2e0: {  	v8 =	vld.idx.msk [tilespmem:v56+s14+$0x0], $0xffff;
	_ =	sdelay $0x4  }
0x2e1: {  	[tilespmem:$0x125A0] =	vst v8  }
0x2e2: {  	v8 =	vld.idx.msk [tilespmem:v56+s15+$0x0], $0xffff;
	_ =	sdelay $0x4  }
0x2e3: {  	[tilespmem:$0x12620] =	vst v8;
	v8 =	vld [tilespmem:$0x123B0]  }
0x2e4: {  	v58 =	vld [tilespmem:$0x12330]  }
0x2e5: {  	v9 =	vld.idx.msk [tilespmem:v56+s16+$0x0], $0xffff;
	_ =	sdelay $0x3  }
0x2e6: {  	[tilespmem:$0x12430] =	vst v58  }
0x2e7: {  	[tilespmem:$0x126A0] =	vst v9  }
0x2e8: {  	v9 =	vld.idx.msk [tilespmem:v8+s12+$0x0], $0xffff;
	_ =	sdelay $0x4  }
0x2e9: {  	[tilespmem:$0x124B0] =	vst v9  }
0x2ea: {  	v9 =	vld.idx.msk [tilespmem:v8+s13+$0x0], $0xffff;
	_ =	sdelay $0x4  }
0x2eb: {  	[tilespmem:$0x12530] =	vst v9  }
0x2ec: {  	v9 =	vld.idx.msk [tilespmem:v8+s14+$0x0], $0xffff;
	_ =	sdelay $0x4  }
0x2ed: {  	[tilespmem:$0x125B0] =	vst v9  }
0x2ee: {  	v9 =	vld.idx.msk [tilespmem:v8+s15+$0x0], $0xffff;
	_ =	sdelay $0x3  }
0x2ef: {  	v59 =	vld [tilespmem:$0x123C0]  }
0x2f0: {  	v60 =	vld [tilespmem:$0x12340];
	[tilespmem:$0x12630] =	vst v9  }
0x2f1: {  	v8 =	vld.idx.msk [tilespmem:v8+s16+$0x0], $0xffff;
	_ =	sdelay $0x3  }
0x2f2: {  	[tilespmem:$0x12440] =	vst v60  }
0x2f3: {  	[tilespmem:$0x126B0] =	vst v8  }
0x2f4: {  	v8 =	vld.idx.msk [tilespmem:v59+s12+$0x0], $0xffff;
	_ =	sdelay $0x4  }
0x2f5: {  	[tilespmem:$0x124C0] =	vst v8  }
0x2f6: {  	v8 =	vld.idx.msk [tilespmem:v59+s13+$0x0], $0xffff;
	_ =	sdelay $0x4  }
0x2f7: {  	[tilespmem:$0x12540] =	vst v8  }
0x2f8: {  	v8 =	vld.idx.msk [tilespmem:v59+s14+$0x0], $0xffff;
	_ =	sdelay $0x4  }
0x2f9: {  	[tilespmem:$0x125C0] =	vst v8  }
0x2fa: {  	v8 =	vld.idx.msk [tilespmem:v59+s15+$0x0], $0xffff;
	_ =	sdelay $0x4  }
0x2fb: {  	[tilespmem:$0x12640] =	vst v8;
	v8 =	vld [tilespmem:$0x123D0]  }
0x2fc: {  	v61 =	vld [tilespmem:$0x12350]  }
0x2fd: {  	v9 =	vld.idx.msk [tilespmem:v59+s16+$0x0], $0xffff;
	_ =	sdelay $0x3  }
0x2fe: {  	[tilespmem:$0x12450] =	vst v61  }
0x2ff: {  	[tilespmem:$0x126C0] =	vst v9  }
0x300: {  	v9 =	vld.idx.msk [tilespmem:v8+s12+$0x0], $0xffff;
	_ =	sdelay $0x4  }
0x301: {  	[tilespmem:$0x124D0] =	vst v9  }
0x302: {  	v9 =	vld.idx.msk [tilespmem:v8+s13+$0x0], $0xffff;
	_ =	sdelay $0x4  }
0x303: {  	[tilespmem:$0x12550] =	vst v9  }
0x304: {  	v9 =	vld.idx.msk [tilespmem:v8+s14+$0x0], $0xffff;
	_ =	sdelay $0x4  }
0x305: {  	[tilespmem:$0x125D0] =	vst v9  }
0x306: {  	v9 =	vld.idx.msk [tilespmem:v8+s15+$0x0], $0xffff;
	_ =	sdelay $0x1  }
0x307: {  	v62 =	vld [tilespmem:$0x123E0];
	_ =	sdelay $0x2  }
0x308: {  	v63 =	vld [tilespmem:$0x12360];
	[tilespmem:$0x12650] =	vst v9  }
0x309: {  	vm15 =	vmmov $0xf;
	v8 =	vld.idx.msk [tilespmem:v8+s16+$0x0], $0xffff  }
0x30a: {  	v10 =	vnsel vm15, $0x0, v62;
	_ =	sdelay $0x2  }
0x30b: {  	[tilespmem:$0x12460] =	vst v63  }
0x30c: {  	[tilespmem:$0x126D0] =	vst v8  }
0x30d: {  	v8 =	vld.idx.msk [tilespmem:v10+s12+$0x0], $0xffff;
	_ =	sdelay $0x4  }
0x30e: {  	[tilespmem:$0x124E0] =	vst v8  }
0x30f: {  	v8 =	vld.idx.msk [tilespmem:v10+s13+$0x0], $0xffff;
	_ =	sdelay $0x4  }
0x310: {  	[tilespmem:$0x12560] =	vst v8  }
0x311: {  	v8 =	vld.idx.msk [tilespmem:v10+s14+$0x0], $0xffff;
	_ =	sdelay $0x4  }
0x312: {  	[tilespmem:$0x125E0] =	vst v8  }
0x313: {  	v8 =	vld.idx.msk [tilespmem:v10+s15+$0x0], $0xffff;
	_ =	sdelay $0x4  }
0x314: {  	[tilespmem:$0x12660] =	vst v8  }
0x315: {  	v8 =	vld.idx.msk [tilespmem:v10+s16+$0x0], $0xffff;
	_ =	sdelay $0x2  }
0x316: {  	s23 =	sadd.s32 $0x1, s23  }
0x317: {  	s31 =	simm.s32 $0x0;
	p0 =	sne.s32 s23, s10  }
.Ltmp10:
0x318: {  	s1 =	rddreg [dreg:$0x7];
	s2 =	simm.s32 $0x12400;
	[tilespmem:$0x126E0] =	vst v8;
	(pc) =	sbr.rel @p0 .LBB2_2-.Ltmp10, $4  }
0x319: {  	[hbm4b:s1+s31] =	stream.linear.scatter [tilespmem:s2], [sflag:$0x1], $0x300, $0x38;
	[tilespmem:$0x12800] =	vst v63  }
0x31a: {  	_ =	swait.ge [sflag:s11], $0x300  }
0x31b: {  	[sflag:s11] =	ssyncset.done $0x0  }
0x31c: {  	[sflag:s11] =	ssyncadd.s32 $0xFFFFFD00  }
.LBB2_21:
0x31d: {  	_ =	sfence.sel $0x180000  }
0x31e: {  	[bflag:$0x0] =	sbarrier.arrive $0xFFFF  }
0x31f: {  	_ =	strace $0x9000004A  }
0x320: {  	s0 =	stileid.u32;
	[bflag:$0x2] =	sbarrier.arrive $0xFFFF  }
0x321: {  	p0 =	sne.s32 s0, $0x0;
	s0 =	rddreg [dreg:$0x1]  }
0x322: {  	s0 =	sadd.s32 @!p0 $0x100000, s0  }
0x323: {  	[sflag:s0] =	ssyncadd.tile.s32 @!p0 $0x1;
	_ =	shalt  }
.Lfunc_end2:
_tile_overlayer_lowered:
.L_overlay_start_2:
0x324: {  	(tag) =	ssettag $0x2  }
0x325: {  	s0 =	rddreg [dreg:$0x0];
	s2 =	stileid.u32  }
0x326: {  	s1 =	rddreg [dreg:$0x1];
	p0 =	sne.s32 s2, $0x0  }
0x327: {  	s3 =	rddreg [dreg:$0x2];
	[bflag:$0x3] =	sbarrier.arrive $0xFFFF;
	s2 =	simm.s32 @!p0 $0x1C01  }
0x328: {  	[timem:s3], [sflag:s2] =	dma.local @!p0 [hbm:s0], s1  }
0x329: {  	s0 =	simm.s32 @!p0 $0x1  }
0x32a: {  	_ =	swait.ge @!p0 [sflag:s0], s1  }
0x32b: {  	s1 =	ssub.s32 @!p0 $0x0, s1;
	[sflag:s0] =	ssyncset.done @!p0 $0x0  }
0x32c: {  	[sflag:s0] =	ssyncadd.s32 @!p0 s1  }
0x32d: {  	[bflag:$0x3] =	sbarrier.arrive $0xFFFF  }
0x32e: {  	_ =	shalt  }

// kernel: sparse-core-data-format-call.cloned.1.call-start
scs
called_computation_lowered:
.L_overlay_start_0:
0x0: {  	s1 =	sld [smem:$0x3FD9]  }
0x1: {  	s2 =	sld [smem:$0x3FFE];
	_ =	sdelay $0x1  }
0x2: {  	s3 =	srdreg.scid  }
0x3: {  	s0 =	sand.u32 $0x1, s3  }
0x4: {  	s17 =	sshll.u32 s0, $0xA;
	s1 =	sadd.s32 s2, s1  }
0x5: {  	s1 =	sadd.s32 s1, s17  }
0x6: {  	[smem:$0x3FC4] =	sst s1  }
0x7: {  	_ = 	snop  }
0x8: {  	(tm) =	ssettm $0x1  }
0x9: {  	s18 =	sld [smem:$0x3FFB];
	_ =	sdelay $0x3  }
0xa: {  	_ =	strace s18  }
0xb: {  	s1 =	sld [smem:$0x3FFC];
	_ =	sdelay $0x3  }
0xc: {  	_ =	strace s1  }
0xd: {  	s1 =	sld [smem:$0x3FFD];
	_ =	sdelay $0x3  }
0xe: {  	_ =	strace s1  }
0xf: {  	_ =	strace $0x8FFFFFFF  }
0x10: {  	s19 =	sld [smem:$0x3FDB];
	_ =	sdelay $0x1  }
0x11: {  	s20 =	simm.s32 $_scs_section_size  }
0x12: {  	s4 =	simm.s32 $_size__tile_overlayer_lowered;
	s5 =	simm.s32 $_tile_overlayer_lowered  }
0x13: {  	s23 =	simm.s32 $0x1BFF;
	s22 =	sshll.u32 s5, $0x1;
	s1 =	sadd.s32 s20, s19  }
0x14: {  	s6 =	simm.s32 $0x0;
	s21 =	sshll.u32 s4, $0x1;
	s4 =	sadd.s32 s22, s1  }
0x15: {  	[timem:s6], [sflag:s23] =	dma.local [hbm:s4], s21  }
0x16: {  	_ =	swait.ge [sflag:s23], s21  }
0x17: {  	s2 =	ssub.s32 $0x0, s21;
	[sflag:s23] =	ssyncset.done $0x0  }
0x18: {  	[sflag:s23] =	ssyncadd.s32 s2;
	_ =	sdelay $0x1  }
0x19: {  	s24 =	simm.s32 $0x1B8B  }
0x1a: {  	_ =	swait.ge [sflag:s24], $0x1  }
0x1b: {  	[sflag:s24] =	ssyncset.done $0x0  }
0x1c: {  	s26 =	simm.s32 $0x1B8E;
	s25 =	sld [smem:$0x3FFE];
	[sflag:s24] =	ssyncadd.s32 $0xFFFFFFFF  }
0x1d: {  	s27 =	simm.s32 $execute0_lowered;
	[smem:$0x3FD2] =	sst s26  }
0x1e: {  	s4 =	sshll.u32 s27, $0x1;
	_ =	strace $0x80000046;
	[dreg:$0x1] =	wrdreg $0xFFFFFFFF  }
0x1f: {  	s28 =	simm.s32 $_size_execute0_lowered;
	s1 =	sadd.s32 s1, s4;
	[dreg:$0x0] =	wrdreg $0x0  }
0x20: {  	s4 =	sshll.u32 s28, $0x1;
	[dreg:$0x2] =	wrdreg s1  }
0x21: {  	[dreg:$0x3] =	wrdreg s4  }
0x22: {  	[dreg:$0x4] =	wrdreg $0xC0  }
0x23: {  	_ =	task [dreg:s6], $0x5FFFF  }
0x24: {  	[dreg:$0x1] =	wrdreg $0xFFFFFFFF  }
0x25: {  	[dreg:$0x0] =	wrdreg $0x60  }
0x26: {  	[dreg:$0x2] =	wrdreg s25  }
0x27: {  	[dreg:$0x3] =	wrdreg $0x9  }
0x28: {  	_ =	task.clear_ibuf [dreg:s6], $0x4FFFF;
	_ =	strace $0x90000046  }
0x29: {  	s29 =	simm.s32 $0x9;
	_ =	strace $0x80000048  }
0x2a: {  	_ =	swait.ge [sflag:s29], $0x1  }
0x2b: {  	[sflag:s29] =	ssyncadd.s32 $0xFFFFFFFF  }
0x2c: {  	_ =	strace $0x90000048  }
0x2d: {  	_ =	sfence  }
0x2e: {  	s30 =	sld [smem:$0x0];
	_ =	sdelay $0x2  }
0x2f: {  	s31 =	sshll.u32 s3, $0xD;
	s3 =	sshrl.u32 s3, $0x2  }
0x30: {  	s2 =	sand.u32 $0x4000, s31;
	s1 =	sadd.s32 s3, s30  }
0x31: {  	s0 =	sor.u32 s2, s0;
	s1 =	sshll.u32 s1, $0x11  }
0x32: {  	s0 =	sor.u32 s1, s0  }
0x33: {  	s0 =	sadd.s32 $0x8F2B, s0  }
0x34: {  	[sflag:s0] =	ssyncadd.remote.s32 $0x1  }
0x35: {  	_ =	sfence.sel $0xFFFF  }
0x36: {  	[dreg:$0x0] =	wrdreg $0xFFFFFFFF;
	(pc) =	sbr.abs _section_cstart, $3  }
0x37: {  	[dreg:$0x1] =	wrdreg $0xFFFFFFFF  }
0x38: {  	_ =	task.clear_ibuf [dreg:s6], $0x2FFFF;
	_ =	strace $0x9FFFFFFF  }
0x39: {  	(tm) =	ssettm $0x7FFFFFFF  }
tec
execute0_lowered:
.L_overlay_start_1:
0x0: {  	(tag) =	ssettag $0x1  }
0x1: {  	s0 =	rddreg [dreg:$0x0];
	_ =	strace $0x80000047;
	s3 =	stileid.u32  }
0x2: {  	s23 =	srdreg.scid;
	s12 =	simm.s32 $0x1;
	s31 =	simm.s32 $0x2  }
0x3: {  	s28 =	simm.s32 $0x0;
	p0 =	por $0x0, $0x0;
	s22 =	simm.s32 $0x2000  }
0x4: {  	s21 =	simm.s32 $0x40;
	s1 =	sadd.s32 $0xC02200, s0;
	s4 =	sadd.s32 $0xC32200, s0  }
0x5: {  	s29 =	simm.s32 $0x0;
	s24 =	sadd.s32 $0xC62200, s0;
	s25 =	sadd.s32 $0xC92200, s0  }
0x6: {  	s30 =	simm.s32 $0x0;
	s26 =	sadd.s32 $0xCC2200, s0;
	s27 =	sadd.s32 $0xCF2200, s0  }
0x7: {  	s2 =	sadd.s32 $0x2200, s0;
	s10 =	sadd.s32 $0xD22200, s0;
	s11 =	sadd.s32 $0xD52200, s0  }
0x8: {  	s13 =	sadd.s32 $0xD82200, s0;
	s14 =	sadd.s32 $0xDB2200, s0;
	[dreg:$0x2] =	wrdreg s1  }
0x9: {  	[sflag:s12] =	ssyncpa.u1 $0x0;
	s15 =	sadd.s32 $0xDE2200, s0;
	[dreg:$0x3] =	wrdreg s4  }
0xa: {  	s16 =	sadd.s32 $0xE12200, s0;
	s17 =	sadd.s32 $0xE42200, s0;
	[dreg:$0x4] =	wrdreg s24  }
.Ltmp0:
0xb: {  	s18 =	sadd.s32 $0xE72200, s0;
	[dreg:$0x5] =	wrdreg s25;
	(pc) =	sbr.rel .LBB1_1-.Ltmp0, $4  }
0xc: {  	s19 =	sadd.s32 $0xEA2200, s0;
	s1 =	sshll.u32 s23, $0x4;
	[dreg:$0x6] =	wrdreg s26  }
0xd: {  	s20 =	sadd.s32 $0xED2200, s0;
	[dreg:$0x7] =	wrdreg s27;
	s1 =	sand.u32 $0x10, s1  }
0xe: {  	[sflag:s31] =	ssyncpa.u1 $0x0;
	s24 =	simm.s32 $0x0;
	s9 =	sor.u32 s3, s1  }
0xf: {  	s26 =	simm.s32 $0x0;
	s23 =	simm.s32 $0x0;
	s25 =	smov.u32 s9  }
.LBB1_7:
0x10: {  	s0 =	sadd.s32 $0x2, s24  }
0x11: {  	s1 =	sadd.s32 $0x20, s25;
	s3 =	smov.u32 s25;
	p2 =	sgt.s32 s0, $0x7  }
0x12: {  	s3 =	smov.u32 @p2 s1  }
0x13: {  	s1 =	simm.s32 $0x1;
	p3 =	sgt.s32 s3, $0x3F  }
0x14: {  	s1 =	simm.s32 @!p3 $0x0  }
0x15: {  	p1 =	slt.u32 s23, $0x2;
	s1 =	sadd.s32 s1, s26  }
0x16: {  	s23 =	sadd.s32 $0x1, s23;
	s0 =	simm.s32 @p2 $0x0;
	p2 =	sgt.s32 s1, $0x2  }
0x17: {  	s1 =	simm.s32 @p2 $0x0;
	p2 =	sne.s32 s23, $0x1A  }
.Ltmp1:
0x18: {  	_ = 	snop;
	(pc) =	sbr.rel @!p2 .LBB1_8-.Ltmp1, $4  }
0x19: {  	s28 =	smov.u32 s24;
	s29 =	smov.u32 s25;
	s4 =	simm.s32 @!p1 $0x2  }
0x1a: {  	s30 =	smov.u32 s26;
	p0 =	por !p0, !p0;
	_ =	swait.ge @!p1 [sflag:s4], $0x4000  }
0x1b: {  	[sflag:s4] =	ssyncset.done @!p1 $0x0;
	s24 =	smov.u32 s0;
	s3 =	smov.u32 @p3 s9  }
0x1c: {  	[sflag:s4] =	ssyncadd.s32 @!p1 $0xFFFFC000;
	s25 =	smov.u32 s3;
	s26 =	smov.u32 s1  }
.LBB1_1:
0x1d: {  	p1 =	sgt.u32 s23, $0x17  }
0x1e: {  	s0 =	sxor.u32 @!p1 $0xFFFFFFFF, s23;
	s1 =	sshll.u32 @!p1 s26, $0x16  }
0x1f: {  	s3 =	sshll.u32 @!p1 s25, $0x10;
	s0 =	sshll.u32 @!p1 s0, $0xE;
	s1 =	sadd.s32 @!p1 s2, s1  }
0x20: {  	s4 =	sshll.u32 @!p1 s24, $0xD;
	s0 =	sand.u32 @!p1 $0x4000, s0;
	s1 =	sadd.s32 @!p1 s3, s1  }
0x21: {  	s3 =	simm.s32 @!p1 $0x10;
	s1 =	sadd.s32 @!p1 s4, s1;
	s4 =	simm.s32 @!p1 $0x80  }
0x22: {  	[tilespmem:s0], [sflag:$0x1] =	stream.strided.gather @!p1 [hbm4b:s1+s3], $0x4000, s4, s3, $0x38;
	[tilespmem:$0x10200] =	vst v63  }
0x23: {  	p1 =	seq.s32 s23, $0x0  }
0x24: {  	p2 =	seq.s32 @!p1 s23, $0x19  }
0x25: {  	p1 =	por p1, p2  }
.Ltmp2:
0x26: {  	_ = 	snop;
	(pc) =	sbr.rel @p1 .LBB1_7-.Ltmp2, $1  }
0x27: {  	_ =	sdelay $0x3  }
0x28: {  	s0 =	simm.s32 $0x1;
	s3 =	sand.u32 $0x1, s23  }
0x29: {  	_ =	swait.ge [sflag:s12], $0x4000;
	s0 =	simm.s32 @!p0 $0x0;
	s3 =	smul.u32 $0x10400, s3  }
0x2a: {  	p2 =	por $0x1, $0x1;
	[sflag:s12] =	ssyncset.done $0x0;
	s1 =	smul.u32 $0x10400, s0  }
0x2b: {  	s4 =	sshll.u32 s0, $0x10;
	[sflag:s12] =	ssyncadd.s32 $0xFFFFC000;
	s27 =	sshrl.u32 s3, $0x2  }
0x2c: {  	s8 =	sshrl.u32 s4, $0x2;
	s3 =	simm.s32 $0x0;
	s7 =	sshrl.u32 s1, $0x2  }
0x2d: {  	s31 =	sor.u32 $0x8000, s27;
	s1 =	sadd.s32 $0x40, s8;
	s0 =	sor.u32 $0x8000, s7  }
.LBB1_3:
0x2e: {  	s4 =	sshll.u32 s3, $0xD  }
0x2f: {  	s4 =	sand.u32 $0x3FFFE000, s4  }
0x30: {  	s5 =	sadd.s32 s4, s1  }
0x31: {  	s8 =	smul.u32 $0x820, s3;
	v0 =	vld [tilespmem:s5+$0x30]  }
0x32: {  	v1 =	vld [tilespmem:s5+$0xFFFFFFD0]  }
0x33: {  	s3 =	sshra.s32 s8, $0x2;
	v5 =	vld [tilespmem:s5+$0xFFFFFFE0]  }
0x34: {  	s3 =	sadd.s32 s3, s0;
	v6 =	vld [tilespmem:s5+$0xFFFFFFF0]  }
0x35: {  	v2 =	vld [tilespmem:s5+$0x0];
	s4 =	sadd.s32 $0x0, s3  }
0x36: {  	v3 =	vld [tilespmem:s5+$0x10];
	[tilespmem:s4+$0x1C7 ss:$0x410] =	vst.msk $0xffff, v0  }
0x37: {  	v4 =	vld [tilespmem:s5+$0x20];
	[tilespmem:s4+$0x41 ss:$0x410] =	vst.msk $0xffff, v1  }
0x38: {  	v0 =	vld [tilespmem:s5+$0xFFFFFFC0];
	[tilespmem:s4+$0x82 ss:$0x410] =	vst.msk $0xffff, v5;
	s5 =	sadd.s32 $0x80, s5  }
0x39: {  	p1 =	por p2, p2;
	s6 =	simm.s32 $0x4;
	s7 =	simm.s32 $0x8;
	[tilespmem:s4+$0xC3 ss:$0x410] =	vst.msk $0xffff, v6;
	v1 =	vld [tilespmem:s5+$0x30]  }
.LBB1_4:
0x3a: {  	p2 =	sne.s32 s7, $0xFC;
	v5 =	vld [tilespmem:s5+$0xFFFFFFD0];
	[tilespmem:s4+$0x104 ss:$0x410] =	vst.msk $0xffff, v2  }
0x3b: {  	v6 =	vld [tilespmem:s5+$0xFFFFFFE0];
	[tilespmem:s4+$0x145 ss:$0x410] =	vst.msk $0xffff, v3  }
0x3c: {  	s8 =	sshra.s32 s6, $0x2;
	s6 =	smov.u32 s7;
	v7 =	vld [tilespmem:s5+$0xFFFFFFF0];
	[tilespmem:s4+$0x186 ss:$0x410] =	vst.msk $0xffff, v4  }
.Ltmp3:
0x3d: {  	v2 =	vld [tilespmem:s5+$0x0];
	[tilespmem:s4+$0x0 ss:$0x410] =	vst.msk $0xffff, v0;
	s4 =	sadd.s32 s8, s3;
	(pc) =	sbr.rel @p2 .LBB1_4-.Ltmp3, $4  }
0x3e: {  	v3 =	vld [tilespmem:s5+$0x10];
	[tilespmem:s4+$0x1C7 ss:$0x410] =	vst.msk $0xffff, v1  }
0x3f: {  	[tilespmem:s4+$0x41 ss:$0x410] =	vst.msk $0xffff, v5;
	v4 =	vld [tilespmem:s5+$0x20]  }
0x40: {  	v0 =	vld [tilespmem:s5+$0xFFFFFFC0];
	[tilespmem:s4+$0x82 ss:$0x410] =	vst.msk $0xffff, v6;
	s5 =	sadd.s32 $0x80, s5  }
0x41: {  	s7 =	sadd.s32 $0x4, s7;
	v1 =	vld [tilespmem:s5+$0x30];
	[tilespmem:s4+$0xC3 ss:$0x410] =	vst.msk $0xffff, v7  }
0x42: {  	v5 =	vld [tilespmem:s5+$0xFFFFFFD0];
	[tilespmem:s4+$0x104 ss:$0x410] =	vst.msk $0xffff, v2  }
0x43: {  	v58 =	vld [tilespmem:s5+$0xFFFFFFE0];
	[tilespmem:s4+$0x145 ss:$0x410] =	vst.msk $0xffff, v3  }
0x44: {  	s6 =	sshra.s32 s6, $0x2;
	v59 =	vld [tilespmem:s5+$0xFFFFFFF0];
	[tilespmem:s4+$0x186 ss:$0x410] =	vst.msk $0xffff, v4  }
0x45: {  	v60 =	vld [tilespmem:s5+$0x0];
	s3 =	sadd.s32 s6, s3;
	[tilespmem:s4+$0x0 ss:$0x410] =	vst.msk $0xffff, v0  }
0x46: {  	v61 =	vld [tilespmem:s5+$0x10];
	[tilespmem:s3+$0x1C7 ss:$0x410] =	vst.msk $0xffff, v1  }
0x47: {  	v62 =	vld [tilespmem:s5+$0x20];
	[tilespmem:s3+$0x41 ss:$0x410] =	vst.msk $0xffff, v5  }
0x48: {  	v63 =	vld [tilespmem:s5+$0xFFFFFFC0];
	[tilespmem:s3+$0x82 ss:$0x410] =	vst.msk $0xffff, v58  }
.Ltmp4:
0x49: {  	[tilespmem:s3+$0xC3 ss:$0x410] =	vst.msk $0xffff, v59;
	(pc) =	sbr.rel @p1 .LBB1_3-.Ltmp4, $4  }
0x4a: {  	[tilespmem:s3+$0x104 ss:$0x410] =	vst.msk $0xffff, v60  }
0x4b: {  	[tilespmem:s3+$0x145 ss:$0x410] =	vst.msk $0xffff, v61  }
0x4c: {  	[tilespmem:s3+$0x186 ss:$0x410] =	vst.msk $0xffff, v62  }
0x4d: {  	p2 =	por $0x0, $0x0;
	[tilespmem:s3+$0x0 ss:$0x410] =	vst.msk $0xffff, v63;
	s3 =	simm.s32 $0x1  }
0x4e: {  	s0 =	sshll.u32 s30, $0x10;
	s1 =	sshll.u32 s28, $0xD  }
0x4f: {  	s3 =	sshll.u32 s29, $0x4;
	s5 =	rddreg [dreg:$0x2];
	s4 =	sadd.s32 s0, s1  }
0x50: {  	s28 =	sand.u32 $0x3F0, s3;
	s3 =	sadd.s32 s5, s4  }
0x51: {  	s6 =	rddreg [dreg:$0x3];
	s3 =	sadd.s32 s28, s3  }
0x52: {  	[hbm4b:s3+s21] =	stream.strided.scatter [tilespmem:s31], [sflag:$0x2], $0x400, s22, s21, $0x18;
	[tilespmem:$0x10200] =	vst v63  }
0x53: {  	s3 =	sadd.s32 s0, s6  }
0x54: {  	s3 =	sadd.s32 s1, s3  }
0x55: {  	s7 =	sadd.s32 $0x8410, s27;
	s8 =	rddreg [dreg:$0x4];
	s3 =	sadd.s32 s28, s3  }
0x56: {  	[hbm4b:s3+s21] =	stream.strided.scatter [tilespmem:s7], [sflag:$0x2], $0x400, s22, s21, $0x18;
	[tilespmem:$0x10200] =	vst v63  }
0x57: {  	s3 =	sadd.s32 s0, s8  }
0x58: {  	s3 =	sadd.s32 s1, s3  }
0x59: {  	s29 =	sadd.s32 $0x8820, s27;
	s30 =	rddreg [dreg:$0x5];
	s3 =	sadd.s32 s28, s3  }
0x5a: {  	[hbm4b:s3+s21] =	stream.strided.scatter [tilespmem:s29], [sflag:$0x2], $0x400, s22, s21, $0x18;
	[tilespmem:$0x10200] =	vst v63  }
0x5b: {  	s3 =	sadd.s32 s0, s30  }
0x5c: {  	s3 =	sadd.s32 s1, s3  }
0x5d: {  	s4 =	rddreg [dreg:$0x6];
	s31 =	sadd.s32 $0x8C30, s27;
	s3 =	sadd.s32 s28, s3  }
0x5e: {  	[hbm4b:s3+s21] =	stream.strided.scatter [tilespmem:s31], [sflag:$0x2], $0x400, s22, s21, $0x18;
	[tilespmem:$0x10200] =	vst v63  }
0x5f: {  	s3 =	sadd.s32 s0, s4  }
0x60: {  	s3 =	sadd.s32 s1, s3  }
0x61: {  	s5 =	sadd.s32 $0x9040, s27;
	s6 =	rddreg [dreg:$0x7];
	s3 =	sadd.s32 s28, s3  }
0x62: {  	[hbm4b:s3+s21] =	stream.strided.scatter [tilespmem:s5], [sflag:$0x2], $0x400, s22, s21, $0x18;
	[tilespmem:$0x10200] =	vst v63  }
0x63: {  	s3 =	sadd.s32 s0, s6  }
0x64: {  	s3 =	sadd.s32 s1, s3  }
0x65: {  	s7 =	sadd.s32 $0x9450, s27;
	s8 =	sadd.s32 s0, s10;
	s3 =	sadd.s32 s28, s3  }
0x66: {  	[hbm4b:s3+s21] =	stream.strided.scatter [tilespmem:s7], [sflag:$0x2], $0x400, s22, s21, $0x18;
	[tilespmem:$0x10200] =	vst v63  }
0x67: {  	s3 =	sadd.s32 s1, s8  }
0x68: {  	s29 =	sadd.s32 $0x9860, s27;
	s30 =	sadd.s32 s0, s11;
	s3 =	sadd.s32 s28, s3  }
0x69: {  	[hbm4b:s3+s21] =	stream.strided.scatter [tilespmem:s29], [sflag:$0x2], $0x400, s22, s21, $0x18;
	[tilespmem:$0x10200] =	vst v63  }
0x6a: {  	s3 =	sadd.s32 s1, s30  }
0x6b: {  	s31 =	sadd.s32 $0x9C70, s27;
	s4 =	sadd.s32 s0, s13;
	s3 =	sadd.s32 s28, s3  }
0x6c: {  	[hbm4b:s3+s21] =	stream.strided.scatter [tilespmem:s31], [sflag:$0x2], $0x400, s22, s21, $0x18;
	[tilespmem:$0x10200] =	vst v63  }
0x6d: {  	s3 =	sadd.s32 s1, s4  }
0x6e: {  	s5 =	sadd.s32 $0xA080, s27;
	s6 =	sadd.s32 s0, s14;
	s3 =	sadd.s32 s28, s3  }
0x6f: {  	[hbm4b:s3+s21] =	stream.strided.scatter [tilespmem:s5], [sflag:$0x2], $0x400, s22, s21, $0x18;
	[tilespmem:$0x10200] =	vst v63  }
0x70: {  	s3 =	sadd.s32 s1, s6  }
0x71: {  	s7 =	sadd.s32 $0xA490, s27;
	s8 =	sadd.s32 s0, s15;
	s3 =	sadd.s32 s28, s3  }
0x72: {  	[hbm4b:s3+s21] =	stream.strided.scatter [tilespmem:s7], [sflag:$0x2], $0x400, s22, s21, $0x18;
	[tilespmem:$0x10200] =	vst v63  }
0x73: {  	s3 =	sadd.s32 s1, s8  }
0x74: {  	s29 =	sadd.s32 $0xA8A0, s27;
	s30 =	sadd.s32 s0, s16;
	s3 =	sadd.s32 s28, s3  }
0x75: {  	[hbm4b:s3+s21] =	stream.strided.scatter [tilespmem:s29], [sflag:$0x2], $0x400, s22, s21, $0x18;
	[tilespmem:$0x10200] =	vst v63  }
0x76: {  	s3 =	sadd.s32 s1, s30  }
0x77: {  	s31 =	sadd.s32 $0xACB0, s27;
	s5 =	sadd.s32 s0, s17;
	s3 =	sadd.s32 s28, s3  }
0x78: {  	[hbm4b:s3+s21] =	stream.strided.scatter [tilespmem:s31], [sflag:$0x2], $0x400, s22, s21, $0x18;
	[tilespmem:$0x10200] =	vst v63  }
0x79: {  	s3 =	sadd.s32 s1, s5  }
0x7a: {  	s6 =	sadd.s32 $0xB0C0, s27;
	s7 =	sadd.s32 s0, s18;
	s3 =	sadd.s32 s28, s3  }
0x7b: {  	[hbm4b:s3+s21] =	stream.strided.scatter [tilespmem:s6], [sflag:$0x2], $0x400, s22, s21, $0x18;
	[tilespmem:$0x10200] =	vst v63  }
0x7c: {  	s3 =	sadd.s32 s1, s7  }
0x7d: {  	s8 =	sadd.s32 $0xB4D0, s27;
	s29 =	sadd.s32 s0, s19;
	s3 =	sadd.s32 s28, s3  }
0x7e: {  	[hbm4b:s3+s21] =	stream.strided.scatter [tilespmem:s8], [sflag:$0x2], $0x400, s22, s21, $0x18;
	[tilespmem:$0x10200] =	vst v63  }
.Ltmp5:
0x7f: {  	s0 =	sadd.s32 s0, s20;
	s3 =	sadd.s32 s1, s29;
	(pc) =	sbr.rel .LBB1_7-.Ltmp5, $4  }
0x80: {  	s30 =	sadd.s32 $0xB8E0, s27;
	s0 =	sadd.s32 s1, s0;
	s3 =	sadd.s32 s28, s3  }
0x81: {  	[hbm4b:s3+s21] =	stream.strided.scatter [tilespmem:s30], [sflag:$0x2], $0x400, s22, s21, $0x18;
	[tilespmem:$0x10200] =	vst v63  }
0x82: {  	s31 =	sadd.s32 $0xBCF0, s27;
	s0 =	sadd.s32 s28, s0  }
0x83: {  	[hbm4b:s0+s21] =	stream.strided.scatter [tilespmem:s31], [sflag:$0x2], $0x400, s22, s21, $0x18;
	[tilespmem:$0x10200] =	vst v63  }
.LBB1_8:
0x84: {  	_ =	sfence.sel $0x180000  }
0x85: {  	s0 =	simm.s32 $0x1;
	[bflag:$0x0] =	sbarrier.arrive $0xFFFF  }
0x86: {  	s30 =	simm.s32 $0x2;
	[sflag:s0] =	ssyncpa.u1 $0x1  }
0x87: {  	[sflag:s30] =	ssyncpa.u1 $0x1  }
0x88: {  	_ =	strace $0x90000047  }
0x89: {  	s31 =	stileid.u32;
	[bflag:$0x2] =	sbarrier.arrive $0xFFFF  }
0x8a: {  	p0 =	sne.s32 s31, $0x0;
	s0 =	rddreg [dreg:$0x1]  }
0x8b: {  	s0 =	sadd.s32 @!p0 $0x100000, s0  }
0x8c: {  	[sflag:s0] =	ssyncadd.tile.s32 @!p0 $0x1;
	_ =	shalt  }
.Lfunc_end1:
_tile_overlayer_lowered:
.L_overlay_start_2:
0x8d: {  	(tag) =	ssettag $0x2  }
0x8e: {  	s0 =	rddreg [dreg:$0x0];
	s2 =	stileid.u32  }
0x8f: {  	s1 =	rddreg [dreg:$0x1];
	p0 =	sne.s32 s2, $0x0  }
0x90: {  	s3 =	rddreg [dreg:$0x2];
	[bflag:$0x3] =	sbarrier.arrive $0xFFFF;
	s2 =	simm.s32 @!p0 $0x1C01  }
0x91: {  	[timem:s3], [sflag:s2] =	dma.local @!p0 [hbm:s0], s1  }
0x92: {  	s0 =	simm.s32 @!p0 $0x1  }
0x93: {  	_ =	swait.ge @!p0 [sflag:s0], s1  }
0x94: {  	s1 =	ssub.s32 @!p0 $0x0, s1;
	[sflag:s0] =	ssyncset.done @!p0 $0x0  }
0x95: {  	[sflag:s0] =	ssyncadd.s32 @!p0 s1  }
0x96: {  	[bflag:$0x3] =	sbarrier.arrive $0xFFFF  }
0x97: {  	_ =	shalt  }

</sc_bundles>
